<compile_context>
chip_gen: v7x
topology: tpu7x:2x2x1
jax: 0.10.2.dev20260603
libtpu: 0.0.44.dev20260713+nightly
codegen_flags: <defaults>
</compile_context>

<pallas_src>
import functools

import jax
import jax.numpy as jnp
from jax import lax
from jax.experimental import pallas as pl
from jax.experimental.pallas import tpu as pltpu
from jax.experimental.pallas import tpu_sc as plsc

B = 2
N = 4096
CH = 256
HEADS = 8
NR = 2
PATCH = 256
DH = 96
PADW = 128
EXTW = 128
BS = B * HEADS
TBL = BS * N

SC_CORES = 2
SC_SUBCORES = 16
NW = SC_CORES * SC_SUBCORES
CHUNK = 128
TBLH = TBL // 2
ROWS_PER_W = TBLH // NW
NCHUNKS = ROWS_PER_W // CHUNK

BN = 1024
NB = N // BN
BNC = 1024
NBC = N // BNC
ATT_B = 8
ATT_ROWS = ATT_B * PATCH


@functools.cache
def _sc_mesh():
    return plsc.VectorSubcoreMesh(
        core_axis_name="c", subcore_axis_name="s",
        num_cores=SC_CORES, num_subcores=SC_SUBCORES)


def _qkv_body(x_ref, wq_ref, wk_ref, wv_ref, qk_ref, v_ref):
    x = x_ref[...]
    xb = x.astype(jnp.bfloat16)
    q = jnp.dot(xb, wq_ref[0], preferred_element_type=jnp.float32)
    k = jnp.dot(xb, wk_ref[0], preferred_element_type=jnp.float32)
    qu = lax.bitcast_convert_type(q.astype(jnp.bfloat16), jnp.uint16)
    ku = lax.bitcast_convert_type(k.astype(jnp.bfloat16), jnp.uint16)
    word = qu.astype(jnp.uint32) | (ku.astype(jnp.uint32) << 16)
    qk_ref[0] = lax.bitcast_convert_type(word, jnp.int32)
    v_ref[0] = jnp.dot(x, wv_ref[0], preferred_element_type=jnp.float32)


def _qkv_tables_b(inp_b, Wq3, Wk3, Wv3):
    wspec = pl.BlockSpec((1, CH, PADW), lambda nb, h: (h, 0, 0))
    return pl.pallas_call(
        _qkv_body,
        grid=(NB, HEADS),
        in_specs=[
            pl.BlockSpec((BN, CH), lambda nb, h: (nb, 0)),
            wspec, wspec, wspec,
        ],
        out_specs=[
            pl.BlockSpec((1, BN, PADW), lambda nb, h: (h, nb, 0)),
            pl.BlockSpec((1, BN, PADW), lambda nb, h: (h, nb, 0)),
        ],
        out_shape=[
            jax.ShapeDtypeStruct((HEADS, N, PADW), jnp.int32),
            jax.ShapeDtypeStruct((HEADS, N, PADW), jnp.float32),
        ],
    )(inp_b, Wq3, Wk3, Wv3)


@functools.cache
def _sc_gather_kernel():
    @functools.partial(
        pl.kernel,
        out_type=[
            jax.ShapeDtypeStruct((TBLH, PADW), jnp.int32),
            jax.ShapeDtypeStruct((TBLH, PADW), jnp.float32),
        ],
        mesh=_sc_mesh(),
        scratch_types=[
            pltpu.VMEM((CHUNK,), jnp.int32),
            pltpu.VMEM((CHUNK, PADW), jnp.int32),
            pltpu.VMEM((CHUNK, PADW), jnp.float32),
            pltpu.SemaphoreType.DMA,
        ],
        cost_estimate=pl.CostEstimate(
            flops=0, transcendentals=0,
            bytes_accessed=2 * TBLH * PADW * 8 + TBLH * 4),
    )
    def body(idx_hbm, qkt_hbm, vt_hbm, sqk_hbm, sv_hbm,
             idx_v, bqk, bv, sem):
        wid = lax.axis_index("s") * SC_CORES + lax.axis_index("c")

        def step(i, carry):
            base = wid * ROWS_PER_W + i * CHUNK
            pltpu.sync_copy(idx_hbm.at[pl.ds(base, CHUNK)], idx_v)
            cqk = pltpu.async_copy(qkt_hbm.at[idx_v], bqk, sem)
            cv = pltpu.async_copy(vt_hbm.at[idx_v], bv, sem)
            cqk.wait()
            cv.wait()
            pltpu.sync_copy(bqk, sqk_hbm.at[pl.ds(base, CHUNK)])
            pltpu.sync_copy(bv, sv_hbm.at[pl.ds(base, CHUNK)])
            return carry

        lax.fori_loop(0, NCHUNKS, step, 0)

    return body


def _attn_body(qk_ref, v_ref, o_ref):
    lane = lax.broadcasted_iota(jnp.int32, (PATCH, EXTW), 1)
    for t in range(ATT_B):
        sl = pl.ds(t * PATCH, PATCH)
        w = lax.bitcast_convert_type(qk_ref[sl, :], jnp.uint32)
        q = lax.bitcast_convert_type((w & 0xFFFF).astype(jnp.uint16),
                                     jnp.bfloat16)
        k = lax.bitcast_convert_type((w >> 16).astype(jnp.uint16),
                                     jnp.bfloat16)
        v = v_ref[sl, :]
        s = lax.dot_general(q, k, (((1,), (1,)), ((), ())),
                            preferred_element_type=jnp.float32)
        m = jnp.max(s, axis=-1, keepdims=True)
        e = jnp.exp(s - m)
        denom = jnp.sum(e, axis=-1, keepdims=True)
        lse = m + jnp.log(denom)
        o = lax.dot_general(e, v, (((1,), (0,)), ((), ())),
                            preferred_element_type=jnp.float32) / denom
        o_ref[sl, :] = o + jnp.where(lane == DH, lse, 0.0)


def _bucket_attention(sqk, sv):
    nblk = TBLH // ATT_ROWS
    return pl.pallas_call(
        _attn_body,
        grid=(nblk,),
        in_specs=[
            pl.BlockSpec((ATT_ROWS, PADW), lambda g: (g, 0)),
            pl.BlockSpec((ATT_ROWS, PADW), lambda g: (g, 0)),
        ],
        out_specs=pl.BlockSpec((ATT_ROWS, EXTW), lambda g: (g, 0)),
        out_shape=jax.ShapeDtypeStruct((TBLH, EXTW), jnp.float32),
    )(sqk, sv)


@functools.cache
def _sc_scatter_kernel():
    @functools.partial(
        pl.kernel,
        out_type=jax.ShapeDtypeStruct((TBLH, EXTW), jnp.float32),
        mesh=_sc_mesh(),
        scratch_types=[
            pltpu.VMEM((CHUNK,), jnp.int32),
            pltpu.VMEM((CHUNK, EXTW), jnp.float32),
            pltpu.SemaphoreType.DMA,
        ],
        cost_estimate=pl.CostEstimate(
            flops=0, transcendentals=0,
            bytes_accessed=2 * TBLH * EXTW * 4 + TBLH * 4),
    )
    def body(idx_hbm, src_hbm, out_hbm, idx_v, buf, sem):
        wid = lax.axis_index("s") * SC_CORES + lax.axis_index("c")

        def step(i, carry):
            base = wid * ROWS_PER_W + i * CHUNK
            pltpu.sync_copy(idx_hbm.at[pl.ds(base, CHUNK)], idx_v)
            pltpu.sync_copy(src_hbm.at[pl.ds(base, CHUNK)], buf)
            pltpu.async_copy(buf, out_hbm.at[idx_v], sem).wait()
            return carry

        lax.fori_loop(0, NCHUNKS, step, 0)

    return body


def _combine_body(e0_ref, e1_ref, w_ref, o_ref):
    h = pl.program_id(1)
    e0 = e0_ref[0]
    e1 = e1_ref[0]
    lane = lax.broadcasted_iota(jnp.int32, (BNC, EXTW), 1)
    msk = jnp.where(lane == DH, 1.0, 0.0)
    l0 = jnp.sum(e0 * msk, axis=1, keepdims=True)
    l1 = jnp.sum(e1 * msk, axis=1, keepdims=True)
    m = jnp.maximum(l0, l1)
    a0 = jnp.exp(l0 - m)
    a1 = jnp.exp(l1 - m)
    inv = 1.0 / (a0 + a1)
    comb = e0 * (a0 * inv) + e1 * (a1 * inv)
    acc = jnp.dot(comb, w_ref[0], preferred_element_type=jnp.float32)

    @pl.when(h == 0)
    def _():
        o_ref[...] = acc

    @pl.when(h > 0)
    def _():
        o_ref[...] += acc


def _combine_half(e0, e1, Wout_pad):
    espec = pl.BlockSpec((1, BNC, EXTW), lambda nb, h: (h, nb, 0))
    return pl.pallas_call(
        _combine_body,
        grid=(NBC, HEADS),
        in_specs=[
            espec, espec,
            pl.BlockSpec((1, EXTW, CH), lambda nb, h: (h, 0, 0)),
        ],
        out_specs=pl.BlockSpec((BNC, CH), lambda nb, h: (nb, 0)),
        out_shape=jax.ShapeDtypeStruct((N, CH), jnp.float32),
    )(e0.reshape(HEADS, N, EXTW), e1.reshape(HEADS, N, EXTW), Wout_pad)


def kernel(input, Wq, Wk, Wv, Wout, alpha, beta):
    inp = input
    e_h = CH // HEADS
    x_hash = inp.reshape(B, N, HEADS, e_h).transpose(0, 2, 1, 3).reshape(BS, N, e_h)
    x_norms = jnp.linalg.norm(x_hash, axis=-1, keepdims=True)
    MX = jnp.max(x_norms, axis=-2, keepdims=True)
    ext = jnp.sqrt(jnp.maximum(MX ** 2 - x_norms ** 2, 0.0))
    Xs = jnp.concatenate([x_hash, ext, jnp.zeros_like(ext)], axis=-1)
    proj = (Xs @ alpha + beta) / 1.0
    x_hashed = jnp.transpose(proj, (2, 0, 1))

    pos_all = jnp.argsort(x_hashed.reshape(NR * BS, N), axis=-1).astype(jnp.int32)
    pos = pos_all.reshape(NR, B, HEADS, N)

    def _w3(W):
        W3 = W.reshape(CH, HEADS, DH).transpose(1, 0, 2)
        return jnp.concatenate(
            [W3, jnp.zeros((HEADS, CH, PADW - DH), W.dtype)], axis=2)
    wq3 = _w3(Wq).astype(jnp.bfloat16)
    wk3 = _w3(Wk).astype(jnp.bfloat16)
    wv3 = _w3(Wv)

    idx_off = (jnp.arange(HEADS, dtype=jnp.int32) * N)[:, None]
    gather = _sc_gather_kernel()
    scatter = _sc_scatter_kernel()

    tables = []
    e_halves = [[None] * B for _ in range(NR)]
    for b in range(B):
        qkt_b, vt_b = _qkv_tables_b(inp[b], wq3, wk3, wv3)
        tables.append((qkt_b.reshape(TBLH, PADW), vt_b.reshape(TBLH, PADW)))
        for r in range(NR):
            idx = (pos[r][b] + idx_off).reshape(-1)
            sqk, sv = gather(idx, tables[b][0], tables[b][1])
            bo = _bucket_attention(sqk, sv)
            e_halves[r][b] = scatter(idx, bo)

    Wout_pad = jnp.concatenate(
        [Wout.reshape(HEADS, DH, CH),
         jnp.zeros((HEADS, EXTW - DH, CH), Wout.dtype)], axis=1)
    outs = [_combine_half(e_halves[0][b], e_halves[1][b], Wout_pad)
            for b in range(B)]
    return jnp.stack(outs, axis=0)

# --- scband reference (transcript-rebuilt; emitter-appended) ---
"""Pipeline reference for scband-sah-msa-1382979470200 (READ-ONLY COPY).

The authoritative reference and input builder live on the scoring server;
editing this copy changes nothing except your own understanding.
"""

import jax, jax.numpy as jnp
import numpy as np

B, N, CH = 2, 4096, 256
HEADS = 8
N_ROUNDS = 2
PATCH = 256  # patch_size[0] * patch_size[1] = 16*16
R = 1.0
INNER = CH * 3


def setup_inputs(seed: int = 0) -> dict:
    key = jax.random.key(seed)
    ks = jax.random.split(key, 7)
    dim_h = CH // HEADS
    return {
        "input": jax.random.normal(ks[0], (B, N, CH), dtype=jnp.float32),
        "Wq": jax.random.normal(ks[1], (CH, INNER), dtype=jnp.float32) * 0.02,
        "Wk": jax.random.normal(ks[2], (CH, INNER), dtype=jnp.float32) * 0.02,
        "Wv": jax.random.normal(ks[3], (CH, INNER), dtype=jnp.float32) * 0.02,
        "Wout": jax.random.normal(ks[4], (INNER, CH), dtype=jnp.float32) * 0.02,
        "alpha": jax.random.normal(ks[5], (dim_h + 2, N_ROUNDS), dtype=jnp.float32),
        "beta": jax.random.uniform(ks[6], (1, N_ROUNDS), dtype=jnp.float32, minval=0.0, maxval=R),
    }


def _forward(inp, Wq, Wk, Wv, Wout, alpha, beta):
    Bb, Nn, C_inp = inp.shape
    bs = Bb * HEADS
    query = inp @ Wq
    key_ = inp @ Wk
    value = inp @ Wv
    # hashing features: rearrange 'b t h e -> (b h) t e'
    e = C_inp // HEADS
    x_hash = inp.reshape(Bb, Nn, HEADS, e).transpose(0, 2, 1, 3).reshape(bs, Nn, e)
    # XBOXPLUS asymmetric transform
    x_norms = jnp.linalg.norm(x_hash, axis=-1, keepdims=True)
    MX = jnp.max(x_norms, axis=-2, keepdims=True)
    ext = jnp.sqrt(jnp.maximum(MX ** 2 - x_norms ** 2, 0.0))
    zero = jnp.zeros(x_hash.shape[:-1] + (1,), dtype=x_hash.dtype)
    Xs = jnp.concatenate([x_hash, ext, zero], axis=-1)
    # SALSH projection + argsort clustering (no-grad in torch)
    proj = (Xs @ alpha + beta) / R
    x_hashed = jnp.transpose(proj, (2, 0, 1))  # [n_rounds, bs, N]
    x_positions = jax.lax.stop_gradient(jnp.argsort(x_hashed, axis=-1))
    C = query.shape[-1]
    dim = C // HEADS
    q = query.reshape(Bb, Nn, HEADS, dim).transpose(0, 2, 1, 3).reshape(bs, Nn, dim)
    k = key_.reshape(Bb, Nn, HEADS, dim).transpose(0, 2, 1, 3).reshape(bs, Nn, dim)
    v = value.reshape(Bb, Nn, HEADS, dim).transpose(0, 2, 1, 3).reshape(bs, Nn, dim)
    x_rev_positions = jnp.argsort(x_positions, axis=-1)
    x_offset = jnp.arange(bs)[:, None] * Nn
    x_flat = (x_positions + x_offset).reshape(-1)
    s_queries = jnp.take(q.reshape(-1, dim), x_flat, axis=0).reshape(-1, PATCH, dim)
    s_keys = jnp.take(k.reshape(-1, dim), x_flat, axis=0).reshape(-1, PATCH, dim)
    s_values = jnp.take(v.reshape(-1, dim), x_flat, axis=0).reshape(-1, PATCH, dim)
    inner = jnp.einsum('bqd,bkd->bqk', s_queries, s_keys)
    lse = jax.scipy.special.logsumexp(inner, axis=-1, keepdims=True)
    dots = jnp.exp(inner - lse)
    bo = jnp.einsum('bqk,bkd->bqd', dots, s_values).reshape(N_ROUNDS, bs, Nn, dim)
    x_offset2 = jnp.arange(bs * N_ROUNDS)[:, None] * Nn
    x_rev_flat = (x_rev_positions.reshape(-1, Nn) + x_offset2).reshape(-1)
    o = jnp.take(bo.reshape(-1, dim), x_rev_flat, axis=0).reshape(N_ROUNDS, bs, Nn, dim)
    slogits = lse.reshape(N_ROUNDS, bs, -1)
    logits = jnp.take_along_axis(slogits, x_rev_positions, axis=2)
    probs = jnp.exp(logits - jax.scipy.special.logsumexp(logits, axis=0, keepdims=True))
    out = jnp.sum(o * probs[..., None], axis=0)  # [(b h), t, d]
    out = out.reshape(Bb, HEADS, Nn, dim).transpose(0, 2, 1, 3).reshape(Bb, Nn, HEADS * dim)
    return out @ Wout


def reference(input, Wq, Wk, Wv, Wout, alpha, beta):
    return _forward(input, Wq, Wk, Wv, Wout, alpha, beta)

if __name__ == "__main__":
    import jax
    _d = setup_inputs()
    print(jax.jit(kernel)(*tuple(_d.values())))

</pallas_src>

<mosaic_0001>
#map = affine_map<(d0, d1) -> (0)>
#map1 = affine_map<(d0, d1) -> (0, 0)>
module attributes {stable_mosaic.version = 14 : i64} {
  func.func @body(%arg0: i32, %arg1: i32, %arg2: memref<32768xi32, #tpu.memory_space<hbm>>, %arg3: memref<32768x128xi32, #tpu.memory_space<hbm>>, %arg4: memref<32768x128xf32, #tpu.memory_space<hbm>>, %arg5: memref<32768x128xi32, #tpu.memory_space<hbm>>, %arg6: memref<32768x128xf32, #tpu.memory_space<hbm>>, %arg7: memref<128xi32, #tpu.memory_space<vmem>>, %arg8: memref<128x128xi32, #tpu.memory_space<vmem>>, %arg9: memref<128x128xf32, #tpu.memory_space<vmem>>, %arg10: memref<!tpu.dma_semaphore, #tpu.memory_space<semaphore_mem>>) attributes {dimension_semantics = [#tpu.dimension_semantics<core_parallel>, #tpu.dimension_semantics<subcore_parallel>], iteration_bounds = array<i64: 2, 16>, scalar_prefetch = 0 : i64, scratch_operands = 4 : i64, tpu.core_type = #tpu.core_type<sc_vector_subcore>, window_params = [{transform_indices = #map}, {transform_indices = #map1}, {transform_indices = #map1}, {transform_indices = #map1}, {transform_indices = #map1}]} {
    %mul3A = arith.constant 2 : i32
    %mul3A_0 = arith.muli %arg1, %mul3A : i32
    %add3A = arith.addi %mul3A_0, %arg0 : i32
    %scan3A = arith.constant 0 : i32
    %scan3A_1 = arith.constant 0 : i32
    %scan3A_2 = arith.constant 8 : i32
    %scan3A_3 = arith.addi %scan3A_1, %scan3A_2 : i32
    %scan3A_4 = arith.constant 1 : i32
    scf.for %scan3A_6 = %scan3A_1 to %scan3A_3 step %scan3A_4  : i32 {
      %mul3A_7 = arith.constant 1024 : i32
      %mul3A_8 = arith.muli %add3A, %mul3A_7 : i32
      %mul3A_9 = arith.constant 128 : i32
      %mul3A_10 = arith.muli %scan3A_6, %mul3A_9 : i32
      %add3A_11 = arith.addi %mul3A_8, %mul3A_10 : i32
      "tpu.region"() ({
        %run_scoped3A = tpu.sem_alloc : memref<!tpu.dma_semaphore, #tpu.memory_space<semaphore_mem>>
        %dma_start3A_22 = tpu.memref_slice %arg2[%add3A_11] : memref<32768xi32, #tpu.memory_space<hbm>> -> memref<128xi32, #tpu.memory_space<hbm>>
        %dma_start3A_23 = tpu.memref_slice %arg2[%add3A_11] : memref<32768xi32, #tpu.memory_space<hbm>> -> memref<128xi32, #tpu.memory_space<hbm>>
        tpu.enqueue_dma source(%dma_start3A_23 : memref<128xi32, #tpu.memory_space<hbm>>) target(%arg7 : memref<128xi32, #tpu.memory_space<vmem>>) target_semaphore(%run_scoped3A : memref<!tpu.dma_semaphore, #tpu.memory_space<semaphore_mem>>)
        %dma_wait3A_24 = tpu.memref_slice %arg2[%add3A_11] : memref<32768xi32, #tpu.memory_space<hbm>> -> memref<128xi32, #tpu.memory_space<hbm>>
        %dma_wait3A_25 = tpu.memref_slice %arg2[%add3A_11] : memref<32768xi32, #tpu.memory_space<hbm>> -> memref<128xi32, #tpu.memory_space<hbm>>
        tpu.wait_dma2 semaphore(%run_scoped3A : memref<!tpu.dma_semaphore, #tpu.memory_space<semaphore_mem>>) src(%dma_wait3A_25 : memref<128xi32, #tpu.memory_space<hbm>>) dst(%arg7 : memref<128xi32, #tpu.memory_space<vmem>>)
        tpu.yield
      }) : () -> ()
      %dma_start3A = arith.constant 0 : i32
      %dma_start3A_12 = arith.constant 0 : i32
      %dma_start3A_13 = tpu.memref_slice %arg3[%dma_start3A, %dma_start3A_12] : memref<32768x128xi32, #tpu.memory_space<hbm>> -> memref<32768x128xi32, #tpu.memory_space<hbm>>
      tpu.enqueue_indirect_dma source(%dma_start3A_13 : memref<32768x128xi32, #tpu.memory_space<hbm>>) target(%arg8 : memref<128x128xi32, #tpu.memory_space<vmem>>) offsets(%arg7 : memref<128xi32, #tpu.memory_space<vmem>>) semaphore(%arg10 : memref<!tpu.dma_semaphore, #tpu.memory_space<semaphore_mem>>)
      %dma_start3A_14 = arith.constant 0 : i32
      %dma_start3A_15 = arith.constant 0 : i32
      %dma_start3A_16 = tpu.memref_slice %arg4[%dma_start3A_14, %dma_start3A_15] : memref<32768x128xf32, #tpu.memory_space<hbm>> -> memref<32768x128xf32, #tpu.memory_space<hbm>>
      tpu.enqueue_indirect_dma source(%dma_start3A_16 : memref<32768x128xf32, #tpu.memory_space<hbm>>) target(%arg9 : memref<128x128xf32, #tpu.memory_space<vmem>>) offsets(%arg7 : memref<128xi32, #tpu.memory_space<vmem>>) semaphore(%arg10 : memref<!tpu.dma_semaphore, #tpu.memory_space<semaphore_mem>>)
      %dma_wait3A = arith.constant 0 : i32
      %dma_wait3A_17 = arith.constant 0 : i32
      %dma_wait3A_18 = tpu.memref_slice %arg3[%dma_wait3A, %dma_wait3A_17] : memref<32768x128xi32, #tpu.memory_space<hbm>> -> memref<32768x128xi32, #tpu.memory_space<hbm>>
      tpu.wait_indirect_dma semaphore(%arg10 : memref<!tpu.dma_semaphore, #tpu.memory_space<semaphore_mem>>) src(%dma_wait3A_18 : memref<32768x128xi32, #tpu.memory_space<hbm>>) dst(%arg8 : memref<128x128xi32, #tpu.memory_space<vmem>>)
      %dma_wait3A_19 = arith.constant 0 : i32
      %dma_wait3A_20 = arith.constant 0 : i32
      %dma_wait3A_21 = tpu.memref_slice %arg4[%dma_wait3A_19, %dma_wait3A_20] : memref<32768x128xf32, #tpu.memory_space<hbm>> -> memref<32768x128xf32, #tpu.memory_space<hbm>>
      tpu.wait_indirect_dma semaphore(%arg10 : memref<!tpu.dma_semaphore, #tpu.memory_space<semaphore_mem>>) src(%dma_wait3A_21 : memref<32768x128xf32, #tpu.memory_space<hbm>>) dst(%arg9 : memref<128x128xf32, #tpu.memory_space<vmem>>)
      "tpu.region"() ({
        %run_scoped3A = tpu.sem_alloc : memref<!tpu.dma_semaphore, #tpu.memory_space<semaphore_mem>>
        %dma_start3A_22 = arith.constant 0 : i32
        %dma_start3A_23 = tpu.memref_slice %arg5[%add3A_11, %dma_start3A_22] : memref<32768x128xi32, #tpu.memory_space<hbm>> -> memref<128x128xi32, #tpu.memory_space<hbm>>
        %dma_start3A_24 = arith.constant 0 : i32
        %dma_start3A_25 = tpu.memref_slice %arg5[%add3A_11, %dma_start3A_24] : memref<32768x128xi32, #tpu.memory_space<hbm>> -> memref<128x128xi32, #tpu.memory_space<hbm>>
        tpu.enqueue_dma source(%arg8 : memref<128x128xi32, #tpu.memory_space<vmem>>) target(%dma_start3A_25 : memref<128x128xi32, #tpu.memory_space<hbm>>) target_semaphore(%run_scoped3A : memref<!tpu.dma_semaphore, #tpu.memory_space<semaphore_mem>>)
        %dma_wait3A_26 = arith.constant 0 : i32
        %dma_wait3A_27 = tpu.memref_slice %arg5[%add3A_11, %dma_wait3A_26] : memref<32768x128xi32, #tpu.memory_space<hbm>> -> memref<128x128xi32, #tpu.memory_space<hbm>>
        %dma_wait3A_28 = arith.constant 0 : i32
        %dma_wait3A_29 = tpu.memref_slice %arg5[%add3A_11, %dma_wait3A_28] : memref<32768x128xi32, #tpu.memory_space<hbm>> -> memref<128x128xi32, #tpu.memory_space<hbm>>
        tpu.wait_dma2 semaphore(%run_scoped3A : memref<!tpu.dma_semaphore, #tpu.memory_space<semaphore_mem>>) src(%arg8 : memref<128x128xi32, #tpu.memory_space<vmem>>) dst(%dma_wait3A_29 : memref<128x128xi32, #tpu.memory_space<hbm>>)
        tpu.yield
      }) : () -> ()
      "tpu.region"() ({
        %run_scoped3A = tpu.sem_alloc : memref<!tpu.dma_semaphore, #tpu.memory_space<semaphore_mem>>
        %dma_start3A_22 = arith.constant 0 : i32
        %dma_start3A_23 = tpu.memref_slice %arg6[%add3A_11, %dma_start3A_22] : memref<32768x128xf32, #tpu.memory_space<hbm>> -> memref<128x128xf32, #tpu.memory_space<hbm>>
        %dma_start3A_24 = arith.constant 0 : i32
        %dma_start3A_25 = tpu.memref_slice %arg6[%add3A_11, %dma_start3A_24] : memref<32768x128xf32, #tpu.memory_space<hbm>> -> memref<128x128xf32, #tpu.memory_space<hbm>>
        tpu.enqueue_dma source(%arg9 : memref<128x128xf32, #tpu.memory_space<vmem>>) target(%dma_start3A_25 : memref<128x128xf32, #tpu.memory_space<hbm>>) target_semaphore(%run_scoped3A : memref<!tpu.dma_semaphore, #tpu.memory_space<semaphore_mem>>)
        %dma_wait3A_26 = arith.constant 0 : i32
        %dma_wait3A_27 = tpu.memref_slice %arg6[%add3A_11, %dma_wait3A_26] : memref<32768x128xf32, #tpu.memory_space<hbm>> -> memref<128x128xf32, #tpu.memory_space<hbm>>
        %dma_wait3A_28 = arith.constant 0 : i32
        %dma_wait3A_29 = tpu.memref_slice %arg6[%add3A_11, %dma_wait3A_28] : memref<32768x128xf32, #tpu.memory_space<hbm>> -> memref<128x128xf32, #tpu.memory_space<hbm>>
        tpu.wait_dma2 semaphore(%run_scoped3A : memref<!tpu.dma_semaphore, #tpu.memory_space<semaphore_mem>>) src(%arg9 : memref<128x128xf32, #tpu.memory_space<vmem>>) dst(%dma_wait3A_29 : memref<128x128xf32, #tpu.memory_space<hbm>>)
        tpu.yield
      }) : () -> ()
    }
    %scan3A_5 = arith.constant 8 : i32
    return
  }
}

#map = affine_map<(d0, d1) -> (0)>
#map1 = affine_map<(d0, d1) -> (0, 0)>
module attributes {stable_mosaic.version = 14 : i64} {
  func.func @body(%arg0: i32, %arg1: i32, %arg2: memref<32768xi32, #tpu.memory_space<hbm>>, %arg3: memref<32768x128xi32, #tpu.memory_space<hbm>>, %arg4: memref<32768x128xf32, #tpu.memory_space<hbm>>, %arg5: memref<32768x128xi32, #tpu.memory_space<hbm>>, %arg6: memref<32768x128xf32, #tpu.memory_space<hbm>>, %arg7: memref<128xi32, #tpu.memory_space<vmem>>, %arg8: memref<128x128xi32, #tpu.memory_space<vmem>>, %arg9: memref<128x128xf32, #tpu.memory_space<vmem>>, %arg10: memref<!tpu.dma_semaphore, #tpu.memory_space<semaphore_mem>>) attributes {dimension_semantics = [#tpu.dimension_semantics<core_parallel>, #tpu.dimension_semantics<subcore_parallel>], iteration_bounds = array<i64: 2, 16>, scalar_prefetch = 0 : i64, scratch_operands = 4 : i64, tpu.core_type = #tpu.core_type<sc_vector_subcore>, window_params = [{transform_indices = #map}, {transform_indices = #map1}, {transform_indices = #map1}, {transform_indices = #map1}, {transform_indices = #map1}]} {
    %mul3A = arith.constant 2 : i32
    %mul3A_0 = arith.muli %arg1, %mul3A : i32
    %add3A = arith.addi %mul3A_0, %arg0 : i32
    %scan3A = arith.constant 0 : i32
    %scan3A_1 = arith.constant 0 : i32
    %scan3A_2 = arith.constant 8 : i32
    %scan3A_3 = arith.addi %scan3A_1, %scan3A_2 : i32
    %scan3A_4 = arith.constant 1 : i32
    scf.for %scan3A_6 = %scan3A_1 to %scan3A_3 step %scan3A_4  : i32 {
      %mul3A_7 = arith.constant 1024 : i32
      %mul3A_8 = arith.muli %add3A, %mul3A_7 : i32
      %mul3A_9 = arith.constant 128 : i32
      %mul3A_10 = arith.muli %scan3A_6, %mul3A_9 : i32
      %add3A_11 = arith.addi %mul3A_8, %mul3A_10 : i32
      "tpu.region"() ({
        %run_scoped3A = tpu.sem_alloc : memref<!tpu.dma_semaphore, #tpu.memory_space<semaphore_mem>>
        %dma_start3A_22 = tpu.memref_slice %arg2[%add3A_11] : memref<32768xi32, #tpu.memory_space<hbm>> -> memref<128xi32, #tpu.memory_space<hbm>>
        %dma_start3A_23 = tpu.memref_slice %arg2[%add3A_11] : memref<32768xi32, #tpu.memory_space<hbm>> -> memref<128xi32, #tpu.memory_space<hbm>>
        tpu.enqueue_dma source(%dma_start3A_23 : memref<128xi32, #tpu.memory_space<hbm>>) target(%arg7 : memref<128xi32, #tpu.memory_space<vmem>>) target_semaphore(%run_scoped3A : memref<!tpu.dma_semaphore, #tpu.memory_space<semaphore_mem>>)
        %dma_wait3A_24 = tpu.memref_slice %arg2[%add3A_11] : memref<32768xi32, #tpu.memory_space<hbm>> -> memref<128xi32, #tpu.memory_space<hbm>>
        %dma_wait3A_25 = tpu.memref_slice %arg2[%add3A_11] : memref<32768xi32, #tpu.memory_space<hbm>> -> memref<128xi32, #tpu.memory_space<hbm>>
        tpu.wait_dma2 semaphore(%run_scoped3A : memref<!tpu.dma_semaphore, #tpu.memory_space<semaphore_mem>>) src(%dma_wait3A_25 : memref<128xi32, #tpu.memory_space<hbm>>) dst(%arg7 : memref<128xi32, #tpu.memory_space<vmem>>)
        tpu.yield
      }) : () -> ()
      %dma_start3A = arith.constant 0 : i32
      %dma_start3A_12 = arith.constant 0 : i32
      %dma_start3A_13 = tpu.memref_slice %arg3[%dma_start3A, %dma_start3A_12] : memref<32768x128xi32, #tpu.memory_space<hbm>> -> memref<32768x128xi32, #tpu.memory_space<hbm>>
      tpu.enqueue_indirect_dma source(%dma_start3A_13 : memref<32768x128xi32, #tpu.memory_space<hbm>>) target(%arg8 : memref<128x128xi32, #tpu.memory_space<vmem>>) offsets(%arg7 : memref<128xi32, #tpu.memory_space<vmem>>) semaphore(%arg10 : memref<!tpu.dma_semaphore, #tpu.memory_space<semaphore_mem>>)
      %dma_start3A_14 = arith.constant 0 : i32
      %dma_start3A_15 = arith.constant 0 : i32
      %dma_start3A_16 = tpu.memref_slice %arg4[%dma_start3A_14, %dma_start3A_15] : memref<32768x128xf32, #tpu.memory_space<hbm>> -> memref<32768x128xf32, #tpu.memory_space<hbm>>
      tpu.enqueue_indirect_dma source(%dma_start3A_16 : memref<32768x128xf32, #tpu.memory_space<hbm>>) target(%arg9 : memref<128x128xf32, #tpu.memory_space<vmem>>) offsets(%arg7 : memref<128xi32, #tpu.memory_space<vmem>>) semaphore(%arg10 : memref<!tpu.dma_semaphore, #tpu.memory_space<semaphore_mem>>)
      %dma_wait3A = arith.constant 0 : i32
      %dma_wait3A_17 = arith.constant 0 : i32
      %dma_wait3A_18 = tpu.memref_slice %arg3[%dma_wait3A, %dma_wait3A_17] : memref<32768x128xi32, #tpu.memory_space<hbm>> -> memref<32768x128xi32, #tpu.memory_space<hbm>>
      tpu.wait_indirect_dma semaphore(%arg10 : memref<!tpu.dma_semaphore, #tpu.memory_space<semaphore_mem>>) src(%dma_wait3A_18 : memref<32768x128xi32, #tpu.memory_space<hbm>>) dst(%arg8 : memref<128x128xi32, #tpu.memory_space<vmem>>)
      %dma_wait3A_19 = arith.constant 0 : i32
      %dma_wait3A_20 = arith.constant 0 : i32
      %dma_wait3A_21 = tpu.memref_slice %arg4[%dma_wait3A_19, %dma_wait3A_20] : memref<32768x128xf32, #tpu.memory_space<hbm>> -> memref<32768x128xf32, #tpu.memory_space<hbm>>
      tpu.wait_indirect_dma semaphore(%arg10 : memref<!tpu.dma_semaphore, #tpu.memory_space<semaphore_mem>>) src(%dma_wait3A_21 : memref<32768x128xf32, #tpu.memory_space<hbm>>) dst(%arg9 : memref<128x128xf32, #tpu.memory_space<vmem>>)
      "tpu.region"() ({
        %run_scoped3A = tpu.sem_alloc : memref<!tpu.dma_semaphore, #tpu.memory_space<semaphore_mem>>
        %dma_start3A_22 = arith.constant 0 : i32
        %dma_start3A_23 = tpu.memref_slice %arg5[%add3A_11, %dma_start3A_22] : memref<32768x128xi32, #tpu.memory_space<hbm>> -> memref<128x128xi32, #tpu.memory_space<hbm>>
        %dma_start3A_24 = arith.constant 0 : i32
        %dma_start3A_25 = tpu.memref_slice %arg5[%add3A_11, %dma_start3A_24] : memref<32768x128xi32, #tpu.memory_space<hbm>> -> memref<128x128xi32, #tpu.memory_space<hbm>>
        tpu.enqueue_dma source(%arg8 : memref<128x128xi32, #tpu.memory_space<vmem>>) target(%dma_start3A_25 : memref<128x128xi32, #tpu.memory_space<hbm>>) target_semaphore(%run_scoped3A : memref<!tpu.dma_semaphore, #tpu.memory_space<semaphore_mem>>)
        %dma_wait3A_26 = arith.constant 0 : i32
        %dma_wait3A_27 = tpu.memref_slice %arg5[%add3A_11, %dma_wait3A_26] : memref<32768x128xi32, #tpu.memory_space<hbm>> -> memref<128x128xi32, #tpu.memory_space<hbm>>
        %dma_wait3A_28 = arith.constant 0 : i32
        %dma_wait3A_29 = tpu.memref_slice %arg5[%add3A_11, %dma_wait3A_28] : memref<32768x128xi32, #tpu.memory_space<hbm>> -> memref<128x128xi32, #tpu.memory_space<hbm>>
        tpu.wait_dma2 semaphore(%run_scoped3A : memref<!tpu.dma_semaphore, #tpu.memory_space<semaphore_mem>>) src(%arg8 : memref<128x128xi32, #tpu.memory_space<vmem>>) dst(%dma_wait3A_29 : memref<128x128xi32, #tpu.memory_space<hbm>>)
        tpu.yield
      }) : () -> ()
      "tpu.region"() ({
        %run_scoped3A = tpu.sem_alloc : memref<!tpu.dma_semaphore, #tpu.memory_space<semaphore_mem>>
        %dma_start3A_22 = arith.constant 0 : i32
        %dma_start3A_23 = tpu.memref_slice %arg6[%add3A_11, %dma_start3A_22] : memref<32768x128xf32, #tpu.memory_space<hbm>> -> memref<128x128xf32, #tpu.memory_space<hbm>>
        %dma_start3A_24 = arith.constant 0 : i32
        %dma_start3A_25 = tpu.memref_slice %arg6[%add3A_11, %dma_start3A_24] : memref<32768x128xf32, #tpu.memory_space<hbm>> -> memref<128x128xf32, #tpu.memory_space<hbm>>
        tpu.enqueue_dma source(%arg9 : memref<128x128xf32, #tpu.memory_space<vmem>>) target(%dma_start3A_25 : memref<128x128xf32, #tpu.memory_space<hbm>>) target_semaphore(%run_scoped3A : memref<!tpu.dma_semaphore, #tpu.memory_space<semaphore_mem>>)
        %dma_wait3A_26 = arith.constant 0 : i32
        %dma_wait3A_27 = tpu.memref_slice %arg6[%add3A_11, %dma_wait3A_26] : memref<32768x128xf32, #tpu.memory_space<hbm>> -> memref<128x128xf32, #tpu.memory_space<hbm>>
        %dma_wait3A_28 = arith.constant 0 : i32
        %dma_wait3A_29 = tpu.memref_slice %arg6[%add3A_11, %dma_wait3A_28] : memref<32768x128xf32, #tpu.memory_space<hbm>> -> memref<128x128xf32, #tpu.memory_space<hbm>>
        tpu.wait_dma2 semaphore(%run_scoped3A : memref<!tpu.dma_semaphore, #tpu.memory_space<semaphore_mem>>) src(%arg9 : memref<128x128xf32, #tpu.memory_space<vmem>>) dst(%dma_wait3A_29 : memref<128x128xf32, #tpu.memory_space<hbm>>)
        tpu.yield
      }) : () -> ()
    }
    %scan3A_5 = arith.constant 8 : i32
    return
  }
}

#map = affine_map<(d0, d1) -> (0)>
#map1 = affine_map<(d0, d1) -> (0, 0)>
module attributes {stable_mosaic.version = 14 : i64} {
  func.func @body(%arg0: i32, %arg1: i32, %arg2: memref<32768xi32, #tpu.memory_space<hbm>>, %arg3: memref<32768x128xi32, #tpu.memory_space<hbm>>, %arg4: memref<32768x128xf32, #tpu.memory_space<hbm>>, %arg5: memref<32768x128xi32, #tpu.memory_space<hbm>>, %arg6: memref<32768x128xf32, #tpu.memory_space<hbm>>, %arg7: memref<128xi32, #tpu.memory_space<vmem>>, %arg8: memref<128x128xi32, #tpu.memory_space<vmem>>, %arg9: memref<128x128xf32, #tpu.memory_space<vmem>>, %arg10: memref<!tpu.dma_semaphore, #tpu.memory_space<semaphore_mem>>) attributes {dimension_semantics = [#tpu.dimension_semantics<core_parallel>, #tpu.dimension_semantics<subcore_parallel>], iteration_bounds = array<i64: 2, 16>, scalar_prefetch = 0 : i64, scratch_operands = 4 : i64, tpu.core_type = #tpu.core_type<sc_vector_subcore>, window_params = [{transform_indices = #map}, {transform_indices = #map1}, {transform_indices = #map1}, {transform_indices = #map1}, {transform_indices = #map1}]} {
    %mul3A = arith.constant 2 : i32
    %mul3A_0 = arith.muli %arg1, %mul3A : i32
    %add3A = arith.addi %mul3A_0, %arg0 : i32
    %scan3A = arith.constant 0 : i32
    %scan3A_1 = arith.constant 0 : i32
    %scan3A_2 = arith.constant 8 : i32
    %scan3A_3 = arith.addi %scan3A_1, %scan3A_2 : i32
    %scan3A_4 = arith.constant 1 : i32
    scf.for %scan3A_6 = %scan3A_1 to %scan3A_3 step %scan3A_4  : i32 {
      %mul3A_7 = arith.constant 1024 : i32
      %mul3A_8 = arith.muli %add3A, %mul3A_7 : i32
      %mul3A_9 = arith.constant 128 : i32
      %mul3A_10 = arith.muli %scan3A_6, %mul3A_9 : i32
      %add3A_11 = arith.addi %mul3A_8, %mul3A_10 : i32
      "tpu.region"() ({
        %run_scoped3A = tpu.sem_alloc : memref<!tpu.dma_semaphore, #tpu.memory_space<semaphore_mem>>
        %dma_start3A_22 = tpu.memref_slice %arg2[%add3A_11] : memref<32768xi32, #tpu.memory_space<hbm>> -> memref<128xi32, #tpu.memory_space<hbm>>
        %dma_start3A_23 = tpu.memref_slice %arg2[%add3A_11] : memref<32768xi32, #tpu.memory_space<hbm>> -> memref<128xi32, #tpu.memory_space<hbm>>
        tpu.enqueue_dma source(%dma_start3A_23 : memref<128xi32, #tpu.memory_space<hbm>>) target(%arg7 : memref<128xi32, #tpu.memory_space<vmem>>) target_semaphore(%run_scoped3A : memref<!tpu.dma_semaphore, #tpu.memory_space<semaphore_mem>>)
        %dma_wait3A_24 = tpu.memref_slice %arg2[%add3A_11] : memref<32768xi32, #tpu.memory_space<hbm>> -> memref<128xi32, #tpu.memory_space<hbm>>
        %dma_wait3A_25 = tpu.memref_slice %arg2[%add3A_11] : memref<32768xi32, #tpu.memory_space<hbm>> -> memref<128xi32, #tpu.memory_space<hbm>>
        tpu.wait_dma2 semaphore(%run_scoped3A : memref<!tpu.dma_semaphore, #tpu.memory_space<semaphore_mem>>) src(%dma_wait3A_25 : memref<128xi32, #tpu.memory_space<hbm>>) dst(%arg7 : memref<128xi32, #tpu.memory_space<vmem>>)
        tpu.yield
      }) : () -> ()
      %dma_start3A = arith.constant 0 : i32
      %dma_start3A_12 = arith.constant 0 : i32
      %dma_start3A_13 = tpu.memref_slice %arg3[%dma_start3A, %dma_start3A_12] : memref<32768x128xi32, #tpu.memory_space<hbm>> -> memref<32768x128xi32, #tpu.memory_space<hbm>>
      tpu.enqueue_indirect_dma source(%dma_start3A_13 : memref<32768x128xi32, #tpu.memory_space<hbm>>) target(%arg8 : memref<128x128xi32, #tpu.memory_space<vmem>>) offsets(%arg7 : memref<128xi32, #tpu.memory_space<vmem>>) semaphore(%arg10 : memref<!tpu.dma_semaphore, #tpu.memory_space<semaphore_mem>>)
      %dma_start3A_14 = arith.constant 0 : i32
      %dma_start3A_15 = arith.constant 0 : i32
      %dma_start3A_16 = tpu.memref_slice %arg4[%dma_start3A_14, %dma_start3A_15] : memref<32768x128xf32, #tpu.memory_space<hbm>> -> memref<32768x128xf32, #tpu.memory_space<hbm>>
      tpu.enqueue_indirect_dma source(%dma_start3A_16 : memref<32768x128xf32, #tpu.memory_space<hbm>>) target(%arg9 : memref<128x128xf32, #tpu.memory_space<vmem>>) offsets(%arg7 : memref<128xi32, #tpu.memory_space<vmem>>) semaphore(%arg10 : memref<!tpu.dma_semaphore, #tpu.memory_space<semaphore_mem>>)
      %dma_wait3A = arith.constant 0 : i32
      %dma_wait3A_17 = arith.constant 0 : i32
      %dma_wait3A_18 = tpu.memref_slice %arg3[%dma_wait3A, %dma_wait3A_17] : memref<32768x128xi32, #tpu.memory_space<hbm>> -> memref<32768x128xi32, #tpu.memory_space<hbm>>
      tpu.wait_indirect_dma semaphore(%arg10 : memref<!tpu.dma_semaphore, #tpu.memory_space<semaphore_mem>>) src(%dma_wait3A_18 : memref<32768x128xi32, #tpu.memory_space<hbm>>) dst(%arg8 : memref<128x128xi32, #tpu.memory_space<vmem>>)
      %dma_wait3A_19 = arith.constant 0 : i32
      %dma_wait3A_20 = arith.constant 0 : i32
      %dma_wait3A_21 = tpu.memref_slice %arg4[%dma_wait3A_19, %dma_wait3A_20] : memref<32768x128xf32, #tpu.memory_space<hbm>> -> memref<32768x128xf32, #tpu.memory_space<hbm>>
      tpu.wait_indirect_dma semaphore(%arg10 : memref<!tpu.dma_semaphore, #tpu.memory_space<semaphore_mem>>) src(%dma_wait3A_21 : memref<32768x128xf32, #tpu.memory_space<hbm>>) dst(%arg9 : memref<128x128xf32, #tpu.memory_space<vmem>>)
      "tpu.region"() ({
        %run_scoped3A = tpu.sem_alloc : memref<!tpu.dma_semaphore, #tpu.memory_space<semaphore_mem>>
        %dma_start3A_22 = arith.constant 0 : i32
        %dma_start3A_23 = tpu.memref_slice %arg5[%add3A_11, %dma_start3A_22] : memref<32768x128xi32, #tpu.memory_space<hbm>> -> memref<128x128xi32, #tpu.memory_space<hbm>>
        %dma_start3A_24 = arith.constant 0 : i32
        %dma_start3A_25 = tpu.memref_slice %arg5[%add3A_11, %dma_start3A_24] : memref<32768x128xi32, #tpu.memory_space<hbm>> -> memref<128x128xi32, #tpu.memory_space<hbm>>
        tpu.enqueue_dma source(%arg8 : memref<128x128xi32, #tpu.memory_space<vmem>>) target(%dma_start3A_25 : memref<128x128xi32, #tpu.memory_space<hbm>>) target_semaphore(%run_scoped3A : memref<!tpu.dma_semaphore, #tpu.memory_space<semaphore_mem>>)
        %dma_wait3A_26 = arith.constant 0 : i32
        %dma_wait3A_27 = tpu.memref_slice %arg5[%add3A_11, %dma_wait3A_26] : memref<32768x128xi32, #tpu.memory_space<hbm>> -> memref<128x128xi32, #tpu.memory_space<hbm>>
        %dma_wait3A_28 = arith.constant 0 : i32
        %dma_wait3A_29 = tpu.memref_slice %arg5[%add3A_11, %dma_wait3A_28] : memref<32768x128xi32, #tpu.memory_space<hbm>> -> memref<128x128xi32, #tpu.memory_space<hbm>>
        tpu.wait_dma2 semaphore(%run_scoped3A : memref<!tpu.dma_semaphore, #tpu.memory_space<semaphore_mem>>) src(%arg8 : memref<128x128xi32, #tpu.memory_space<vmem>>) dst(%dma_wait3A_29 : memref<128x128xi32, #tpu.memory_space<hbm>>)
        tpu.yield
      }) : () -> ()
      "tpu.region"() ({
        %run_scoped3A = tpu.sem_alloc : memref<!tpu.dma_semaphore, #tpu.memory_space<semaphore_mem>>
        %dma_start3A_22 = arith.constant 0 : i32
        %dma_start3A_23 = tpu.memref_slice %arg6[%add3A_11, %dma_start3A_22] : memref<32768x128xf32, #tpu.memory_space<hbm>> -> memref<128x128xf32, #tpu.memory_space<hbm>>
        %dma_start3A_24 = arith.constant 0 : i32
        %dma_start3A_25 = tpu.memref_slice %arg6[%add3A_11, %dma_start3A_24] : memref<32768x128xf32, #tpu.memory_space<hbm>> -> memref<128x128xf32, #tpu.memory_space<hbm>>
        tpu.enqueue_dma source(%arg9 : memref<128x128xf32, #tpu.memory_space<vmem>>) target(%dma_start3A_25 : memref<128x128xf32, #tpu.memory_space<hbm>>) target_semaphore(%run_scoped3A : memref<!tpu.dma_semaphore, #tpu.memory_space<semaphore_mem>>)
        %dma_wait3A_26 = arith.constant 0 : i32
        %dma_wait3A_27 = tpu.memref_slice %arg6[%add3A_11, %dma_wait3A_26] : memref<32768x128xf32, #tpu.memory_space<hbm>> -> memref<128x128xf32, #tpu.memory_space<hbm>>
        %dma_wait3A_28 = arith.constant 0 : i32
        %dma_wait3A_29 = tpu.memref_slice %arg6[%add3A_11, %dma_wait3A_28] : memref<32768x128xf32, #tpu.memory_space<hbm>> -> memref<128x128xf32, #tpu.memory_space<hbm>>
        tpu.wait_dma2 semaphore(%run_scoped3A : memref<!tpu.dma_semaphore, #tpu.memory_space<semaphore_mem>>) src(%arg9 : memref<128x128xf32, #tpu.memory_space<vmem>>) dst(%dma_wait3A_29 : memref<128x128xf32, #tpu.memory_space<hbm>>)
        tpu.yield
      }) : () -> ()
    }
    %scan3A_5 = arith.constant 8 : i32
    return
  }
}

#map = affine_map<(d0, d1) -> (0)>
#map1 = affine_map<(d0, d1) -> (0, 0)>
module attributes {stable_mosaic.version = 14 : i64} {
  func.func @body(%arg0: i32, %arg1: i32, %arg2: memref<32768xi32, #tpu.memory_space<hbm>>, %arg3: memref<32768x128xi32, #tpu.memory_space<hbm>>, %arg4: memref<32768x128xf32, #tpu.memory_space<hbm>>, %arg5: memref<32768x128xi32, #tpu.memory_space<hbm>>, %arg6: memref<32768x128xf32, #tpu.memory_space<hbm>>, %arg7: memref<128xi32, #tpu.memory_space<vmem>>, %arg8: memref<128x128xi32, #tpu.memory_space<vmem>>, %arg9: memref<128x128xf32, #tpu.memory_space<vmem>>, %arg10: memref<!tpu.dma_semaphore, #tpu.memory_space<semaphore_mem>>) attributes {dimension_semantics = [#tpu.dimension_semantics<core_parallel>, #tpu.dimension_semantics<subcore_parallel>], iteration_bounds = array<i64: 2, 16>, scalar_prefetch = 0 : i64, scratch_operands = 4 : i64, tpu.core_type = #tpu.core_type<sc_vector_subcore>, window_params = [{transform_indices = #map}, {transform_indices = #map1}, {transform_indices = #map1}, {transform_indices = #map1}, {transform_indices = #map1}]} {
    %mul3A = arith.constant 2 : i32
    %mul3A_0 = arith.muli %arg1, %mul3A : i32
    %add3A = arith.addi %mul3A_0, %arg0 : i32
    %scan3A = arith.constant 0 : i32
    %scan3A_1 = arith.constant 0 : i32
    %scan3A_2 = arith.constant 8 : i32
    %scan3A_3 = arith.addi %scan3A_1, %scan3A_2 : i32
    %scan3A_4 = arith.constant 1 : i32
    scf.for %scan3A_6 = %scan3A_1 to %scan3A_3 step %scan3A_4  : i32 {
      %mul3A_7 = arith.constant 1024 : i32
      %mul3A_8 = arith.muli %add3A, %mul3A_7 : i32
      %mul3A_9 = arith.constant 128 : i32
      %mul3A_10 = arith.muli %scan3A_6, %mul3A_9 : i32
      %add3A_11 = arith.addi %mul3A_8, %mul3A_10 : i32
      "tpu.region"() ({
        %run_scoped3A = tpu.sem_alloc : memref<!tpu.dma_semaphore, #tpu.memory_space<semaphore_mem>>
        %dma_start3A_22 = tpu.memref_slice %arg2[%add3A_11] : memref<32768xi32, #tpu.memory_space<hbm>> -> memref<128xi32, #tpu.memory_space<hbm>>
        %dma_start3A_23 = tpu.memref_slice %arg2[%add3A_11] : memref<32768xi32, #tpu.memory_space<hbm>> -> memref<128xi32, #tpu.memory_space<hbm>>
        tpu.enqueue_dma source(%dma_start3A_23 : memref<128xi32, #tpu.memory_space<hbm>>) target(%arg7 : memref<128xi32, #tpu.memory_space<vmem>>) target_semaphore(%run_scoped3A : memref<!tpu.dma_semaphore, #tpu.memory_space<semaphore_mem>>)
        %dma_wait3A_24 = tpu.memref_slice %arg2[%add3A_11] : memref<32768xi32, #tpu.memory_space<hbm>> -> memref<128xi32, #tpu.memory_space<hbm>>
        %dma_wait3A_25 = tpu.memref_slice %arg2[%add3A_11] : memref<32768xi32, #tpu.memory_space<hbm>> -> memref<128xi32, #tpu.memory_space<hbm>>
        tpu.wait_dma2 semaphore(%run_scoped3A : memref<!tpu.dma_semaphore, #tpu.memory_space<semaphore_mem>>) src(%dma_wait3A_25 : memref<128xi32, #tpu.memory_space<hbm>>) dst(%arg7 : memref<128xi32, #tpu.memory_space<vmem>>)
        tpu.yield
      }) : () -> ()
      %dma_start3A = arith.constant 0 : i32
      %dma_start3A_12 = arith.constant 0 : i32
      %dma_start3A_13 = tpu.memref_slice %arg3[%dma_start3A, %dma_start3A_12] : memref<32768x128xi32, #tpu.memory_space<hbm>> -> memref<32768x128xi32, #tpu.memory_space<hbm>>
      tpu.enqueue_indirect_dma source(%dma_start3A_13 : memref<32768x128xi32, #tpu.memory_space<hbm>>) target(%arg8 : memref<128x128xi32, #tpu.memory_space<vmem>>) offsets(%arg7 : memref<128xi32, #tpu.memory_space<vmem>>) semaphore(%arg10 : memref<!tpu.dma_semaphore, #tpu.memory_space<semaphore_mem>>)
      %dma_start3A_14 = arith.constant 0 : i32
      %dma_start3A_15 = arith.constant 0 : i32
      %dma_start3A_16 = tpu.memref_slice %arg4[%dma_start3A_14, %dma_start3A_15] : memref<32768x128xf32, #tpu.memory_space<hbm>> -> memref<32768x128xf32, #tpu.memory_space<hbm>>
      tpu.enqueue_indirect_dma source(%dma_start3A_16 : memref<32768x128xf32, #tpu.memory_space<hbm>>) target(%arg9 : memref<128x128xf32, #tpu.memory_space<vmem>>) offsets(%arg7 : memref<128xi32, #tpu.memory_space<vmem>>) semaphore(%arg10 : memref<!tpu.dma_semaphore, #tpu.memory_space<semaphore_mem>>)
      %dma_wait3A = arith.constant 0 : i32
      %dma_wait3A_17 = arith.constant 0 : i32
      %dma_wait3A_18 = tpu.memref_slice %arg3[%dma_wait3A, %dma_wait3A_17] : memref<32768x128xi32, #tpu.memory_space<hbm>> -> memref<32768x128xi32, #tpu.memory_space<hbm>>
      tpu.wait_indirect_dma semaphore(%arg10 : memref<!tpu.dma_semaphore, #tpu.memory_space<semaphore_mem>>) src(%dma_wait3A_18 : memref<32768x128xi32, #tpu.memory_space<hbm>>) dst(%arg8 : memref<128x128xi32, #tpu.memory_space<vmem>>)
      %dma_wait3A_19 = arith.constant 0 : i32
      %dma_wait3A_20 = arith.constant 0 : i32
      %dma_wait3A_21 = tpu.memref_slice %arg4[%dma_wait3A_19, %dma_wait3A_20] : memref<32768x128xf32, #tpu.memory_space<hbm>> -> memref<32768x128xf32, #tpu.memory_space<hbm>>
      tpu.wait_indirect_dma semaphore(%arg10 : memref<!tpu.dma_semaphore, #tpu.memory_space<semaphore_mem>>) src(%dma_wait3A_21 : memref<32768x128xf32, #tpu.memory_space<hbm>>) dst(%arg9 : memref<128x128xf32, #tpu.memory_space<vmem>>)
      "tpu.region"() ({
        %run_scoped3A = tpu.sem_alloc : memref<!tpu.dma_semaphore, #tpu.memory_space<semaphore_mem>>
        %dma_start3A_22 = arith.constant 0 : i32
        %dma_start3A_23 = tpu.memref_slice %arg5[%add3A_11, %dma_start3A_22] : memref<32768x128xi32, #tpu.memory_space<hbm>> -> memref<128x128xi32, #tpu.memory_space<hbm>>
        %dma_start3A_24 = arith.constant 0 : i32
        %dma_start3A_25 = tpu.memref_slice %arg5[%add3A_11, %dma_start3A_24] : memref<32768x128xi32, #tpu.memory_space<hbm>> -> memref<128x128xi32, #tpu.memory_space<hbm>>
        tpu.enqueue_dma source(%arg8 : memref<128x128xi32, #tpu.memory_space<vmem>>) target(%dma_start3A_25 : memref<128x128xi32, #tpu.memory_space<hbm>>) target_semaphore(%run_scoped3A : memref<!tpu.dma_semaphore, #tpu.memory_space<semaphore_mem>>)
        %dma_wait3A_26 = arith.constant 0 : i32
        %dma_wait3A_27 = tpu.memref_slice %arg5[%add3A_11, %dma_wait3A_26] : memref<32768x128xi32, #tpu.memory_space<hbm>> -> memref<128x128xi32, #tpu.memory_space<hbm>>
        %dma_wait3A_28 = arith.constant 0 : i32
        %dma_wait3A_29 = tpu.memref_slice %arg5[%add3A_11, %dma_wait3A_28] : memref<32768x128xi32, #tpu.memory_space<hbm>> -> memref<128x128xi32, #tpu.memory_space<hbm>>
        tpu.wait_dma2 semaphore(%run_scoped3A : memref<!tpu.dma_semaphore, #tpu.memory_space<semaphore_mem>>) src(%arg8 : memref<128x128xi32, #tpu.memory_space<vmem>>) dst(%dma_wait3A_29 : memref<128x128xi32, #tpu.memory_space<hbm>>)
        tpu.yield
      }) : () -> ()
      "tpu.region"() ({
        %run_scoped3A = tpu.sem_alloc : memref<!tpu.dma_semaphore, #tpu.memory_space<semaphore_mem>>
        %dma_start3A_22 = arith.constant 0 : i32
        %dma_start3A_23 = tpu.memref_slice %arg6[%add3A_11, %dma_start3A_22] : memref<32768x128xf32, #tpu.memory_space<hbm>> -> memref<128x128xf32, #tpu.memory_space<hbm>>
        %dma_start3A_24 = arith.constant 0 : i32
        %dma_start3A_25 = tpu.memref_slice %arg6[%add3A_11, %dma_start3A_24] : memref<32768x128xf32, #tpu.memory_space<hbm>> -> memref<128x128xf32, #tpu.memory_space<hbm>>
        tpu.enqueue_dma source(%arg9 : memref<128x128xf32, #tpu.memory_space<vmem>>) target(%dma_start3A_25 : memref<128x128xf32, #tpu.memory_space<hbm>>) target_semaphore(%run_scoped3A : memref<!tpu.dma_semaphore, #tpu.memory_space<semaphore_mem>>)
        %dma_wait3A_26 = arith.constant 0 : i32
        %dma_wait3A_27 = tpu.memref_slice %arg6[%add3A_11, %dma_wait3A_26] : memref<32768x128xf32, #tpu.memory_space<hbm>> -> memref<128x128xf32, #tpu.memory_space<hbm>>
        %dma_wait3A_28 = arith.constant 0 : i32
        %dma_wait3A_29 = tpu.memref_slice %arg6[%add3A_11, %dma_wait3A_28] : memref<32768x128xf32, #tpu.memory_space<hbm>> -> memref<128x128xf32, #tpu.memory_space<hbm>>
        tpu.wait_dma2 semaphore(%run_scoped3A : memref<!tpu.dma_semaphore, #tpu.memory_space<semaphore_mem>>) src(%arg9 : memref<128x128xf32, #tpu.memory_space<vmem>>) dst(%dma_wait3A_29 : memref<128x128xf32, #tpu.memory_space<hbm>>)
        tpu.yield
      }) : () -> ()
    }
    %scan3A_5 = arith.constant 8 : i32
    return
  }
}

#map = affine_map<(d0, d1) -> (0)>
#map1 = affine_map<(d0, d1) -> (0, 0)>
module attributes {stable_mosaic.version = 14 : i64} {
  func.func @body(%arg0: i32, %arg1: i32, %arg2: memref<32768xi32, #tpu.memory_space<hbm>>, %arg3: memref<32768x128xf32, #tpu.memory_space<hbm>>, %arg4: memref<32768x128xf32, #tpu.memory_space<hbm>>, %arg5: memref<128xi32, #tpu.memory_space<vmem>>, %arg6: memref<128x128xf32, #tpu.memory_space<vmem>>, %arg7: memref<!tpu.dma_semaphore, #tpu.memory_space<semaphore_mem>>) attributes {dimension_semantics = [#tpu.dimension_semantics<core_parallel>, #tpu.dimension_semantics<subcore_parallel>], iteration_bounds = array<i64: 2, 16>, scalar_prefetch = 0 : i64, scratch_operands = 3 : i64, tpu.core_type = #tpu.core_type<sc_vector_subcore>, window_params = [{transform_indices = #map}, {transform_indices = #map1}, {transform_indices = #map1}]} {
    %mul3A = arith.constant 2 : i32
    %mul3A_0 = arith.muli %arg1, %mul3A : i32
    %add3A = arith.addi %mul3A_0, %arg0 : i32
    %scan3A = arith.constant 0 : i32
    %scan3A_1 = arith.constant 0 : i32
    %scan3A_2 = arith.constant 8 : i32
    %scan3A_3 = arith.addi %scan3A_1, %scan3A_2 : i32
    %scan3A_4 = arith.constant 1 : i32
    scf.for %scan3A_6 = %scan3A_1 to %scan3A_3 step %scan3A_4  : i32 {
      %mul3A_7 = arith.constant 1024 : i32
      %mul3A_8 = arith.muli %add3A, %mul3A_7 : i32
      %mul3A_9 = arith.constant 128 : i32
      %mul3A_10 = arith.muli %scan3A_6, %mul3A_9 : i32
      %add3A_11 = arith.addi %mul3A_8, %mul3A_10 : i32
      "tpu.region"() ({
        %run_scoped3A = tpu.sem_alloc : memref<!tpu.dma_semaphore, #tpu.memory_space<semaphore_mem>>
        %dma_start3A_16 = tpu.memref_slice %arg2[%add3A_11] : memref<32768xi32, #tpu.memory_space<hbm>> -> memref<128xi32, #tpu.memory_space<hbm>>
        %dma_start3A_17 = tpu.memref_slice %arg2[%add3A_11] : memref<32768xi32, #tpu.memory_space<hbm>> -> memref<128xi32, #tpu.memory_space<hbm>>
        tpu.enqueue_dma source(%dma_start3A_17 : memref<128xi32, #tpu.memory_space<hbm>>) target(%arg5 : memref<128xi32, #tpu.memory_space<vmem>>) target_semaphore(%run_scoped3A : memref<!tpu.dma_semaphore, #tpu.memory_space<semaphore_mem>>)
        %dma_wait3A_18 = tpu.memref_slice %arg2[%add3A_11] : memref<32768xi32, #tpu.memory_space<hbm>> -> memref<128xi32, #tpu.memory_space<hbm>>
        %dma_wait3A_19 = tpu.memref_slice %arg2[%add3A_11] : memref<32768xi32, #tpu.memory_space<hbm>> -> memref<128xi32, #tpu.memory_space<hbm>>
        tpu.wait_dma2 semaphore(%run_scoped3A : memref<!tpu.dma_semaphore, #tpu.memory_space<semaphore_mem>>) src(%dma_wait3A_19 : memref<128xi32, #tpu.memory_space<hbm>>) dst(%arg5 : memref<128xi32, #tpu.memory_space<vmem>>)
        tpu.yield
      }) : () -> ()
      "tpu.region"() ({
        %run_scoped3A = tpu.sem_alloc : memref<!tpu.dma_semaphore, #tpu.memory_space<semaphore_mem>>
        %dma_start3A_16 = arith.constant 0 : i32
        %dma_start3A_17 = tpu.memref_slice %arg3[%add3A_11, %dma_start3A_16] : memref<32768x128xf32, #tpu.memory_space<hbm>> -> memref<128x128xf32, #tpu.memory_space<hbm>>
        %dma_start3A_18 = arith.constant 0 : i32
        %dma_start3A_19 = tpu.memref_slice %arg3[%add3A_11, %dma_start3A_18] : memref<32768x128xf32, #tpu.memory_space<hbm>> -> memref<128x128xf32, #tpu.memory_space<hbm>>
        tpu.enqueue_dma source(%dma_start3A_19 : memref<128x128xf32, #tpu.memory_space<hbm>>) target(%arg6 : memref<128x128xf32, #tpu.memory_space<vmem>>) target_semaphore(%run_scoped3A : memref<!tpu.dma_semaphore, #tpu.memory_space<semaphore_mem>>)
        %dma_wait3A_20 = arith.constant 0 : i32
        %dma_wait3A_21 = tpu.memref_slice %arg3[%add3A_11, %dma_wait3A_20] : memref<32768x128xf32, #tpu.memory_space<hbm>> -> memref<128x128xf32, #tpu.memory_space<hbm>>
        %dma_wait3A_22 = arith.constant 0 : i32
        %dma_wait3A_23 = tpu.memref_slice %arg3[%add3A_11, %dma_wait3A_22] : memref<32768x128xf32, #tpu.memory_space<hbm>> -> memref<128x128xf32, #tpu.memory_space<hbm>>
        tpu.wait_dma2 semaphore(%run_scoped3A : memref<!tpu.dma_semaphore, #tpu.memory_space<semaphore_mem>>) src(%dma_wait3A_23 : memref<128x128xf32, #tpu.memory_space<hbm>>) dst(%arg6 : memref<128x128xf32, #tpu.memory_space<vmem>>)
        tpu.yield
      }) : () -> ()
      %dma_start3A = arith.constant 0 : i32
      %dma_start3A_12 = arith.constant 0 : i32
      %dma_start3A_13 = tpu.memref_slice %arg4[%dma_start3A, %dma_start3A_12] : memref<32768x128xf32, #tpu.memory_space<hbm>> -> memref<32768x128xf32, #tpu.memory_space<hbm>>
      tpu.enqueue_indirect_dma source(%arg6 : memref<128x128xf32, #tpu.memory_space<vmem>>) target(%dma_start3A_13 : memref<32768x128xf32, #tpu.memory_space<hbm>>) offsets(%arg5 : memref<128xi32, #tpu.memory_space<vmem>>) semaphore(%arg7 : memref<!tpu.dma_semaphore, #tpu.memory_space<semaphore_mem>>)
      %dma_wait3A = arith.constant 0 : i32
      %dma_wait3A_14 = arith.constant 0 : i32
      %dma_wait3A_15 = tpu.memref_slice %arg4[%dma_wait3A, %dma_wait3A_14] : memref<32768x128xf32, #tpu.memory_space<hbm>> -> memref<32768x128xf32, #tpu.memory_space<hbm>>
      tpu.wait_indirect_dma semaphore(%arg7 : memref<!tpu.dma_semaphore, #tpu.memory_space<semaphore_mem>>) src(%arg6 : memref<128x128xf32, #tpu.memory_space<vmem>>) dst(%dma_wait3A_15 : memref<32768x128xf32, #tpu.memory_space<hbm>>)
    }
    %scan3A_5 = arith.constant 8 : i32
    return
  }
}

#map = affine_map<(d0, d1) -> (0)>
#map1 = affine_map<(d0, d1) -> (0, 0)>
module attributes {stable_mosaic.version = 14 : i64} {
  func.func @body(%arg0: i32, %arg1: i32, %arg2: memref<32768xi32, #tpu.memory_space<hbm>>, %arg3: memref<32768x128xf32, #tpu.memory_space<hbm>>, %arg4: memref<32768x128xf32, #tpu.memory_space<hbm>>, %arg5: memref<128xi32, #tpu.memory_space<vmem>>, %arg6: memref<128x128xf32, #tpu.memory_space<vmem>>, %arg7: memref<!tpu.dma_semaphore, #tpu.memory_space<semaphore_mem>>) attributes {dimension_semantics = [#tpu.dimension_semantics<core_parallel>, #tpu.dimension_semantics<subcore_parallel>], iteration_bounds = array<i64: 2, 16>, scalar_prefetch = 0 : i64, scratch_operands = 3 : i64, tpu.core_type = #tpu.core_type<sc_vector_subcore>, window_params = [{transform_indices = #map}, {transform_indices = #map1}, {transform_indices = #map1}]} {
    %mul3A = arith.constant 2 : i32
    %mul3A_0 = arith.muli %arg1, %mul3A : i32
    %add3A = arith.addi %mul3A_0, %arg0 : i32
    %scan3A = arith.constant 0 : i32
    %scan3A_1 = arith.constant 0 : i32
    %scan3A_2 = arith.constant 8 : i32
    %scan3A_3 = arith.addi %scan3A_1, %scan3A_2 : i32
    %scan3A_4 = arith.constant 1 : i32
    scf.for %scan3A_6 = %scan3A_1 to %scan3A_3 step %scan3A_4  : i32 {
      %mul3A_7 = arith.constant 1024 : i32
      %mul3A_8 = arith.muli %add3A, %mul3A_7 : i32
      %mul3A_9 = arith.constant 128 : i32
      %mul3A_10 = arith.muli %scan3A_6, %mul3A_9 : i32
      %add3A_11 = arith.addi %mul3A_8, %mul3A_10 : i32
      "tpu.region"() ({
        %run_scoped3A = tpu.sem_alloc : memref<!tpu.dma_semaphore, #tpu.memory_space<semaphore_mem>>
        %dma_start3A_16 = tpu.memref_slice %arg2[%add3A_11] : memref<32768xi32, #tpu.memory_space<hbm>> -> memref<128xi32, #tpu.memory_space<hbm>>
        %dma_start3A_17 = tpu.memref_slice %arg2[%add3A_11] : memref<32768xi32, #tpu.memory_space<hbm>> -> memref<128xi32, #tpu.memory_space<hbm>>
        tpu.enqueue_dma source(%dma_start3A_17 : memref<128xi32, #tpu.memory_space<hbm>>) target(%arg5 : memref<128xi32, #tpu.memory_space<vmem>>) target_semaphore(%run_scoped3A : memref<!tpu.dma_semaphore, #tpu.memory_space<semaphore_mem>>)
        %dma_wait3A_18 = tpu.memref_slice %arg2[%add3A_11] : memref<32768xi32, #tpu.memory_space<hbm>> -> memref<128xi32, #tpu.memory_space<hbm>>
        %dma_wait3A_19 = tpu.memref_slice %arg2[%add3A_11] : memref<32768xi32, #tpu.memory_space<hbm>> -> memref<128xi32, #tpu.memory_space<hbm>>
        tpu.wait_dma2 semaphore(%run_scoped3A : memref<!tpu.dma_semaphore, #tpu.memory_space<semaphore_mem>>) src(%dma_wait3A_19 : memref<128xi32, #tpu.memory_space<hbm>>) dst(%arg5 : memref<128xi32, #tpu.memory_space<vmem>>)
        tpu.yield
      }) : () -> ()
      "tpu.region"() ({
        %run_scoped3A = tpu.sem_alloc : memref<!tpu.dma_semaphore, #tpu.memory_space<semaphore_mem>>
        %dma_start3A_16 = arith.constant 0 : i32
        %dma_start3A_17 = tpu.memref_slice %arg3[%add3A_11, %dma_start3A_16] : memref<32768x128xf32, #tpu.memory_space<hbm>> -> memref<128x128xf32, #tpu.memory_space<hbm>>
        %dma_start3A_18 = arith.constant 0 : i32
        %dma_start3A_19 = tpu.memref_slice %arg3[%add3A_11, %dma_start3A_18] : memref<32768x128xf32, #tpu.memory_space<hbm>> -> memref<128x128xf32, #tpu.memory_space<hbm>>
        tpu.enqueue_dma source(%dma_start3A_19 : memref<128x128xf32, #tpu.memory_space<hbm>>) target(%arg6 : memref<128x128xf32, #tpu.memory_space<vmem>>) target_semaphore(%run_scoped3A : memref<!tpu.dma_semaphore, #tpu.memory_space<semaphore_mem>>)
        %dma_wait3A_20 = arith.constant 0 : i32
        %dma_wait3A_21 = tpu.memref_slice %arg3[%add3A_11, %dma_wait3A_20] : memref<32768x128xf32, #tpu.memory_space<hbm>> -> memref<128x128xf32, #tpu.memory_space<hbm>>
        %dma_wait3A_22 = arith.constant 0 : i32
        %dma_wait3A_23 = tpu.memref_slice %arg3[%add3A_11, %dma_wait3A_22] : memref<32768x128xf32, #tpu.memory_space<hbm>> -> memref<128x128xf32, #tpu.memory_space<hbm>>
        tpu.wait_dma2 semaphore(%run_scoped3A : memref<!tpu.dma_semaphore, #tpu.memory_space<semaphore_mem>>) src(%dma_wait3A_23 : memref<128x128xf32, #tpu.memory_space<hbm>>) dst(%arg6 : memref<128x128xf32, #tpu.memory_space<vmem>>)
        tpu.yield
      }) : () -> ()
      %dma_start3A = arith.constant 0 : i32
      %dma_start3A_12 = arith.constant 0 : i32
      %dma_start3A_13 = tpu.memref_slice %arg4[%dma_start3A, %dma_start3A_12] : memref<32768x128xf32, #tpu.memory_space<hbm>> -> memref<32768x128xf32, #tpu.memory_space<hbm>>
      tpu.enqueue_indirect_dma source(%arg6 : memref<128x128xf32, #tpu.memory_space<vmem>>) target(%dma_start3A_13 : memref<32768x128xf32, #tpu.memory_space<hbm>>) offsets(%arg5 : memref<128xi32, #tpu.memory_space<vmem>>) semaphore(%arg7 : memref<!tpu.dma_semaphore, #tpu.memory_space<semaphore_mem>>)
      %dma_wait3A = arith.constant 0 : i32
      %dma_wait3A_14 = arith.constant 0 : i32
      %dma_wait3A_15 = tpu.memref_slice %arg4[%dma_wait3A, %dma_wait3A_14] : memref<32768x128xf32, #tpu.memory_space<hbm>> -> memref<32768x128xf32, #tpu.memory_space<hbm>>
      tpu.wait_indirect_dma semaphore(%arg7 : memref<!tpu.dma_semaphore, #tpu.memory_space<semaphore_mem>>) src(%arg6 : memref<128x128xf32, #tpu.memory_space<vmem>>) dst(%dma_wait3A_15 : memref<32768x128xf32, #tpu.memory_space<hbm>>)
    }
    %scan3A_5 = arith.constant 8 : i32
    return
  }
}

#map = affine_map<(d0, d1) -> (0)>
#map1 = affine_map<(d0, d1) -> (0, 0)>
module attributes {stable_mosaic.version = 14 : i64} {
  func.func @body(%arg0: i32, %arg1: i32, %arg2: memref<32768xi32, #tpu.memory_space<hbm>>, %arg3: memref<32768x128xf32, #tpu.memory_space<hbm>>, %arg4: memref<32768x128xf32, #tpu.memory_space<hbm>>, %arg5: memref<128xi32, #tpu.memory_space<vmem>>, %arg6: memref<128x128xf32, #tpu.memory_space<vmem>>, %arg7: memref<!tpu.dma_semaphore, #tpu.memory_space<semaphore_mem>>) attributes {dimension_semantics = [#tpu.dimension_semantics<core_parallel>, #tpu.dimension_semantics<subcore_parallel>], iteration_bounds = array<i64: 2, 16>, scalar_prefetch = 0 : i64, scratch_operands = 3 : i64, tpu.core_type = #tpu.core_type<sc_vector_subcore>, window_params = [{transform_indices = #map}, {transform_indices = #map1}, {transform_indices = #map1}]} {
    %mul3A = arith.constant 2 : i32
    %mul3A_0 = arith.muli %arg1, %mul3A : i32
    %add3A = arith.addi %mul3A_0, %arg0 : i32
    %scan3A = arith.constant 0 : i32
    %scan3A_1 = arith.constant 0 : i32
    %scan3A_2 = arith.constant 8 : i32
    %scan3A_3 = arith.addi %scan3A_1, %scan3A_2 : i32
    %scan3A_4 = arith.constant 1 : i32
    scf.for %scan3A_6 = %scan3A_1 to %scan3A_3 step %scan3A_4  : i32 {
      %mul3A_7 = arith.constant 1024 : i32
      %mul3A_8 = arith.muli %add3A, %mul3A_7 : i32
      %mul3A_9 = arith.constant 128 : i32
      %mul3A_10 = arith.muli %scan3A_6, %mul3A_9 : i32
      %add3A_11 = arith.addi %mul3A_8, %mul3A_10 : i32
      "tpu.region"() ({
        %run_scoped3A = tpu.sem_alloc : memref<!tpu.dma_semaphore, #tpu.memory_space<semaphore_mem>>
        %dma_start3A_16 = tpu.memref_slice %arg2[%add3A_11] : memref<32768xi32, #tpu.memory_space<hbm>> -> memref<128xi32, #tpu.memory_space<hbm>>
        %dma_start3A_17 = tpu.memref_slice %arg2[%add3A_11] : memref<32768xi32, #tpu.memory_space<hbm>> -> memref<128xi32, #tpu.memory_space<hbm>>
        tpu.enqueue_dma source(%dma_start3A_17 : memref<128xi32, #tpu.memory_space<hbm>>) target(%arg5 : memref<128xi32, #tpu.memory_space<vmem>>) target_semaphore(%run_scoped3A : memref<!tpu.dma_semaphore, #tpu.memory_space<semaphore_mem>>)
        %dma_wait3A_18 = tpu.memref_slice %arg2[%add3A_11] : memref<32768xi32, #tpu.memory_space<hbm>> -> memref<128xi32, #tpu.memory_space<hbm>>
        %dma_wait3A_19 = tpu.memref_slice %arg2[%add3A_11] : memref<32768xi32, #tpu.memory_space<hbm>> -> memref<128xi32, #tpu.memory_space<hbm>>
        tpu.wait_dma2 semaphore(%run_scoped3A : memref<!tpu.dma_semaphore, #tpu.memory_space<semaphore_mem>>) src(%dma_wait3A_19 : memref<128xi32, #tpu.memory_space<hbm>>) dst(%arg5 : memref<128xi32, #tpu.memory_space<vmem>>)
        tpu.yield
      }) : () -> ()
      "tpu.region"() ({
        %run_scoped3A = tpu.sem_alloc : memref<!tpu.dma_semaphore, #tpu.memory_space<semaphore_mem>>
        %dma_start3A_16 = arith.constant 0 : i32
        %dma_start3A_17 = tpu.memref_slice %arg3[%add3A_11, %dma_start3A_16] : memref<32768x128xf32, #tpu.memory_space<hbm>> -> memref<128x128xf32, #tpu.memory_space<hbm>>
        %dma_start3A_18 = arith.constant 0 : i32
        %dma_start3A_19 = tpu.memref_slice %arg3[%add3A_11, %dma_start3A_18] : memref<32768x128xf32, #tpu.memory_space<hbm>> -> memref<128x128xf32, #tpu.memory_space<hbm>>
        tpu.enqueue_dma source(%dma_start3A_19 : memref<128x128xf32, #tpu.memory_space<hbm>>) target(%arg6 : memref<128x128xf32, #tpu.memory_space<vmem>>) target_semaphore(%run_scoped3A : memref<!tpu.dma_semaphore, #tpu.memory_space<semaphore_mem>>)
        %dma_wait3A_20 = arith.constant 0 : i32
        %dma_wait3A_21 = tpu.memref_slice %arg3[%add3A_11, %dma_wait3A_20] : memref<32768x128xf32, #tpu.memory_space<hbm>> -> memref<128x128xf32, #tpu.memory_space<hbm>>
        %dma_wait3A_22 = arith.constant 0 : i32
        %dma_wait3A_23 = tpu.memref_slice %arg3[%add3A_11, %dma_wait3A_22] : memref<32768x128xf32, #tpu.memory_space<hbm>> -> memref<128x128xf32, #tpu.memory_space<hbm>>
        tpu.wait_dma2 semaphore(%run_scoped3A : memref<!tpu.dma_semaphore, #tpu.memory_space<semaphore_mem>>) src(%dma_wait3A_23 : memref<128x128xf32, #tpu.memory_space<hbm>>) dst(%arg6 : memref<128x128xf32, #tpu.memory_space<vmem>>)
        tpu.yield
      }) : () -> ()
      %dma_start3A = arith.constant 0 : i32
      %dma_start3A_12 = arith.constant 0 : i32
      %dma_start3A_13 = tpu.memref_slice %arg4[%dma_start3A, %dma_start3A_12] : memref<32768x128xf32, #tpu.memory_space<hbm>> -> memref<32768x128xf32, #tpu.memory_space<hbm>>
      tpu.enqueue_indirect_dma source(%arg6 : memref<128x128xf32, #tpu.memory_space<vmem>>) target(%dma_start3A_13 : memref<32768x128xf32, #tpu.memory_space<hbm>>) offsets(%arg5 : memref<128xi32, #tpu.memory_space<vmem>>) semaphore(%arg7 : memref<!tpu.dma_semaphore, #tpu.memory_space<semaphore_mem>>)
      %dma_wait3A = arith.constant 0 : i32
      %dma_wait3A_14 = arith.constant 0 : i32
      %dma_wait3A_15 = tpu.memref_slice %arg4[%dma_wait3A, %dma_wait3A_14] : memref<32768x128xf32, #tpu.memory_space<hbm>> -> memref<32768x128xf32, #tpu.memory_space<hbm>>
      tpu.wait_indirect_dma semaphore(%arg7 : memref<!tpu.dma_semaphore, #tpu.memory_space<semaphore_mem>>) src(%arg6 : memref<128x128xf32, #tpu.memory_space<vmem>>) dst(%dma_wait3A_15 : memref<32768x128xf32, #tpu.memory_space<hbm>>)
    }
    %scan3A_5 = arith.constant 8 : i32
    return
  }
}

#map = affine_map<(d0, d1) -> (0)>
#map1 = affine_map<(d0, d1) -> (0, 0)>
module attributes {stable_mosaic.version = 14 : i64} {
  func.func @body(%arg0: i32, %arg1: i32, %arg2: memref<32768xi32, #tpu.memory_space<hbm>>, %arg3: memref<32768x128xf32, #tpu.memory_space<hbm>>, %arg4: memref<32768x128xf32, #tpu.memory_space<hbm>>, %arg5: memref<128xi32, #tpu.memory_space<vmem>>, %arg6: memref<128x128xf32, #tpu.memory_space<vmem>>, %arg7: memref<!tpu.dma_semaphore, #tpu.memory_space<semaphore_mem>>) attributes {dimension_semantics = [#tpu.dimension_semantics<core_parallel>, #tpu.dimension_semantics<subcore_parallel>], iteration_bounds = array<i64: 2, 16>, scalar_prefetch = 0 : i64, scratch_operands = 3 : i64, tpu.core_type = #tpu.core_type<sc_vector_subcore>, window_params = [{transform_indices = #map}, {transform_indices = #map1}, {transform_indices = #map1}]} {
    %mul3A = arith.constant 2 : i32
    %mul3A_0 = arith.muli %arg1, %mul3A : i32
    %add3A = arith.addi %mul3A_0, %arg0 : i32
    %scan3A = arith.constant 0 : i32
    %scan3A_1 = arith.constant 0 : i32
    %scan3A_2 = arith.constant 8 : i32
    %scan3A_3 = arith.addi %scan3A_1, %scan3A_2 : i32
    %scan3A_4 = arith.constant 1 : i32
    scf.for %scan3A_6 = %scan3A_1 to %scan3A_3 step %scan3A_4  : i32 {
      %mul3A_7 = arith.constant 1024 : i32
      %mul3A_8 = arith.muli %add3A, %mul3A_7 : i32
      %mul3A_9 = arith.constant 128 : i32
      %mul3A_10 = arith.muli %scan3A_6, %mul3A_9 : i32
      %add3A_11 = arith.addi %mul3A_8, %mul3A_10 : i32
      "tpu.region"() ({
        %run_scoped3A = tpu.sem_alloc : memref<!tpu.dma_semaphore, #tpu.memory_space<semaphore_mem>>
        %dma_start3A_16 = tpu.memref_slice %arg2[%add3A_11] : memref<32768xi32, #tpu.memory_space<hbm>> -> memref<128xi32, #tpu.memory_space<hbm>>
        %dma_start3A_17 = tpu.memref_slice %arg2[%add3A_11] : memref<32768xi32, #tpu.memory_space<hbm>> -> memref<128xi32, #tpu.memory_space<hbm>>
        tpu.enqueue_dma source(%dma_start3A_17 : memref<128xi32, #tpu.memory_space<hbm>>) target(%arg5 : memref<128xi32, #tpu.memory_space<vmem>>) target_semaphore(%run_scoped3A : memref<!tpu.dma_semaphore, #tpu.memory_space<semaphore_mem>>)
        %dma_wait3A_18 = tpu.memref_slice %arg2[%add3A_11] : memref<32768xi32, #tpu.memory_space<hbm>> -> memref<128xi32, #tpu.memory_space<hbm>>
        %dma_wait3A_19 = tpu.memref_slice %arg2[%add3A_11] : memref<32768xi32, #tpu.memory_space<hbm>> -> memref<128xi32, #tpu.memory_space<hbm>>
        tpu.wait_dma2 semaphore(%run_scoped3A : memref<!tpu.dma_semaphore, #tpu.memory_space<semaphore_mem>>) src(%dma_wait3A_19 : memref<128xi32, #tpu.memory_space<hbm>>) dst(%arg5 : memref<128xi32, #tpu.memory_space<vmem>>)
        tpu.yield
      }) : () -> ()
      "tpu.region"() ({
        %run_scoped3A = tpu.sem_alloc : memref<!tpu.dma_semaphore, #tpu.memory_space<semaphore_mem>>
        %dma_start3A_16 = arith.constant 0 : i32
        %dma_start3A_17 = tpu.memref_slice %arg3[%add3A_11, %dma_start3A_16] : memref<32768x128xf32, #tpu.memory_space<hbm>> -> memref<128x128xf32, #tpu.memory_space<hbm>>
        %dma_start3A_18 = arith.constant 0 : i32
        %dma_start3A_19 = tpu.memref_slice %arg3[%add3A_11, %dma_start3A_18] : memref<32768x128xf32, #tpu.memory_space<hbm>> -> memref<128x128xf32, #tpu.memory_space<hbm>>
        tpu.enqueue_dma source(%dma_start3A_19 : memref<128x128xf32, #tpu.memory_space<hbm>>) target(%arg6 : memref<128x128xf32, #tpu.memory_space<vmem>>) target_semaphore(%run_scoped3A : memref<!tpu.dma_semaphore, #tpu.memory_space<semaphore_mem>>)
        %dma_wait3A_20 = arith.constant 0 : i32
        %dma_wait3A_21 = tpu.memref_slice %arg3[%add3A_11, %dma_wait3A_20] : memref<32768x128xf32, #tpu.memory_space<hbm>> -> memref<128x128xf32, #tpu.memory_space<hbm>>
        %dma_wait3A_22 = arith.constant 0 : i32
        %dma_wait3A_23 = tpu.memref_slice %arg3[%add3A_11, %dma_wait3A_22] : memref<32768x128xf32, #tpu.memory_space<hbm>> -> memref<128x128xf32, #tpu.memory_space<hbm>>
        tpu.wait_dma2 semaphore(%run_scoped3A : memref<!tpu.dma_semaphore, #tpu.memory_space<semaphore_mem>>) src(%dma_wait3A_23 : memref<128x128xf32, #tpu.memory_space<hbm>>) dst(%arg6 : memref<128x128xf32, #tpu.memory_space<vmem>>)
        tpu.yield
      }) : () -> ()
      %dma_start3A = arith.constant 0 : i32
      %dma_start3A_12 = arith.constant 0 : i32
      %dma_start3A_13 = tpu.memref_slice %arg4[%dma_start3A, %dma_start3A_12] : memref<32768x128xf32, #tpu.memory_space<hbm>> -> memref<32768x128xf32, #tpu.memory_space<hbm>>
      tpu.enqueue_indirect_dma source(%arg6 : memref<128x128xf32, #tpu.memory_space<vmem>>) target(%dma_start3A_13 : memref<32768x128xf32, #tpu.memory_space<hbm>>) offsets(%arg5 : memref<128xi32, #tpu.memory_space<vmem>>) semaphore(%arg7 : memref<!tpu.dma_semaphore, #tpu.memory_space<semaphore_mem>>)
      %dma_wait3A = arith.constant 0 : i32
      %dma_wait3A_14 = arith.constant 0 : i32
      %dma_wait3A_15 = tpu.memref_slice %arg4[%dma_wait3A, %dma_wait3A_14] : memref<32768x128xf32, #tpu.memory_space<hbm>> -> memref<32768x128xf32, #tpu.memory_space<hbm>>
      tpu.wait_indirect_dma semaphore(%arg7 : memref<!tpu.dma_semaphore, #tpu.memory_space<semaphore_mem>>) src(%arg6 : memref<128x128xf32, #tpu.memory_space<vmem>>) dst(%dma_wait3A_15 : memref<32768x128xf32, #tpu.memory_space<hbm>>)
    }
    %scan3A_5 = arith.constant 8 : i32
    return
  }
}

module attributes {stable_mosaic.version = 14 : i64} {
  func.func @_qkv_body(%arg0: i32, %arg1: i32, %arg2: memref<1024x256xf32, #tpu.memory_space<vmem>>, %arg3: memref<1x256x128xbf16, #tpu.memory_space<vmem>>, %arg4: memref<1x256x128xbf16, #tpu.memory_space<vmem>>, %arg5: memref<1x256x128xf32, #tpu.memory_space<vmem>>, %arg6: memref<1x1024x128xi32, #tpu.memory_space<vmem>>, %arg7: memref<1x1024x128xf32, #tpu.memory_space<vmem>>) attributes {dimension_semantics = [#tpu.dimension_semantics<arbitrary>, #tpu.dimension_semantics<arbitrary>], iteration_bounds = array<i64: 4, 8>, scalar_prefetch = 0 : i64, scratch_operands = 0 : i64, tpu.core_type = #tpu.core_type<tc>, window_params = [{transform_indices = @transform_0, window_bounds = array<i64: 1024, 256>}, {transform_indices = @transform_1, window_bounds = array<i64: 1, 256, 128>}, {transform_indices = @transform_2, window_bounds = array<i64: 1, 256, 128>}, {transform_indices = @transform_3, window_bounds = array<i64: 1, 256, 128>}, {transform_indices = @transform_4, window_bounds = array<i64: 1, 1024, 128>}, {transform_indices = @transform_5, window_bounds = array<i64: 1, 1024, 128>}]} {
    %get3A = arith.constant 0 : index
    %get3A_0 = arith.constant 0 : index
    %get3A_1 = vector.load %arg2[%get3A, %get3A_0] : memref<1024x256xf32, #tpu.memory_space<vmem>>, vector<1024x256xf32>
    %convert_element_type3A = arith.truncf %get3A_1 : vector<1024x256xf32> to vector<1024x256xbf16>
    %get3A_2 = arith.constant 0 : index
    %get3A_3 = arith.constant 0 : index
    %get3A_4 = arith.constant 0 : index
    %get3A_5 = vector.load %arg3[%get3A_2, %get3A_3, %get3A_4] : memref<1x256x128xbf16, #tpu.memory_space<vmem>>, vector<1x256x128xbf16>
    %get3A_6 = vector.shape_cast %get3A_5 : vector<1x256x128xbf16> to vector<256x128xbf16>
    %dot_general3A = arith.constant dense<0.000000e+00> : vector<1024x128xf32>
    %dot_general3A_7 = tpu.matmul %convert_element_type3A, %get3A_6, %dot_general3A {dimension_numbers = #tpu.dot_dimension_numbers<[1], [0], [0], [1], [0, 0, 1, 1], [], []>, transpose_lhs_hint = false} : vector<1024x256xbf16>, vector<256x128xbf16>, vector<1024x128xf32> -> vector<1024x128xf32>
    %get3A_8 = arith.constant 0 : index
    %get3A_9 = arith.constant 0 : index
    %get3A_10 = arith.constant 0 : index
    %get3A_11 = vector.load %arg4[%get3A_8, %get3A_9, %get3A_10] : memref<1x256x128xbf16, #tpu.memory_space<vmem>>, vector<1x256x128xbf16>
    %get3A_12 = vector.shape_cast %get3A_11 : vector<1x256x128xbf16> to vector<256x128xbf16>
    %dot_general3A_13 = arith.constant dense<0.000000e+00> : vector<1024x128xf32>
    %dot_general3A_14 = tpu.matmul %convert_element_type3A, %get3A_12, %dot_general3A_13 {dimension_numbers = #tpu.dot_dimension_numbers<[1], [0], [0], [1], [0, 0, 1, 1], [], []>, transpose_lhs_hint = false} : vector<1024x256xbf16>, vector<256x128xbf16>, vector<1024x128xf32> -> vector<1024x128xf32>
    %convert_element_type3A_15 = arith.truncf %dot_general3A_7 : vector<1024x128xf32> to vector<1024x128xbf16>
    %bitcast_convert_type3A = tpu.bitcast %convert_element_type3A_15 : vector<1024x128xbf16> -> vector<1024x128xi16>
    %convert_element_type3A_16 = arith.truncf %dot_general3A_14 : vector<1024x128xf32> to vector<1024x128xbf16>
    %bitcast_convert_type3A_17 = tpu.bitcast %convert_element_type3A_16 : vector<1024x128xbf16> -> vector<1024x128xi16>
    %convert_element_type3A_18 = arith.extui %bitcast_convert_type3A : vector<1024x128xi16> to vector<1024x128xi32>
    %convert_element_type3A_19 = arith.extui %bitcast_convert_type3A_17 : vector<1024x128xi16> to vector<1024x128xi32>
    %shift_left3A = arith.constant 16 : i32
    %shift_left3A_20 = vector.broadcast %shift_left3A : i32 to vector<1024x128xi32>
    %shift_left3A_21 = arith.shli %convert_element_type3A_19, %shift_left3A_20 : vector<1024x128xi32>
    %or3A = arith.ori %convert_element_type3A_18, %shift_left3A_21 : vector<1024x128xi32>
    %bitcast_convert_type3A_22 = tpu.bitcast %or3A : vector<1024x128xi32> -> vector<1024x128xi32>
    %swap3A = arith.constant 0 : index
    %swap3A_23 = arith.constant 0 : index
    %swap3A_24 = arith.constant 0 : index
    %swap3A_25 = vector.load %arg6[%swap3A, %swap3A_23, %swap3A_24] : memref<1x1024x128xi32, #tpu.memory_space<vmem>>, vector<1x1024x128xi32>
    %swap3A_26 = vector.shape_cast %swap3A_25 : vector<1x1024x128xi32> to vector<1024x128xi32>
    %swap3A_27 = vector.shape_cast %bitcast_convert_type3A_22 : vector<1024x128xi32> to vector<1x1024x128xi32>
    tpu.vector_store %arg6[%swap3A, %swap3A_23, %swap3A_24], %swap3A_27 {strides = array<i32>} : memref<1x1024x128xi32, #tpu.memory_space<vmem>>, vector<1x1024x128xi32>,
    %get3A_28 = arith.constant 0 : index
    %get3A_29 = arith.constant 0 : index
    %get3A_30 = arith.constant 0 : index
    %get3A_31 = vector.load %arg5[%get3A_28, %get3A_29, %get3A_30] : memref<1x256x128xf32, #tpu.memory_space<vmem>>, vector<1x256x128xf32>
    %get3A_32 = vector.shape_cast %get3A_31 : vector<1x256x128xf32> to vector<256x128xf32>
    %dot_general3A_33 = arith.constant dense<0.000000e+00> : vector<1024x128xf32>
    %dot_general3A_34 = tpu.matmul %get3A_1, %get3A_32, %dot_general3A_33 {dimension_numbers = #tpu.dot_dimension_numbers<[1], [0], [0], [1], [0, 0, 1, 1], [], []>, transpose_lhs_hint = false} : vector<1024x256xf32>, vector<256x128xf32>, vector<1024x128xf32> -> vector<1024x128xf32>
    %swap3A_35 = arith.constant 0 : index
    %swap3A_36 = arith.constant 0 : index
    %swap3A_37 = arith.constant 0 : index
    %swap3A_38 = vector.load %arg7[%swap3A_35, %swap3A_36, %swap3A_37] : memref<1x1024x128xf32, #tpu.memory_space<vmem>>, vector<1x1024x128xf32>
    %swap3A_39 = vector.shape_cast %swap3A_38 : vector<1x1024x128xf32> to vector<1024x128xf32>
    %swap3A_40 = vector.shape_cast %dot_general3A_34 : vector<1024x128xf32> to vector<1x1024x128xf32>
    tpu.vector_store %arg7[%swap3A_35, %swap3A_36, %swap3A_37], %swap3A_40 {strides = array<i32>} : memref<1x1024x128xf32, #tpu.memory_space<vmem>>, vector<1x1024x128xf32>,
    return
  }
  func.func @transform_0(%arg0: i32, %arg1: i32) -> (i32, i32) {
    %c0_i32 = arith.constant 0 : i32
    %c0_i32_0 = arith.constant 0 : i32
    return %arg0, %c0_i32 : i32, i32
  }
  func.func @transform_1(%arg0: i32, %arg1: i32) -> (i32, i32, i32) {
    %c0_i32 = arith.constant 0 : i32
    %c0_i32_0 = arith.constant 0 : i32
    %c0_i32_1 = arith.constant 0 : i32
    return %arg1, %c0_i32, %c0_i32_0 : i32, i32, i32
  }
  func.func @transform_2(%arg0: i32, %arg1: i32) -> (i32, i32, i32) {
    %c0_i32 = arith.constant 0 : i32
    %c0_i32_0 = arith.constant 0 : i32
    %c0_i32_1 = arith.constant 0 : i32
    return %arg1, %c0_i32, %c0_i32_0 : i32, i32, i32
  }
  func.func @transform_3(%arg0: i32, %arg1: i32) -> (i32, i32, i32) {
    %c0_i32 = arith.constant 0 : i32
    %c0_i32_0 = arith.constant 0 : i32
    %c0_i32_1 = arith.constant 0 : i32
    return %arg1, %c0_i32, %c0_i32_0 : i32, i32, i32
  }
  func.func @transform_4(%arg0: i32, %arg1: i32) -> (i32, i32, i32) {
    %c0_i32 = arith.constant 0 : i32
    %c0_i32_0 = arith.constant 0 : i32
    return %arg1, %arg0, %c0_i32 : i32, i32, i32
  }
  func.func @transform_5(%arg0: i32, %arg1: i32) -> (i32, i32, i32) {
    %c0_i32 = arith.constant 0 : i32
    %c0_i32_0 = arith.constant 0 : i32
    return %arg1, %arg0, %c0_i32 : i32, i32, i32
  }
}

module attributes {stable_mosaic.version = 14 : i64} {
  func.func @_attn_body(%arg0: i32, %arg1: memref<2048x128xi32, #tpu.memory_space<vmem>>, %arg2: memref<2048x128xf32, #tpu.memory_space<vmem>>, %arg3: memref<2048x128xf32, #tpu.memory_space<vmem>>) attributes {dimension_semantics = [#tpu.dimension_semantics<arbitrary>], iteration_bounds = array<i64: 16>, scalar_prefetch = 0 : i64, scratch_operands = 0 : i64, tpu.core_type = #tpu.core_type<tc>, window_params = [{transform_indices = @transform_0, window_bounds = array<i64: 2048, 128>}, {transform_indices = @transform_1, window_bounds = array<i64: 2048, 128>}, {transform_indices = @transform_2, window_bounds = array<i64: 2048, 128>}]} {
    %iota3A = tpu.iota {dimensions = array<i32: 1>} : vector<256x128xi32>
    %get3A = arith.constant 0 : index
    %get3A_0 = arith.constant 0 : index
    %get3A_1 = vector.load %arg1[%get3A, %get3A_0] : memref<2048x128xi32, #tpu.memory_space<vmem>>, vector<256x128xi32>
    %bitcast_convert_type3A = tpu.bitcast %get3A_1 : vector<256x128xi32> -> vector<256x128xi32>
    %and3A = arith.constant 65535 : i32
    %and3A_2 = vector.broadcast %and3A : i32 to vector<256x128xi32>
    %and3A_3 = arith.andi %bitcast_convert_type3A, %and3A_2 : vector<256x128xi32>
    %convert_element_type3A = arith.trunci %and3A_3 : vector<256x128xi32> to vector<256x128xi16>
    %bitcast_convert_type3A_4 = tpu.bitcast %convert_element_type3A : vector<256x128xi16> -> vector<256x128xbf16>
    %shift_right_logical3A = arith.constant 16 : i32
    %shift_right_logical3A_5 = vector.broadcast %shift_right_logical3A : i32 to vector<256x128xi32>
    %shift_right_logical3A_6 = arith.shrui %bitcast_convert_type3A, %shift_right_logical3A_5 : vector<256x128xi32>
    %convert_element_type3A_7 = arith.trunci %shift_right_logical3A_6 : vector<256x128xi32> to vector<256x128xi16>
    %bitcast_convert_type3A_8 = tpu.bitcast %convert_element_type3A_7 : vector<256x128xi16> -> vector<256x128xbf16>
    %get3A_9 = arith.constant 0 : index
    %get3A_10 = arith.constant 0 : index
    %get3A_11 = vector.load %arg2[%get3A_9, %get3A_10] : memref<2048x128xf32, #tpu.memory_space<vmem>>, vector<256x128xf32>
    %dot_general3A = arith.constant dense<0.000000e+00> : vector<256x256xf32>
    %dot_general3A_12 = tpu.matmul %bitcast_convert_type3A_4, %bitcast_convert_type3A_8, %dot_general3A {dimension_numbers = #tpu.dot_dimension_numbers<[1], [1], [0], [0], [0, 0, 1, 0], [], []>, transpose_lhs_hint = false} : vector<256x128xbf16>, vector<256x128xbf16>, vector<256x256xf32> -> vector<256x256xf32>
    %reduce_max3A = arith.constant dense<0xFF800000> : vector<256xf32>
    %reduce_max3A_13 = vector.multi_reduction <maximumf>, %dot_general3A_12, %reduce_max3A [1] : vector<256x256xf32> to vector<256xf32>
    %broadcast_in_dim3A = vector.shape_cast %reduce_max3A_13 : vector<256xf32> to vector<256x1xf32>
    %sub3A = vector.broadcast %broadcast_in_dim3A : vector<256x1xf32> to vector<256x256xf32>
    %sub3A_14 = arith.subf %dot_general3A_12, %sub3A : vector<256x256xf32>
    %exp3A = math.exp %sub3A_14 : vector<256x256xf32>
    %reduce_sum3A = arith.constant dense<0.000000e+00> : vector<256xf32>
    %reduce_sum3A_15 = vector.multi_reduction <add>, %exp3A, %reduce_sum3A [1] : vector<256x256xf32> to vector<256xf32>
    %broadcast_in_dim3A_16 = vector.shape_cast %reduce_sum3A_15 : vector<256xf32> to vector<256x1xf32>
    %log3A = math.log %broadcast_in_dim3A_16 : vector<256x1xf32>
    %add3A = arith.addf %broadcast_in_dim3A, %log3A : vector<256x1xf32>
    %dot_general3A_17 = arith.constant dense<0.000000e+00> : vector<256x128xf32>
    %dot_general3A_18 = tpu.matmul %exp3A, %get3A_11, %dot_general3A_17 {dimension_numbers = #tpu.dot_dimension_numbers<[1], [0], [0], [1], [0, 0, 1, 1], [], []>, transpose_lhs_hint = false} : vector<256x256xf32>, vector<256x128xf32>, vector<256x128xf32> -> vector<256x128xf32>
    %div3A = vector.broadcast %broadcast_in_dim3A_16 : vector<256x1xf32> to vector<256x128xf32>
    %div3A_19 = arith.divf %dot_general3A_18, %div3A : vector<256x128xf32>
    %eq3A = arith.constant 96 : i32
    %eq3A_20 = vector.broadcast %eq3A : i32 to vector<256x128xi32>
    %eq3A_21 = arith.cmpi eq, %iota3A, %eq3A_20 : vector<256x128xi32>
    %jit3A = arith.constant 0.000000e+00 : f32
    %broadcast_in_dim3A_22 = vector.shape_cast %add3A : vector<256x1xf32> to vector<256x1xf32>
    %broadcast_in_dim3A_23 = vector.broadcast %broadcast_in_dim3A_22 : vector<256x1xf32> to vector<256x128xf32>
    %broadcast_in_dim3A_24 = vector.broadcast %jit3A : f32 to vector<256x128xf32>
    %select_n3A = arith.select %eq3A_21, %broadcast_in_dim3A_23, %broadcast_in_dim3A_24 : vector<256x128xi1>, vector<256x128xf32>
    %add3A_25 = arith.addf %div3A_19, %select_n3A : vector<256x128xf32>
    %swap3A = arith.constant 0 : index
    %swap3A_26 = arith.constant 0 : index
    %swap3A_27 = vector.load %arg3[%swap3A, %swap3A_26] : memref<2048x128xf32, #tpu.memory_space<vmem>>, vector<256x128xf32>
    tpu.vector_store %arg3[%swap3A, %swap3A_26], %add3A_25 {strides = array<i32>} : memref<2048x128xf32, #tpu.memory_space<vmem>>, vector<256x128xf32>,
    %get3A_28 = arith.constant 256 : index
    %get3A_29 = arith.constant 0 : index
    %get3A_30 = vector.load %arg1[%get3A_28, %get3A_29] : memref<2048x128xi32, #tpu.memory_space<vmem>>, vector<256x128xi32>
    %bitcast_convert_type3A_31 = tpu.bitcast %get3A_30 : vector<256x128xi32> -> vector<256x128xi32>
    %and3A_32 = arith.constant 65535 : i32
    %and3A_33 = vector.broadcast %and3A_32 : i32 to vector<256x128xi32>
    %and3A_34 = arith.andi %bitcast_convert_type3A_31, %and3A_33 : vector<256x128xi32>
    %convert_element_type3A_35 = arith.trunci %and3A_34 : vector<256x128xi32> to vector<256x128xi16>
    %bitcast_convert_type3A_36 = tpu.bitcast %convert_element_type3A_35 : vector<256x128xi16> -> vector<256x128xbf16>
    %shift_right_logical3A_37 = arith.constant 16 : i32
    %shift_right_logical3A_38 = vector.broadcast %shift_right_logical3A_37 : i32 to vector<256x128xi32>
    %shift_right_logical3A_39 = arith.shrui %bitcast_convert_type3A_31, %shift_right_logical3A_38 : vector<256x128xi32>
    %convert_element_type3A_40 = arith.trunci %shift_right_logical3A_39 : vector<256x128xi32> to vector<256x128xi16>
    %bitcast_convert_type3A_41 = tpu.bitcast %convert_element_type3A_40 : vector<256x128xi16> -> vector<256x128xbf16>
    %get3A_42 = arith.constant 256 : index
    %get3A_43 = arith.constant 0 : index
    %get3A_44 = vector.load %arg2[%get3A_42, %get3A_43] : memref<2048x128xf32, #tpu.memory_space<vmem>>, vector<256x128xf32>
    %dot_general3A_45 = arith.constant dense<0.000000e+00> : vector<256x256xf32>
    %dot_general3A_46 = tpu.matmul %bitcast_convert_type3A_36, %bitcast_convert_type3A_41, %dot_general3A_45 {dimension_numbers = #tpu.dot_dimension_numbers<[1], [1], [0], [0], [0, 0, 1, 0], [], []>, transpose_lhs_hint = false} : vector<256x128xbf16>, vector<256x128xbf16>, vector<256x256xf32> -> vector<256x256xf32>
    %reduce_max3A_47 = arith.constant dense<0xFF800000> : vector<256xf32>
    %reduce_max3A_48 = vector.multi_reduction <maximumf>, %dot_general3A_46, %reduce_max3A_47 [1] : vector<256x256xf32> to vector<256xf32>
    %broadcast_in_dim3A_49 = vector.shape_cast %reduce_max3A_48 : vector<256xf32> to vector<256x1xf32>
    %sub3A_50 = vector.broadcast %broadcast_in_dim3A_49 : vector<256x1xf32> to vector<256x256xf32>
    %sub3A_51 = arith.subf %dot_general3A_46, %sub3A_50 : vector<256x256xf32>
    %exp3A_52 = math.exp %sub3A_51 : vector<256x256xf32>
    %reduce_sum3A_53 = arith.constant dense<0.000000e+00> : vector<256xf32>
    %reduce_sum3A_54 = vector.multi_reduction <add>, %exp3A_52, %reduce_sum3A_53 [1] : vector<256x256xf32> to vector<256xf32>
    %broadcast_in_dim3A_55 = vector.shape_cast %reduce_sum3A_54 : vector<256xf32> to vector<256x1xf32>
    %log3A_56 = math.log %broadcast_in_dim3A_55 : vector<256x1xf32>
    %add3A_57 = arith.addf %broadcast_in_dim3A_49, %log3A_56 : vector<256x1xf32>
    %dot_general3A_58 = arith.constant dense<0.000000e+00> : vector<256x128xf32>
    %dot_general3A_59 = tpu.matmul %exp3A_52, %get3A_44, %dot_general3A_58 {dimension_numbers = #tpu.dot_dimension_numbers<[1], [0], [0], [1], [0, 0, 1, 1], [], []>, transpose_lhs_hint = false} : vector<256x256xf32>, vector<256x128xf32>, vector<256x128xf32> -> vector<256x128xf32>
    %div3A_60 = vector.broadcast %broadcast_in_dim3A_55 : vector<256x1xf32> to vector<256x128xf32>
    %div3A_61 = arith.divf %dot_general3A_59, %div3A_60 : vector<256x128xf32>
    %eq3A_62 = arith.constant 96 : i32
    %eq3A_63 = vector.broadcast %eq3A_62 : i32 to vector<256x128xi32>
    %eq3A_64 = arith.cmpi eq, %iota3A, %eq3A_63 : vector<256x128xi32>
    %jit3A_65 = arith.constant 0.000000e+00 : f32
    %broadcast_in_dim3A_66 = vector.shape_cast %add3A_57 : vector<256x1xf32> to vector<256x1xf32>
    %broadcast_in_dim3A_67 = vector.broadcast %broadcast_in_dim3A_66 : vector<256x1xf32> to vector<256x128xf32>
    %broadcast_in_dim3A_68 = vector.broadcast %jit3A_65 : f32 to vector<256x128xf32>
    %select_n3A_69 = arith.select %eq3A_64, %broadcast_in_dim3A_67, %broadcast_in_dim3A_68 : vector<256x128xi1>, vector<256x128xf32>
    %add3A_70 = arith.addf %div3A_61, %select_n3A_69 : vector<256x128xf32>
    %swap3A_71 = arith.constant 256 : index
    %swap3A_72 = arith.constant 0 : index
    %swap3A_73 = vector.load %arg3[%swap3A_71, %swap3A_72] : memref<2048x128xf32, #tpu.memory_space<vmem>>, vector<256x128xf32>
    tpu.vector_store %arg3[%swap3A_71, %swap3A_72], %add3A_70 {strides = array<i32>} : memref<2048x128xf32, #tpu.memory_space<vmem>>, vector<256x128xf32>,
    %get3A_74 = arith.constant 512 : index
    %get3A_75 = arith.constant 0 : index
    %get3A_76 = vector.load %arg1[%get3A_74, %get3A_75] : memref<2048x128xi32, #tpu.memory_space<vmem>>, vector<256x128xi32>
    %bitcast_convert_type3A_77 = tpu.bitcast %get3A_76 : vector<256x128xi32> -> vector<256x128xi32>
    %and3A_78 = arith.constant 65535 : i32
    %and3A_79 = vector.broadcast %and3A_78 : i32 to vector<256x128xi32>
    %and3A_80 = arith.andi %bitcast_convert_type3A_77, %and3A_79 : vector<256x128xi32>
    %convert_element_type3A_81 = arith.trunci %and3A_80 : vector<256x128xi32> to vector<256x128xi16>
    %bitcast_convert_type3A_82 = tpu.bitcast %convert_element_type3A_81 : vector<256x128xi16> -> vector<256x128xbf16>
    %shift_right_logical3A_83 = arith.constant 16 : i32
    %shift_right_logical3A_84 = vector.broadcast %shift_right_logical3A_83 : i32 to vector<256x128xi32>
    %shift_right_logical3A_85 = arith.shrui %bitcast_convert_type3A_77, %shift_right_logical3A_84 : vector<256x128xi32>
    %convert_element_type3A_86 = arith.trunci %shift_right_logical3A_85 : vector<256x128xi32> to vector<256x128xi16>
    %bitcast_convert_type3A_87 = tpu.bitcast %convert_element_type3A_86 : vector<256x128xi16> -> vector<256x128xbf16>
    %get3A_88 = arith.constant 512 : index
    %get3A_89 = arith.constant 0 : index
    %get3A_90 = vector.load %arg2[%get3A_88, %get3A_89] : memref<2048x128xf32, #tpu.memory_space<vmem>>, vector<256x128xf32>
    %dot_general3A_91 = arith.constant dense<0.000000e+00> : vector<256x256xf32>
    %dot_general3A_92 = tpu.matmul %bitcast_convert_type3A_82, %bitcast_convert_type3A_87, %dot_general3A_91 {dimension_numbers = #tpu.dot_dimension_numbers<[1], [1], [0], [0], [0, 0, 1, 0], [], []>, transpose_lhs_hint = false} : vector<256x128xbf16>, vector<256x128xbf16>, vector<256x256xf32> -> vector<256x256xf32>
    %reduce_max3A_93 = arith.constant dense<0xFF800000> : vector<256xf32>
    %reduce_max3A_94 = vector.multi_reduction <maximumf>, %dot_general3A_92, %reduce_max3A_93 [1] : vector<256x256xf32> to vector<256xf32>
    %broadcast_in_dim3A_95 = vector.shape_cast %reduce_max3A_94 : vector<256xf32> to vector<256x1xf32>
    %sub3A_96 = vector.broadcast %broadcast_in_dim3A_95 : vector<256x1xf32> to vector<256x256xf32>
    %sub3A_97 = arith.subf %dot_general3A_92, %sub3A_96 : vector<256x256xf32>
    %exp3A_98 = math.exp %sub3A_97 : vector<256x256xf32>
    %reduce_sum3A_99 = arith.constant dense<0.000000e+00> : vector<256xf32>
    %reduce_sum3A_100 = vector.multi_reduction <add>, %exp3A_98, %reduce_sum3A_99 [1] : vector<256x256xf32> to vector<256xf32>
    %broadcast_in_dim3A_101 = vector.shape_cast %reduce_sum3A_100 : vector<256xf32> to vector<256x1xf32>
    %log3A_102 = math.log %broadcast_in_dim3A_101 : vector<256x1xf32>
    %add3A_103 = arith.addf %broadcast_in_dim3A_95, %log3A_102 : vector<256x1xf32>
    %dot_general3A_104 = arith.constant dense<0.000000e+00> : vector<256x128xf32>
    %dot_general3A_105 = tpu.matmul %exp3A_98, %get3A_90, %dot_general3A_104 {dimension_numbers = #tpu.dot_dimension_numbers<[1], [0], [0], [1], [0, 0, 1, 1], [], []>, transpose_lhs_hint = false} : vector<256x256xf32>, vector<256x128xf32>, vector<256x128xf32> -> vector<256x128xf32>
    %div3A_106 = vector.broadcast %broadcast_in_dim3A_101 : vector<256x1xf32> to vector<256x128xf32>
    %div3A_107 = arith.divf %dot_general3A_105, %div3A_106 : vector<256x128xf32>
    %eq3A_108 = arith.constant 96 : i32
    %eq3A_109 = vector.broadcast %eq3A_108 : i32 to vector<256x128xi32>
    %eq3A_110 = arith.cmpi eq, %iota3A, %eq3A_109 : vector<256x128xi32>
    %jit3A_111 = arith.constant 0.000000e+00 : f32
    %broadcast_in_dim3A_112 = vector.shape_cast %add3A_103 : vector<256x1xf32> to vector<256x1xf32>
    %broadcast_in_dim3A_113 = vector.broadcast %broadcast_in_dim3A_112 : vector<256x1xf32> to vector<256x128xf32>
    %broadcast_in_dim3A_114 = vector.broadcast %jit3A_111 : f32 to vector<256x128xf32>
    %select_n3A_115 = arith.select %eq3A_110, %broadcast_in_dim3A_113, %broadcast_in_dim3A_114 : vector<256x128xi1>, vector<256x128xf32>
    %add3A_116 = arith.addf %div3A_107, %select_n3A_115 : vector<256x128xf32>
    %swap3A_117 = arith.constant 512 : index
    %swap3A_118 = arith.constant 0 : index
    %swap3A_119 = vector.load %arg3[%swap3A_117, %swap3A_118] : memref<2048x128xf32, #tpu.memory_space<vmem>>, vector<256x128xf32>
    tpu.vector_store %arg3[%swap3A_117, %swap3A_118], %add3A_116 {strides = array<i32>} : memref<2048x128xf32, #tpu.memory_space<vmem>>, vector<256x128xf32>,
    %get3A_120 = arith.constant 768 : index
    %get3A_121 = arith.constant 0 : index
    %get3A_122 = vector.load %arg1[%get3A_120, %get3A_121] : memref<2048x128xi32, #tpu.memory_space<vmem>>, vector<256x128xi32>
    %bitcast_convert_type3A_123 = tpu.bitcast %get3A_122 : vector<256x128xi32> -> vector<256x128xi32>
    %and3A_124 = arith.constant 65535 : i32
    %and3A_125 = vector.broadcast %and3A_124 : i32 to vector<256x128xi32>
    %and3A_126 = arith.andi %bitcast_convert_type3A_123, %and3A_125 : vector<256x128xi32>
    %convert_element_type3A_127 = arith.trunci %and3A_126 : vector<256x128xi32> to vector<256x128xi16>
    %bitcast_convert_type3A_128 = tpu.bitcast %convert_element_type3A_127 : vector<256x128xi16> -> vector<256x128xbf16>
    %shift_right_logical3A_129 = arith.constant 16 : i32
    %shift_right_logical3A_130 = vector.broadcast %shift_right_logical3A_129 : i32 to vector<256x128xi32>
    %shift_right_logical3A_131 = arith.shrui %bitcast_convert_type3A_123, %shift_right_logical3A_130 : vector<256x128xi32>
    %convert_element_type3A_132 = arith.trunci %shift_right_logical3A_131 : vector<256x128xi32> to vector<256x128xi16>
    %bitcast_convert_type3A_133 = tpu.bitcast %convert_element_type3A_132 : vector<256x128xi16> -> vector<256x128xbf16>
    %get3A_134 = arith.constant 768 : index
    %get3A_135 = arith.constant 0 : index
    %get3A_136 = vector.load %arg2[%get3A_134, %get3A_135] : memref<2048x128xf32, #tpu.memory_space<vmem>>, vector<256x128xf32>
    %dot_general3A_137 = arith.constant dense<0.000000e+00> : vector<256x256xf32>
    %dot_general3A_138 = tpu.matmul %bitcast_convert_type3A_128, %bitcast_convert_type3A_133, %dot_general3A_137 {dimension_numbers = #tpu.dot_dimension_numbers<[1], [1], [0], [0], [0, 0, 1, 0], [], []>, transpose_lhs_hint = false} : vector<256x128xbf16>, vector<256x128xbf16>, vector<256x256xf32> -> vector<256x256xf32>
    %reduce_max3A_139 = arith.constant dense<0xFF800000> : vector<256xf32>
    %reduce_max3A_140 = vector.multi_reduction <maximumf>, %dot_general3A_138, %reduce_max3A_139 [1] : vector<256x256xf32> to vector<256xf32>
    %broadcast_in_dim3A_141 = vector.shape_cast %reduce_max3A_140 : vector<256xf32> to vector<256x1xf32>
    %sub3A_142 = vector.broadcast %broadcast_in_dim3A_141 : vector<256x1xf32> to vector<256x256xf32>
    %sub3A_143 = arith.subf %dot_general3A_138, %sub3A_142 : vector<256x256xf32>
    %exp3A_144 = math.exp %sub3A_143 : vector<256x256xf32>
    %reduce_sum3A_145 = arith.constant dense<0.000000e+00> : vector<256xf32>
    %reduce_sum3A_146 = vector.multi_reduction <add>, %exp3A_144, %reduce_sum3A_145 [1] : vector<256x256xf32> to vector<256xf32>
    %broadcast_in_dim3A_147 = vector.shape_cast %reduce_sum3A_146 : vector<256xf32> to vector<256x1xf32>
    %log3A_148 = math.log %broadcast_in_dim3A_147 : vector<256x1xf32>
    %add3A_149 = arith.addf %broadcast_in_dim3A_141, %log3A_148 : vector<256x1xf32>
    %dot_general3A_150 = arith.constant dense<0.000000e+00> : vector<256x128xf32>
    %dot_general3A_151 = tpu.matmul %exp3A_144, %get3A_136, %dot_general3A_150 {dimension_numbers = #tpu.dot_dimension_numbers<[1], [0], [0], [1], [0, 0, 1, 1], [], []>, transpose_lhs_hint = false} : vector<256x256xf32>, vector<256x128xf32>, vector<256x128xf32> -> vector<256x128xf32>
    %div3A_152 = vector.broadcast %broadcast_in_dim3A_147 : vector<256x1xf32> to vector<256x128xf32>
    %div3A_153 = arith.divf %dot_general3A_151, %div3A_152 : vector<256x128xf32>
    %eq3A_154 = arith.constant 96 : i32
    %eq3A_155 = vector.broadcast %eq3A_154 : i32 to vector<256x128xi32>
    %eq3A_156 = arith.cmpi eq, %iota3A, %eq3A_155 : vector<256x128xi32>
    %jit3A_157 = arith.constant 0.000000e+00 : f32
    %broadcast_in_dim3A_158 = vector.shape_cast %add3A_149 : vector<256x1xf32> to vector<256x1xf32>
    %broadcast_in_dim3A_159 = vector.broadcast %broadcast_in_dim3A_158 : vector<256x1xf32> to vector<256x128xf32>
    %broadcast_in_dim3A_160 = vector.broadcast %jit3A_157 : f32 to vector<256x128xf32>
    %select_n3A_161 = arith.select %eq3A_156, %broadcast_in_dim3A_159, %broadcast_in_dim3A_160 : vector<256x128xi1>, vector<256x128xf32>
    %add3A_162 = arith.addf %div3A_153, %select_n3A_161 : vector<256x128xf32>
    %swap3A_163 = arith.constant 768 : index
    %swap3A_164 = arith.constant 0 : index
    %swap3A_165 = vector.load %arg3[%swap3A_163, %swap3A_164] : memref<2048x128xf32, #tpu.memory_space<vmem>>, vector<256x128xf32>
    tpu.vector_store %arg3[%swap3A_163, %swap3A_164], %add3A_162 {strides = array<i32>} : memref<2048x128xf32, #tpu.memory_space<vmem>>, vector<256x128xf32>,
    %get3A_166 = arith.constant 1024 : index
    %get3A_167 = arith.constant 0 : index
    %get3A_168 = vector.load %arg1[%get3A_166, %get3A_167] : memref<2048x128xi32, #tpu.memory_space<vmem>>, vector<256x128xi32>
    %bitcast_convert_type3A_169 = tpu.bitcast %get3A_168 : vector<256x128xi32> -> vector<256x128xi32>
    %and3A_170 = arith.constant 65535 : i32
    %and3A_171 = vector.broadcast %and3A_170 : i32 to vector<256x128xi32>
    %and3A_172 = arith.andi %bitcast_convert_type3A_169, %and3A_171 : vector<256x128xi32>
    %convert_element_type3A_173 = arith.trunci %and3A_172 : vector<256x128xi32> to vector<256x128xi16>
    %bitcast_convert_type3A_174 = tpu.bitcast %convert_element_type3A_173 : vector<256x128xi16> -> vector<256x128xbf16>
    %shift_right_logical3A_175 = arith.constant 16 : i32
    %shift_right_logical3A_176 = vector.broadcast %shift_right_logical3A_175 : i32 to vector<256x128xi32>
    %shift_right_logical3A_177 = arith.shrui %bitcast_convert_type3A_169, %shift_right_logical3A_176 : vector<256x128xi32>
    %convert_element_type3A_178 = arith.trunci %shift_right_logical3A_177 : vector<256x128xi32> to vector<256x128xi16>
    %bitcast_convert_type3A_179 = tpu.bitcast %convert_element_type3A_178 : vector<256x128xi16> -> vector<256x128xbf16>
    %get3A_180 = arith.constant 1024 : index
    %get3A_181 = arith.constant 0 : index
    %get3A_182 = vector.load %arg2[%get3A_180, %get3A_181] : memref<2048x128xf32, #tpu.memory_space<vmem>>, vector<256x128xf32>
    %dot_general3A_183 = arith.constant dense<0.000000e+00> : vector<256x256xf32>
    %dot_general3A_184 = tpu.matmul %bitcast_convert_type3A_174, %bitcast_convert_type3A_179, %dot_general3A_183 {dimension_numbers = #tpu.dot_dimension_numbers<[1], [1], [0], [0], [0, 0, 1, 0], [], []>, transpose_lhs_hint = false} : vector<256x128xbf16>, vector<256x128xbf16>, vector<256x256xf32> -> vector<256x256xf32>
    %reduce_max3A_185 = arith.constant dense<0xFF800000> : vector<256xf32>
    %reduce_max3A_186 = vector.multi_reduction <maximumf>, %dot_general3A_184, %reduce_max3A_185 [1] : vector<256x256xf32> to vector<256xf32>
    %broadcast_in_dim3A_187 = vector.shape_cast %reduce_max3A_186 : vector<256xf32> to vector<256x1xf32>
    %sub3A_188 = vector.broadcast %broadcast_in_dim3A_187 : vector<256x1xf32> to vector<256x256xf32>
    %sub3A_189 = arith.subf %dot_general3A_184, %sub3A_188 : vector<256x256xf32>
    %exp3A_190 = math.exp %sub3A_189 : vector<256x256xf32>
    %reduce_sum3A_191 = arith.constant dense<0.000000e+00> : vector<256xf32>
    %reduce_sum3A_192 = vector.multi_reduction <add>, %exp3A_190, %reduce_sum3A_191 [1] : vector<256x256xf32> to vector<256xf32>
    %broadcast_in_dim3A_193 = vector.shape_cast %reduce_sum3A_192 : vector<256xf32> to vector<256x1xf32>
    %log3A_194 = math.log %broadcast_in_dim3A_193 : vector<256x1xf32>
    %add3A_195 = arith.addf %broadcast_in_dim3A_187, %log3A_194 : vector<256x1xf32>
    %dot_general3A_196 = arith.constant dense<0.000000e+00> : vector<256x128xf32>
    %dot_general3A_197 = tpu.matmul %exp3A_190, %get3A_182, %dot_general3A_196 {dimension_numbers = #tpu.dot_dimension_numbers<[1], [0], [0], [1], [0, 0, 1, 1], [], []>, transpose_lhs_hint = false} : vector<256x256xf32>, vector<256x128xf32>, vector<256x128xf32> -> vector<256x128xf32>
    %div3A_198 = vector.broadcast %broadcast_in_dim3A_193 : vector<256x1xf32> to vector<256x128xf32>
    %div3A_199 = arith.divf %dot_general3A_197, %div3A_198 : vector<256x128xf32>
    %eq3A_200 = arith.constant 96 : i32
    %eq3A_201 = vector.broadcast %eq3A_200 : i32 to vector<256x128xi32>
    %eq3A_202 = arith.cmpi eq, %iota3A, %eq3A_201 : vector<256x128xi32>
    %jit3A_203 = arith.constant 0.000000e+00 : f32
    %broadcast_in_dim3A_204 = vector.shape_cast %add3A_195 : vector<256x1xf32> to vector<256x1xf32>
    %broadcast_in_dim3A_205 = vector.broadcast %broadcast_in_dim3A_204 : vector<256x1xf32> to vector<256x128xf32>
    %broadcast_in_dim3A_206 = vector.broadcast %jit3A_203 : f32 to vector<256x128xf32>
    %select_n3A_207 = arith.select %eq3A_202, %broadcast_in_dim3A_205, %broadcast_in_dim3A_206 : vector<256x128xi1>, vector<256x128xf32>
    %add3A_208 = arith.addf %div3A_199, %select_n3A_207 : vector<256x128xf32>
    %swap3A_209 = arith.constant 1024 : index
    %swap3A_210 = arith.constant 0 : index
    %swap3A_211 = vector.load %arg3[%swap3A_209, %swap3A_210] : memref<2048x128xf32, #tpu.memory_space<vmem>>, vector<256x128xf32>
    tpu.vector_store %arg3[%swap3A_209, %swap3A_210], %add3A_208 {strides = array<i32>} : memref<2048x128xf32, #tpu.memory_space<vmem>>, vector<256x128xf32>,
    %get3A_212 = arith.constant 1280 : index
    %get3A_213 = arith.constant 0 : index
    %get3A_214 = vector.load %arg1[%get3A_212, %get3A_213] : memref<2048x128xi32, #tpu.memory_space<vmem>>, vector<256x128xi32>
    %bitcast_convert_type3A_215 = tpu.bitcast %get3A_214 : vector<256x128xi32> -> vector<256x128xi32>
    %and3A_216 = arith.constant 65535 : i32
    %and3A_217 = vector.broadcast %and3A_216 : i32 to vector<256x128xi32>
    %and3A_218 = arith.andi %bitcast_convert_type3A_215, %and3A_217 : vector<256x128xi32>
    %convert_element_type3A_219 = arith.trunci %and3A_218 : vector<256x128xi32> to vector<256x128xi16>
    %bitcast_convert_type3A_220 = tpu.bitcast %convert_element_type3A_219 : vector<256x128xi16> -> vector<256x128xbf16>
    %shift_right_logical3A_221 = arith.constant 16 : i32
    %shift_right_logical3A_222 = vector.broadcast %shift_right_logical3A_221 : i32 to vector<256x128xi32>
    %shift_right_logical3A_223 = arith.shrui %bitcast_convert_type3A_215, %shift_right_logical3A_222 : vector<256x128xi32>
    %convert_element_type3A_224 = arith.trunci %shift_right_logical3A_223 : vector<256x128xi32> to vector<256x128xi16>
    %bitcast_convert_type3A_225 = tpu.bitcast %convert_element_type3A_224 : vector<256x128xi16> -> vector<256x128xbf16>
    %get3A_226 = arith.constant 1280 : index
    %get3A_227 = arith.constant 0 : index
    %get3A_228 = vector.load %arg2[%get3A_226, %get3A_227] : memref<2048x128xf32, #tpu.memory_space<vmem>>, vector<256x128xf32>
    %dot_general3A_229 = arith.constant dense<0.000000e+00> : vector<256x256xf32>
    %dot_general3A_230 = tpu.matmul %bitcast_convert_type3A_220, %bitcast_convert_type3A_225, %dot_general3A_229 {dimension_numbers = #tpu.dot_dimension_numbers<[1], [1], [0], [0], [0, 0, 1, 0], [], []>, transpose_lhs_hint = false} : vector<256x128xbf16>, vector<256x128xbf16>, vector<256x256xf32> -> vector<256x256xf32>
    %reduce_max3A_231 = arith.constant dense<0xFF800000> : vector<256xf32>
    %reduce_max3A_232 = vector.multi_reduction <maximumf>, %dot_general3A_230, %reduce_max3A_231 [1] : vector<256x256xf32> to vector<256xf32>
    %broadcast_in_dim3A_233 = vector.shape_cast %reduce_max3A_232 : vector<256xf32> to vector<256x1xf32>
    %sub3A_234 = vector.broadcast %broadcast_in_dim3A_233 : vector<256x1xf32> to vector<256x256xf32>
    %sub3A_235 = arith.subf %dot_general3A_230, %sub3A_234 : vector<256x256xf32>
    %exp3A_236 = math.exp %sub3A_235 : vector<256x256xf32>
    %reduce_sum3A_237 = arith.constant dense<0.000000e+00> : vector<256xf32>
    %reduce_sum3A_238 = vector.multi_reduction <add>, %exp3A_236, %reduce_sum3A_237 [1] : vector<256x256xf32> to vector<256xf32>
    %broadcast_in_dim3A_239 = vector.shape_cast %reduce_sum3A_238 : vector<256xf32> to vector<256x1xf32>
    %log3A_240 = math.log %broadcast_in_dim3A_239 : vector<256x1xf32>
    %add3A_241 = arith.addf %broadcast_in_dim3A_233, %log3A_240 : vector<256x1xf32>
    %dot_general3A_242 = arith.constant dense<0.000000e+00> : vector<256x128xf32>
    %dot_general3A_243 = tpu.matmul %exp3A_236, %get3A_228, %dot_general3A_242 {dimension_numbers = #tpu.dot_dimension_numbers<[1], [0], [0], [1], [0, 0, 1, 1], [], []>, transpose_lhs_hint = false} : vector<256x256xf32>, vector<256x128xf32>, vector<256x128xf32> -> vector<256x128xf32>
    %div3A_244 = vector.broadcast %broadcast_in_dim3A_239 : vector<256x1xf32> to vector<256x128xf32>
    %div3A_245 = arith.divf %dot_general3A_243, %div3A_244 : vector<256x128xf32>
    %eq3A_246 = arith.constant 96 : i32
    %eq3A_247 = vector.broadcast %eq3A_246 : i32 to vector<256x128xi32>
    %eq3A_248 = arith.cmpi eq, %iota3A, %eq3A_247 : vector<256x128xi32>
    %jit3A_249 = arith.constant 0.000000e+00 : f32
    %broadcast_in_dim3A_250 = vector.shape_cast %add3A_241 : vector<256x1xf32> to vector<256x1xf32>
    %broadcast_in_dim3A_251 = vector.broadcast %broadcast_in_dim3A_250 : vector<256x1xf32> to vector<256x128xf32>
    %broadcast_in_dim3A_252 = vector.broadcast %jit3A_249 : f32 to vector<256x128xf32>
    %select_n3A_253 = arith.select %eq3A_248, %broadcast_in_dim3A_251, %broadcast_in_dim3A_252 : vector<256x128xi1>, vector<256x128xf32>
    %add3A_254 = arith.addf %div3A_245, %select_n3A_253 : vector<256x128xf32>
    %swap3A_255 = arith.constant 1280 : index
    %swap3A_256 = arith.constant 0 : index
    %swap3A_257 = vector.load %arg3[%swap3A_255, %swap3A_256] : memref<2048x128xf32, #tpu.memory_space<vmem>>, vector<256x128xf32>
    tpu.vector_store %arg3[%swap3A_255, %swap3A_256], %add3A_254 {strides = array<i32>} : memref<2048x128xf32, #tpu.memory_space<vmem>>, vector<256x128xf32>,
    %get3A_258 = arith.constant 1536 : index
    %get3A_259 = arith.constant 0 : index
    %get3A_260 = vector.load %arg1[%get3A_258, %get3A_259] : memref<2048x128xi32, #tpu.memory_space<vmem>>, vector<256x128xi32>
    %bitcast_convert_type3A_261 = tpu.bitcast %get3A_260 : vector<256x128xi32> -> vector<256x128xi32>
    %and3A_262 = arith.constant 65535 : i32
    %and3A_263 = vector.broadcast %and3A_262 : i32 to vector<256x128xi32>
    %and3A_264 = arith.andi %bitcast_convert_type3A_261, %and3A_263 : vector<256x128xi32>
    %convert_element_type3A_265 = arith.trunci %and3A_264 : vector<256x128xi32> to vector<256x128xi16>
    %bitcast_convert_type3A_266 = tpu.bitcast %convert_element_type3A_265 : vector<256x128xi16> -> vector<256x128xbf16>
    %shift_right_logical3A_267 = arith.constant 16 : i32
    %shift_right_logical3A_268 = vector.broadcast %shift_right_logical3A_267 : i32 to vector<256x128xi32>
    %shift_right_logical3A_269 = arith.shrui %bitcast_convert_type3A_261, %shift_right_logical3A_268 : vector<256x128xi32>
    %convert_element_type3A_270 = arith.trunci %shift_right_logical3A_269 : vector<256x128xi32> to vector<256x128xi16>
    %bitcast_convert_type3A_271 = tpu.bitcast %convert_element_type3A_270 : vector<256x128xi16> -> vector<256x128xbf16>
    %get3A_272 = arith.constant 1536 : index
    %get3A_273 = arith.constant 0 : index
    %get3A_274 = vector.load %arg2[%get3A_272, %get3A_273] : memref<2048x128xf32, #tpu.memory_space<vmem>>, vector<256x128xf32>
    %dot_general3A_275 = arith.constant dense<0.000000e+00> : vector<256x256xf32>
    %dot_general3A_276 = tpu.matmul %bitcast_convert_type3A_266, %bitcast_convert_type3A_271, %dot_general3A_275 {dimension_numbers = #tpu.dot_dimension_numbers<[1], [1], [0], [0], [0, 0, 1, 0], [], []>, transpose_lhs_hint = false} : vector<256x128xbf16>, vector<256x128xbf16>, vector<256x256xf32> -> vector<256x256xf32>
    %reduce_max3A_277 = arith.constant dense<0xFF800000> : vector<256xf32>
    %reduce_max3A_278 = vector.multi_reduction <maximumf>, %dot_general3A_276, %reduce_max3A_277 [1] : vector<256x256xf32> to vector<256xf32>
    %broadcast_in_dim3A_279 = vector.shape_cast %reduce_max3A_278 : vector<256xf32> to vector<256x1xf32>
    %sub3A_280 = vector.broadcast %broadcast_in_dim3A_279 : vector<256x1xf32> to vector<256x256xf32>
    %sub3A_281 = arith.subf %dot_general3A_276, %sub3A_280 : vector<256x256xf32>
    %exp3A_282 = math.exp %sub3A_281 : vector<256x256xf32>
    %reduce_sum3A_283 = arith.constant dense<0.000000e+00> : vector<256xf32>
    %reduce_sum3A_284 = vector.multi_reduction <add>, %exp3A_282, %reduce_sum3A_283 [1] : vector<256x256xf32> to vector<256xf32>
    %broadcast_in_dim3A_285 = vector.shape_cast %reduce_sum3A_284 : vector<256xf32> to vector<256x1xf32>
    %log3A_286 = math.log %broadcast_in_dim3A_285 : vector<256x1xf32>
    %add3A_287 = arith.addf %broadcast_in_dim3A_279, %log3A_286 : vector<256x1xf32>
    %dot_general3A_288 = arith.constant dense<0.000000e+00> : vector<256x128xf32>
    %dot_general3A_289 = tpu.matmul %exp3A_282, %get3A_274, %dot_general3A_288 {dimension_numbers = #tpu.dot_dimension_numbers<[1], [0], [0], [1], [0, 0, 1, 1], [], []>, transpose_lhs_hint = false} : vector<256x256xf32>, vector<256x128xf32>, vector<256x128xf32> -> vector<256x128xf32>
    %div3A_290 = vector.broadcast %broadcast_in_dim3A_285 : vector<256x1xf32> to vector<256x128xf32>
    %div3A_291 = arith.divf %dot_general3A_289, %div3A_290 : vector<256x128xf32>
    %eq3A_292 = arith.constant 96 : i32
    %eq3A_293 = vector.broadcast %eq3A_292 : i32 to vector<256x128xi32>
    %eq3A_294 = arith.cmpi eq, %iota3A, %eq3A_293 : vector<256x128xi32>
    %jit3A_295 = arith.constant 0.000000e+00 : f32
    %broadcast_in_dim3A_296 = vector.shape_cast %add3A_287 : vector<256x1xf32> to vector<256x1xf32>
    %broadcast_in_dim3A_297 = vector.broadcast %broadcast_in_dim3A_296 : vector<256x1xf32> to vector<256x128xf32>
    %broadcast_in_dim3A_298 = vector.broadcast %jit3A_295 : f32 to vector<256x128xf32>
    %select_n3A_299 = arith.select %eq3A_294, %broadcast_in_dim3A_297, %broadcast_in_dim3A_298 : vector<256x128xi1>, vector<256x128xf32>
    %add3A_300 = arith.addf %div3A_291, %select_n3A_299 : vector<256x128xf32>
    %swap3A_301 = arith.constant 1536 : index
    %swap3A_302 = arith.constant 0 : index
    %swap3A_303 = vector.load %arg3[%swap3A_301, %swap3A_302] : memref<2048x128xf32, #tpu.memory_space<vmem>>, vector<256x128xf32>
    tpu.vector_store %arg3[%swap3A_301, %swap3A_302], %add3A_300 {strides = array<i32>} : memref<2048x128xf32, #tpu.memory_space<vmem>>, vector<256x128xf32>,
    %get3A_304 = arith.constant 1792 : index
    %get3A_305 = arith.constant 0 : index
    %get3A_306 = vector.load %arg1[%get3A_304, %get3A_305] : memref<2048x128xi32, #tpu.memory_space<vmem>>, vector<256x128xi32>
    %bitcast_convert_type3A_307 = tpu.bitcast %get3A_306 : vector<256x128xi32> -> vector<256x128xi32>
    %and3A_308 = arith.constant 65535 : i32
    %and3A_309 = vector.broadcast %and3A_308 : i32 to vector<256x128xi32>
    %and3A_310 = arith.andi %bitcast_convert_type3A_307, %and3A_309 : vector<256x128xi32>
    %convert_element_type3A_311 = arith.trunci %and3A_310 : vector<256x128xi32> to vector<256x128xi16>
    %bitcast_convert_type3A_312 = tpu.bitcast %convert_element_type3A_311 : vector<256x128xi16> -> vector<256x128xbf16>
    %shift_right_logical3A_313 = arith.constant 16 : i32
    %shift_right_logical3A_314 = vector.broadcast %shift_right_logical3A_313 : i32 to vector<256x128xi32>
    %shift_right_logical3A_315 = arith.shrui %bitcast_convert_type3A_307, %shift_right_logical3A_314 : vector<256x128xi32>
    %convert_element_type3A_316 = arith.trunci %shift_right_logical3A_315 : vector<256x128xi32> to vector<256x128xi16>
    %bitcast_convert_type3A_317 = tpu.bitcast %convert_element_type3A_316 : vector<256x128xi16> -> vector<256x128xbf16>
    %get3A_318 = arith.constant 1792 : index
    %get3A_319 = arith.constant 0 : index
    %get3A_320 = vector.load %arg2[%get3A_318, %get3A_319] : memref<2048x128xf32, #tpu.memory_space<vmem>>, vector<256x128xf32>
    %dot_general3A_321 = arith.constant dense<0.000000e+00> : vector<256x256xf32>
    %dot_general3A_322 = tpu.matmul %bitcast_convert_type3A_312, %bitcast_convert_type3A_317, %dot_general3A_321 {dimension_numbers = #tpu.dot_dimension_numbers<[1], [1], [0], [0], [0, 0, 1, 0], [], []>, transpose_lhs_hint = false} : vector<256x128xbf16>, vector<256x128xbf16>, vector<256x256xf32> -> vector<256x256xf32>
    %reduce_max3A_323 = arith.constant dense<0xFF800000> : vector<256xf32>
    %reduce_max3A_324 = vector.multi_reduction <maximumf>, %dot_general3A_322, %reduce_max3A_323 [1] : vector<256x256xf32> to vector<256xf32>
    %broadcast_in_dim3A_325 = vector.shape_cast %reduce_max3A_324 : vector<256xf32> to vector<256x1xf32>
    %sub3A_326 = vector.broadcast %broadcast_in_dim3A_325 : vector<256x1xf32> to vector<256x256xf32>
    %sub3A_327 = arith.subf %dot_general3A_322, %sub3A_326 : vector<256x256xf32>
    %exp3A_328 = math.exp %sub3A_327 : vector<256x256xf32>
    %reduce_sum3A_329 = arith.constant dense<0.000000e+00> : vector<256xf32>
    %reduce_sum3A_330 = vector.multi_reduction <add>, %exp3A_328, %reduce_sum3A_329 [1] : vector<256x256xf32> to vector<256xf32>
    %broadcast_in_dim3A_331 = vector.shape_cast %reduce_sum3A_330 : vector<256xf32> to vector<256x1xf32>
    %log3A_332 = math.log %broadcast_in_dim3A_331 : vector<256x1xf32>
    %add3A_333 = arith.addf %broadcast_in_dim3A_325, %log3A_332 : vector<256x1xf32>
    %dot_general3A_334 = arith.constant dense<0.000000e+00> : vector<256x128xf32>
    %dot_general3A_335 = tpu.matmul %exp3A_328, %get3A_320, %dot_general3A_334 {dimension_numbers = #tpu.dot_dimension_numbers<[1], [0], [0], [1], [0, 0, 1, 1], [], []>, transpose_lhs_hint = false} : vector<256x256xf32>, vector<256x128xf32>, vector<256x128xf32> -> vector<256x128xf32>
    %div3A_336 = vector.broadcast %broadcast_in_dim3A_331 : vector<256x1xf32> to vector<256x128xf32>
    %div3A_337 = arith.divf %dot_general3A_335, %div3A_336 : vector<256x128xf32>
    %eq3A_338 = arith.constant 96 : i32
    %eq3A_339 = vector.broadcast %eq3A_338 : i32 to vector<256x128xi32>
    %eq3A_340 = arith.cmpi eq, %iota3A, %eq3A_339 : vector<256x128xi32>
    %jit3A_341 = arith.constant 0.000000e+00 : f32
    %broadcast_in_dim3A_342 = vector.shape_cast %add3A_333 : vector<256x1xf32> to vector<256x1xf32>
    %broadcast_in_dim3A_343 = vector.broadcast %broadcast_in_dim3A_342 : vector<256x1xf32> to vector<256x128xf32>
    %broadcast_in_dim3A_344 = vector.broadcast %jit3A_341 : f32 to vector<256x128xf32>
    %select_n3A_345 = arith.select %eq3A_340, %broadcast_in_dim3A_343, %broadcast_in_dim3A_344 : vector<256x128xi1>, vector<256x128xf32>
    %add3A_346 = arith.addf %div3A_337, %select_n3A_345 : vector<256x128xf32>
    %swap3A_347 = arith.constant 1792 : index
    %swap3A_348 = arith.constant 0 : index
    %swap3A_349 = vector.load %arg3[%swap3A_347, %swap3A_348] : memref<2048x128xf32, #tpu.memory_space<vmem>>, vector<256x128xf32>
    tpu.vector_store %arg3[%swap3A_347, %swap3A_348], %add3A_346 {strides = array<i32>} : memref<2048x128xf32, #tpu.memory_space<vmem>>, vector<256x128xf32>,
    return
  }
  func.func @transform_0(%arg0: i32) -> (i32, i32) {
    %c0_i32 = arith.constant 0 : i32
    %c0_i32_0 = arith.constant 0 : i32
    return %arg0, %c0_i32 : i32, i32
  }
  func.func @transform_1(%arg0: i32) -> (i32, i32) {
    %c0_i32 = arith.constant 0 : i32
    %c0_i32_0 = arith.constant 0 : i32
    return %arg0, %c0_i32 : i32, i32
  }
  func.func @transform_2(%arg0: i32) -> (i32, i32) {
    %c0_i32 = arith.constant 0 : i32
    %c0_i32_0 = arith.constant 0 : i32
    return %arg0, %c0_i32 : i32, i32
  }
}

module attributes {stable_mosaic.version = 14 : i64} {
  func.func @_combine_body(%arg0: i32, %arg1: i32, %arg2: memref<1x1024x128xf32, #tpu.memory_space<vmem>>, %arg3: memref<1x1024x128xf32, #tpu.memory_space<vmem>>, %arg4: memref<1x128x256xf32, #tpu.memory_space<vmem>>, %arg5: memref<1024x256xf32, #tpu.memory_space<vmem>>) attributes {dimension_semantics = [#tpu.dimension_semantics<arbitrary>, #tpu.dimension_semantics<arbitrary>], iteration_bounds = array<i64: 4, 8>, scalar_prefetch = 0 : i64, scratch_operands = 0 : i64, tpu.core_type = #tpu.core_type<tc>, window_params = [{transform_indices = @transform_0, window_bounds = array<i64: 1, 1024, 128>}, {transform_indices = @transform_1, window_bounds = array<i64: 1, 1024, 128>}, {transform_indices = @transform_2, window_bounds = array<i64: 1, 128, 256>}, {transform_indices = @transform_3, window_bounds = array<i64: 1024, 256>}]} {
    %get3A = arith.constant 0 : index
    %get3A_0 = arith.constant 0 : index
    %get3A_1 = arith.constant 0 : index
    %get3A_2 = vector.load %arg2[%get3A, %get3A_0, %get3A_1] : memref<1x1024x128xf32, #tpu.memory_space<vmem>>, vector<1x1024x128xf32>
    %get3A_3 = vector.shape_cast %get3A_2 : vector<1x1024x128xf32> to vector<1024x128xf32>
    %get3A_4 = arith.constant 0 : index
    %get3A_5 = arith.constant 0 : index
    %get3A_6 = arith.constant 0 : index
    %get3A_7 = vector.load %arg3[%get3A_4, %get3A_5, %get3A_6] : memref<1x1024x128xf32, #tpu.memory_space<vmem>>, vector<1x1024x128xf32>
    %get3A_8 = vector.shape_cast %get3A_7 : vector<1x1024x128xf32> to vector<1024x128xf32>
    %iota3A = tpu.iota {dimensions = array<i32: 1>} : vector<1024x128xi32>
    %eq3A = arith.constant 96 : i32
    %eq3A_9 = vector.broadcast %eq3A : i32 to vector<1024x128xi32>
    %eq3A_10 = arith.cmpi eq, %iota3A, %eq3A_9 : vector<1024x128xi32>
    %jit3A = arith.constant 1.000000e+00 : f32
    %jit3A_11 = arith.constant 0.000000e+00 : f32
    %broadcast_in_dim3A = vector.broadcast %jit3A : f32 to vector<1024x128xf32>
    %broadcast_in_dim3A_12 = vector.broadcast %jit3A_11 : f32 to vector<1024x128xf32>
    %select_n3A = arith.select %eq3A_10, %broadcast_in_dim3A, %broadcast_in_dim3A_12 : vector<1024x128xi1>, vector<1024x128xf32>
    %mul3A = arith.mulf %get3A_3, %select_n3A : vector<1024x128xf32>
    %reduce_sum3A = arith.constant dense<0.000000e+00> : vector<1024xf32>
    %reduce_sum3A_13 = vector.multi_reduction <add>, %mul3A, %reduce_sum3A [1] : vector<1024x128xf32> to vector<1024xf32>
    %broadcast_in_dim3A_14 = vector.shape_cast %reduce_sum3A_13 : vector<1024xf32> to vector<1024x1xf32>
    %mul3A_15 = arith.mulf %get3A_8, %select_n3A : vector<1024x128xf32>
    %reduce_sum3A_16 = arith.constant dense<0.000000e+00> : vector<1024xf32>
    %reduce_sum3A_17 = vector.multi_reduction <add>, %mul3A_15, %reduce_sum3A_16 [1] : vector<1024x128xf32> to vector<1024xf32>
    %broadcast_in_dim3A_18 = vector.shape_cast %reduce_sum3A_17 : vector<1024xf32> to vector<1024x1xf32>
    %max3A = arith.maximumf %broadcast_in_dim3A_14, %broadcast_in_dim3A_18 : vector<1024x1xf32>
    %sub3A = arith.subf %broadcast_in_dim3A_14, %max3A : vector<1024x1xf32>
    %exp3A = math.exp %sub3A : vector<1024x1xf32>
    %sub3A_19 = arith.subf %broadcast_in_dim3A_18, %max3A : vector<1024x1xf32>
    %exp3A_20 = math.exp %sub3A_19 : vector<1024x1xf32>
    %add3A = arith.addf %exp3A, %exp3A_20 : vector<1024x1xf32>
    %div3A = arith.constant 1.000000e+00 : f32
    %div3A_21 = vector.broadcast %div3A : f32 to vector<1024x1xf32>
    %div3A_22 = arith.divf %div3A_21, %add3A : vector<1024x1xf32>
    %mul3A_23 = arith.mulf %exp3A, %div3A_22 : vector<1024x1xf32>
    %mul3A_24 = vector.broadcast %mul3A_23 : vector<1024x1xf32> to vector<1024x128xf32>
    %mul3A_25 = arith.mulf %get3A_3, %mul3A_24 : vector<1024x128xf32>
    %mul3A_26 = arith.mulf %exp3A_20, %div3A_22 : vector<1024x1xf32>
    %mul3A_27 = vector.broadcast %mul3A_26 : vector<1024x1xf32> to vector<1024x128xf32>
    %mul3A_28 = arith.mulf %get3A_8, %mul3A_27 : vector<1024x128xf32>
    %add3A_29 = arith.addf %mul3A_25, %mul3A_28 : vector<1024x128xf32>
    %get3A_30 = arith.constant 0 : index
    %get3A_31 = arith.constant 0 : index
    %get3A_32 = arith.constant 0 : index
    %get3A_33 = vector.load %arg4[%get3A_30, %get3A_31, %get3A_32] : memref<1x128x256xf32, #tpu.memory_space<vmem>>, vector<1x128x256xf32>
    %get3A_34 = vector.shape_cast %get3A_33 : vector<1x128x256xf32> to vector<128x256xf32>
    %dot_general3A = arith.constant dense<0.000000e+00> : vector<1024x256xf32>
    %dot_general3A_35 = tpu.matmul %add3A_29, %get3A_34, %dot_general3A {dimension_numbers = #tpu.dot_dimension_numbers<[1], [0], [0], [1], [0, 0, 1, 1], [], []>, transpose_lhs_hint = false} : vector<1024x128xf32>, vector<128x256xf32>, vector<1024x256xf32> -> vector<1024x256xf32>
    %eq3A_36 = arith.constant 0 : i32
    %eq3A_37 = arith.cmpi eq, %arg1, %eq3A_36 : i32
    %convert_element_type3A = arith.extui %eq3A_37 : i1 to i32
    %cond3A = arith.constant 0 : i32
    %cond3A_38 = arith.cmpi ne, %convert_element_type3A, %cond3A : i32
    scf.if %cond3A_38 {
      %swap3A = arith.constant 0 : index
      %swap3A_43 = arith.constant 0 : index
      %swap3A_44 = vector.load %arg5[%swap3A, %swap3A_43] : memref<1024x256xf32, #tpu.memory_space<vmem>>, vector<1024x256xf32>
      tpu.vector_store %arg5[%swap3A, %swap3A_43], %dot_general3A_35 {strides = array<i32>} : memref<1024x256xf32, #tpu.memory_space<vmem>>, vector<1024x256xf32>,
    } else {
    }
    %gt3A = arith.constant 0 : i32
    %gt3A_39 = arith.cmpi sgt, %arg1, %gt3A : i32
    %convert_element_type3A_40 = arith.extui %gt3A_39 : i1 to i32
    %cond3A_41 = arith.constant 0 : i32
    %cond3A_42 = arith.cmpi ne, %convert_element_type3A_40, %cond3A_41 : i32
    scf.if %cond3A_42 {
      %get3A_43 = arith.constant 0 : index
      %get3A_44 = arith.constant 0 : index
      %get3A_45 = vector.load %arg5[%get3A_43, %get3A_44] : memref<1024x256xf32, #tpu.memory_space<vmem>>, vector<1024x256xf32>
      %add3A_46 = arith.addf %get3A_45, %dot_general3A_35 : vector<1024x256xf32>
      %swap3A = arith.constant 0 : index
      %swap3A_47 = arith.constant 0 : index
      %swap3A_48 = vector.load %arg5[%swap3A, %swap3A_47] : memref<1024x256xf32, #tpu.memory_space<vmem>>, vector<1024x256xf32>
      tpu.vector_store %arg5[%swap3A, %swap3A_47], %add3A_46 {strides = array<i32>} : memref<1024x256xf32, #tpu.memory_space<vmem>>, vector<1024x256xf32>,
    } else {
    }
    return
  }
  func.func @transform_0(%arg0: i32, %arg1: i32) -> (i32, i32, i32) {
    %c0_i32 = arith.constant 0 : i32
    %c0_i32_0 = arith.constant 0 : i32
    return %arg1, %arg0, %c0_i32 : i32, i32, i32
  }
  func.func @transform_1(%arg0: i32, %arg1: i32) -> (i32, i32, i32) {
    %c0_i32 = arith.constant 0 : i32
    %c0_i32_0 = arith.constant 0 : i32
    return %arg1, %arg0, %c0_i32 : i32, i32, i32
  }
  func.func @transform_2(%arg0: i32, %arg1: i32) -> (i32, i32, i32) {
    %c0_i32 = arith.constant 0 : i32
    %c0_i32_0 = arith.constant 0 : i32
    %c0_i32_1 = arith.constant 0 : i32
    return %arg1, %c0_i32, %c0_i32_0 : i32, i32, i32
  }
  func.func @transform_3(%arg0: i32, %arg1: i32) -> (i32, i32) {
    %c0_i32 = arith.constant 0 : i32
    %c0_i32_0 = arith.constant 0 : i32
    return %arg0, %c0_i32 : i32, i32
  }
}

</mosaic_0001>

<sc_bundles>
// kernel: kernel.18.cloned.1.call-start
scs
__scs_entry_jumppad:
0x0: {  	(pc) =	sbr.rel $0x88, $3  }
0x1: {  	(tag) =	ssettag $0x0;
	lr =	simm.s32 $0x1  }
0x2: {  	[smem:$0x3F9A] =	sst lr;
	_ =	strace $0xD0000000  }
0x3: {  	_ = 	snop  }
0x4: {  	_ = 	snop  }
0x5: {  	_ = 	snop  }
0x6: {  	_ = 	snop  }
0x7: {  	_ = 	snop  }
__scs_overlays_trampoline_lowered:
0x8: {  	[smem:$0x3FA9] =	sst s0  }
0x9: {  	[smem:$0x3FAA] =	sst s1  }
0xa: {  	[smem:$0x3FAB] =	sst s2  }
0xb: {  	[smem:$0x3FAC] =	sst s3  }
0xc: {  	[smem:$0x3FAD] =	sst s4  }
0xd: {  	[smem:$0x3FAE] =	sst s5  }
0xe: {  	[smem:$0x3FAF] =	sst s6  }
0xf: {  	[smem:$0x3FB0] =	sst s7  }
0x10: {  	[smem:$0x3FB1] =	sst s8  }
0x11: {  	[smem:$0x3FB2] =	sst s9;
	s0 =	simm.s32 @!p0 $0x0  }
0x12: {  	s1 =	sld [smem:$0x3F98];
	s0 =	simm.s32 @p0 $0x1  }
0x13: {  	[smem:$0x3FB3] =	sst s0;
	s0 =	simm.s32 @!p1 $0x0  }
0x14: {  	s2 =	sld [smem:$0x3F97];
	s0 =	simm.s32 @p1 $0x1  }
0x15: {  	[smem:$0x3FB4] =	sst s0;
	s0 =	simm.s32 @!p2 $0x0  }
0x16: {  	s3 =	sld [smem:$0x3FDB];
	s0 =	simm.s32 @p2 $0x1  }
0x17: {  	s4 =	simm.s32 $0x1BF5;
	[smem:$0x3FB6] =	sst s0  }
0x18: {  	s0 =	sld [smem:$0x3F99];
	_ =	swait.ge [sflag:s4], $0x0  }
0x19: {  	s7 =	sld [smem:$0x3F9A]  }
0x1a: {  	s8 =	sadd.s32 $0xFFFFE003, lr  }
0x1b: {  	s9 =	sadd.s32 $0xFFFFFEF7, lr;
	s5 =	simm.s32 $0xFFFFFFFF;
	p2 =	slt.u32 s8, $0xFFFFF086  }
0x1c: {  	p1 =	slt.u32 s9, $0xF7A;
	s5 =	simm.s32 @!p2 $0x0  }
0x1d: {  	s5 =	simm.s32 @p1 $0x1;
	p0 =	seq.s32 s7, s2  }
0x1e: {  	s7 =	smul.u32 @!p0 $0xF7A, s2;
	p2 =	seq.s32 @!p0 s5, $0x0  }
0x1f: {  	s9 =	smul.u32 $0xF7A, s1;
	s8 =	simm.s32 @!p0 $0x1BF5;
	p2 =	por !p2, p0  }
0x20: {  	[sflag:s8] =	ssyncset.s32 @!p0 $0xFFFFF086;
	s6 =	sadd.s32 @!p0 s3, s7;
	s7 =	simm.s32 @!p0 $0x108  }
0x21: {  	s3 =	sadd.s32 s3, s9;
	s6 =	sadd.s32 @!p0 $0x88, s6;
	s7 =	simm.s32 @p2 $0x1082  }
0x22: {  	[simem:s7], [sflag:s8] =	dma.local @!p0 [hbm:s6], $0xF7A  }
0x23: {  	s9 =	sor.u32 $0xD0000000, s2;
	s6 =	simm.s32 $0x108;
	_ =	swait.ge @!p0 [sflag:s8], $0x0  }
0x24: {  	s3 =	sadd.s32 $0x88, s3;
	s6 =	simm.s32 @!p1 $0x1082;
	[sflag:s4] =	ssyncset.s32 $0xFFFFF086  }
0x25: {  	[simem:s6], [sflag:s4] =	dma.local [hbm:s3], $0xF7A  }
0x26: {  	[smem:$0x3F9A] =	sst s1;
	(tag) =	ssettag s2;
	_ =	strace s9  }
0x27: {  	s1 =	sld [smem:$0x3FAA]  }
0x28: {  	s2 =	sld [smem:$0x3FAB]  }
0x29: {  	s4 =	sld [smem:$0x3FAD]  }
0x2a: {  	p0 =	seq.s32 s5, $0x0;
	s5 =	sld [smem:$0x3FAE]  }
0x2b: {  	s6 =	sld [smem:$0x3FAF]  }
0x2c: {  	s7 =	sld [smem:$0x3FB0]  }
0x2d: {  	s3 =	simm.s32 $0x108;
	s8 =	sld [smem:$0x3FB1]  }
0x2e: {  	s3 =	simm.s32 @!p0 $0x1082;
	s9 =	sld [smem:$0x3FB2]  }
0x2f: {  	lr =	sadd.s32 s0, s3;
	s0 =	sld [smem:$0x3FA9]  }
0x30: {  	s3 =	sld [smem:$0x3FAC]  }
0x31: {  	[smem:$0x3FB5] =	sst s10  }
0x32: {  	s10 =	sld [smem:$0x3FB3];
	_ =	sdelay $0x3  }
0x33: {  	p0 =	seq.s32 s10, $0x1;
	s10 =	sld [smem:$0x3FB5];
	_ =	sdelay $0x3  }
0x34: {  	[smem:$0x3FB5] =	sst s10  }
0x35: {  	s10 =	sld [smem:$0x3FB4];
	_ =	sdelay $0x3  }
0x36: {  	p1 =	seq.s32 s10, $0x1;
	s10 =	sld [smem:$0x3FB5];
	_ =	sdelay $0x3  }
0x37: {  	[smem:$0x3FB5] =	sst s10  }
0x38: {  	s10 =	sld [smem:$0x3FB6]  }
0x39: {  	_ = 	snop;
	(pc) =	sbr.ind lr, $3  }
0x3a: {  	_ = 	snop  }
0x3b: {  	_ = 	snop  }
0x3c: {  	p2 =	seq.s32 s10, $0x1;
	s10 =	sld [smem:$0x3FB5]  }
0x3d: {  	_ =	shalt  }
0x3e: {  	_ =	shalt  }
0x3f: {  	_ =	shalt  }
0x40: {  	_ =	shalt  }
0x41: {  	_ =	shalt  }
0x42: {  	_ =	shalt  }
0x43: {  	_ =	shalt  }
0x44: {  	_ =	shalt  }
0x45: {  	_ =	shalt  }
0x46: {  	_ =	shalt  }
0x47: {  	_ =	shalt  }
0x48: {  	_ =	shalt  }
0x49: {  	_ =	shalt  }
0x4a: {  	_ =	shalt  }
0x4b: {  	_ =	shalt  }
0x4c: {  	_ =	shalt  }
0x4d: {  	_ =	shalt  }
0x4e: {  	_ =	shalt  }
0x4f: {  	_ =	shalt  }
0x50: {  	_ =	shalt  }
0x51: {  	_ =	shalt  }
0x52: {  	_ =	shalt  }
0x53: {  	_ =	shalt  }
0x54: {  	_ =	shalt  }
0x55: {  	_ =	shalt  }
0x56: {  	_ =	shalt  }
0x57: {  	_ =	shalt  }
0x58: {  	_ =	shalt  }
0x59: {  	_ =	shalt  }
0x5a: {  	_ =	shalt  }
0x5b: {  	_ =	shalt  }
0x5c: {  	_ =	shalt  }
0x5d: {  	_ =	shalt  }
0x5e: {  	_ =	shalt  }
0x5f: {  	_ =	shalt  }
0x60: {  	_ =	shalt  }
0x61: {  	_ =	shalt  }
0x62: {  	_ =	shalt  }
0x63: {  	_ =	shalt  }
0x64: {  	_ =	shalt  }
0x65: {  	_ =	shalt  }
0x66: {  	_ =	shalt  }
0x67: {  	_ =	shalt  }
0x68: {  	_ =	shalt  }
0x69: {  	_ =	shalt  }
0x6a: {  	_ =	shalt  }
0x6b: {  	_ =	shalt  }
0x6c: {  	_ =	shalt  }
0x6d: {  	_ =	shalt  }
0x6e: {  	_ =	shalt  }
0x6f: {  	_ =	shalt  }
0x70: {  	_ =	shalt  }
0x71: {  	_ =	shalt  }
0x72: {  	_ =	shalt  }
0x73: {  	_ =	shalt  }
0x74: {  	_ =	shalt  }
0x75: {  	_ =	shalt  }
0x76: {  	_ =	shalt  }
0x77: {  	_ =	shalt  }
0x78: {  	_ =	shalt  }
0x79: {  	_ =	shalt  }
0x7a: {  	_ =	shalt  }
0x7b: {  	_ =	shalt  }
0x7c: {  	_ =	shalt  }
0x7d: {  	_ =	shalt  }
0x7e: {  	_ =	shalt  }
0x7f: {  	_ =	shalt  }
0x80: {  	_ =	shalt  }
0x81: {  	_ =	shalt  }
0x82: {  	_ =	shalt  }
0x83: {  	_ =	shalt  }
0x84: {  	_ =	shalt  }
0x85: {  	_ =	shalt  }
0x86: {  	_ =	shalt  }
0x87: {  	_ =	shalt  }
.Lfunc_end0:
.L_simem_size_0:
called_computation_lowered:
.L_overlay_start_0:
0x88: {  	s2 =	sld [smem:$0x3FD9]  }
0x89: {  	s3 =	sld [smem:$0x3FFE];
	_ =	sdelay $0x1  }
0x8a: {  	s1 =	srdreg.scid  }
0x8b: {  	s0 =	sand.u32 $0x1, s1  }
0x8c: {  	s17 =	sshll.u32 s0, $0xA;
	s2 =	sadd.s32 s3, s2  }
0x8d: {  	s2 =	sadd.s32 s2, s17  }
0x8e: {  	[smem:$0x3FC1] =	sst s2  }
0x8f: {  	_ = 	snop  }
0x90: {  	(tm) =	ssettm $0x1  }
0x91: {  	s18 =	sld [smem:$0x3FFB];
	_ =	sdelay $0x3  }
0x92: {  	_ =	strace s18  }
0x93: {  	s2 =	sld [smem:$0x3FFC];
	_ =	sdelay $0x3  }
0x94: {  	_ =	strace s2  }
0x95: {  	s2 =	sld [smem:$0x3FFD];
	_ =	sdelay $0x3  }
0x96: {  	_ =	strace s2  }
0x97: {  	_ =	strace $0x8FFFFFFF  }
0x98: {  	s19 =	sld [smem:$0x3FDB];
	_ =	sdelay $0x1  }
0x99: {  	s20 =	simm.s32 $_scs_section_size  }
0x9a: {  	s4 =	simm.s32 $_size__tile_overlayer_lowered;
	s5 =	simm.s32 $_tile_overlayer_lowered  }
0x9b: {  	s6 =	simm.s32 $0x1BFF;
	s21 =	sshll.u32 s5, $0x1;
	s3 =	sadd.s32 s20, s19  }
0x9c: {  	s22 =	simm.s32 $0x0;
	s4 =	sshll.u32 s4, $0x1;
	s5 =	sadd.s32 s21, s3  }
0x9d: {  	[timem:s22], [sflag:s6] =	dma.local [hbm:s5], s4  }
0x9e: {  	_ =	swait.ge [sflag:s6], s4  }
0x9f: {  	s4 =	ssub.s32 $0x0, s4;
	[sflag:s6] =	ssyncset.done $0x0  }
0xa0: {  	[sflag:s6] =	ssyncadd.s32 s4;
	_ =	sdelay $0x1  }
0xa1: {  	s23 =	simm.s32 $0x1B8B  }
0xa2: {  	_ =	swait.ge [sflag:s23], $0x1  }
0xa3: {  	[sflag:s23] =	ssyncset.done $0x0  }
0xa4: {  	[sflag:s23] =	ssyncadd.s32 $0xFFFFFFFF  }
0xa5: {  	s4 =	sld [smem:$0x0]  }
0xa6: {  	s5 =	sand.u32 $0xFFFFFFFE, s1  }
0xa7: {  	p0 =	sne.s32 s1, s5  }
0xa8: {  	s5 =	sshll.u32 @p0 s5, $0xE  }
0xa9: {  	s5 =	sadd.s32 @p0 $0x11B8D, s5;
	s6 =	sshll.u32 @p0 s4, $0x11  }
0xaa: {  	s5 =	sor.u32 @p0 s6, s5  }
0xab: {  	[sflag:s5] =	ssyncadd.remote.s32 @p0 $0x1;
	_ =	sdelay $0x1  }
0xac: {  	s5 =	simm.s32 @p0 $0x1B8D  }
0xad: {  	_ =	swait.eq @p0 [sflag:s5], $0x1  }
0xae: {  	[sflag:s5] =	ssyncadd.s32 @p0 $0xFFFFFFFF  }
0xaf: {  	s6 =	sshll.u32 @!p0 s1, $0xE  }
0xb0: {  	s6 =	sor.u32 @!p0 $0x4000, s6;
	s5 =	simm.s32 @!p0 $0x1B8D  }
0xb1: {  	s4 =	sshll.u32 @!p0 s4, $0x11;
	s6 =	sadd.s32 @!p0 $0x11B8D, s6;
	_ =	swait.eq @!p0 [sflag:s5], $0x1  }
0xb2: {  	s4 =	sor.u32 @!p0 s4, s6;
	[sflag:s5] =	ssyncadd.s32 @!p0 $0xFFFFFFFF  }
0xb3: {  	s25 =	simm.s32 $0x1B8E;
	s24 =	sld [smem:$0x3FFE];
	[sflag:s4] =	ssyncadd.remote.s32 @!p0 $0x1  }
0xb4: {  	s26 =	simm.s32 $execute0_lowered;
	[smem:$0x3FD2] =	sst s25  }
0xb5: {  	s5 =	sshll.u32 s26, $0x1;
	_ =	strace $0x80000049;
	[dreg:$0x1] =	wrdreg $0xFFFFFFFF  }
0xb6: {  	s28 =	simm.s32 $_size_execute0_lowered;
	s3 =	sadd.s32 s3, s5;
	[dreg:$0x0] =	wrdreg $0x0  }
0xb7: {  	s5 =	sshll.u32 s28, $0x1;
	[dreg:$0x2] =	wrdreg s3  }
0xb8: {  	[dreg:$0x3] =	wrdreg s5  }
0xb9: {  	[dreg:$0x4] =	wrdreg $0xC0  }
0xba: {  	_ =	task [dreg:s22], $0x5FFFF  }
0xbb: {  	[dreg:$0x1] =	wrdreg $0xFFFFFFFF  }
0xbc: {  	[dreg:$0x0] =	wrdreg $0x60  }
0xbd: {  	[dreg:$0x2] =	wrdreg s24  }
0xbe: {  	[dreg:$0x3] =	wrdreg $0xB  }
0xbf: {  	_ =	task.clear_ibuf [dreg:s22], $0x4FFFF;
	_ =	strace $0x90000049  }
0xc0: {  	s29 =	simm.s32 $0xB;
	_ =	strace $0x8000004B  }
0xc1: {  	_ =	swait.ge [sflag:s29], $0x1  }
0xc2: {  	[sflag:s29] =	ssyncadd.s32 $0xFFFFFFFF  }
0xc3: {  	_ =	strace $0x9000004B  }
0xc4: {  	_ =	sfence  }
0xc5: {  	s30 =	sld [smem:$0x0];
	_ =	sdelay $0x2  }
0xc6: {  	s31 =	sshll.u32 s1, $0xD;
	s1 =	sshrl.u32 s1, $0x2  }
0xc7: {  	s4 =	sand.u32 $0x4000, s31;
	s1 =	sadd.s32 s1, s30  }
0xc8: {  	s0 =	sor.u32 s4, s0;
	s1 =	sshll.u32 s1, $0x11  }
0xc9: {  	s0 =	sor.u32 s1, s0  }
0xca: {  	s0 =	sadd.s32 $0x8F2B, s0  }
0xcb: {  	[sflag:s0] =	ssyncadd.remote.s32 $0x1  }
0xcc: {  	_ =	sfence.sel $0xFFFF  }
0xcd: {  	[dreg:$0x0] =	wrdreg $0xFFFFFFFF;
	(pc) =	sbr.abs _section_cstart, $3  }
0xce: {  	[dreg:$0x1] =	wrdreg $0xFFFFFFFF  }
0xcf: {  	_ =	task.clear_ibuf [dreg:s22], $0x2FFFF;
	_ =	strace $0x9FFFFFFF  }
0xd0: {  	(tm) =	ssettm $0x7FFFFFFF  }
0xd1: {  	_ =	shalt  }
tec
execute0_lowered:
.L_overlay_start_1:
0x0: {  	(tag) =	ssettag $0x1  }
0x1: {  	s1 =	srdreg.scid  }
0x2: {  	s0 =	stileid.u32;
	s5 =	rddreg [dreg:$0x0];
	s2 =	simm.s32 $0x0  }
0x3: {  	s11 =	simm.s32 $0x4080;
	s12 =	simm.s32 $0x1;
	s13 =	simm.s32 $0x0  }
0x4: {  	s4 =	sand.u32 $0x1, s1;
	s3 =	sshll.u32 s0, $0xB;
	s1 =	rddreg [dreg:$0x1]  }
0x5: {  	[smem:$0x7FF] =	sst s2;
	s29 =	sshll.u32 s0, $0xF;
	s6 =	sshll.u32 s4, $0xA  }
0x6: {  	_ =	strace $0x8000004A;
	s7 =	ssub.s32 $0x2, s4;
	s10 =	sshll.u32 s4, $0xE  }
0x7: {  	s4 =	sadd.s32 $0x81A00, s5;
	s3 =	sor.u32 s6, s3;
	s9 =	sshrl.u32 s7, $0x1  }
0x8: {  	s6 =	sadd.s32 s29, s5;
	s3 =	sshrl.u32 s3, $0x3;
	s30 =	ssub.s32 s7, s9  }
0x9: {  	s31 =	sadd.s32 s10, s6;
	s9 =	simm.s32 $0x2;
	s10 =	simm.s32 $0x80  }
0xa: {  	s8 =	sadd.s32 s3, s5;
	s3 =	sadd.s32 $0x1A00, s5;
	s6 =	sadd.s32 $0x204A00, s31  }
0xb: {  	s5 =	smax.u32 s30, $0x1;
	s7 =	sadd.s32 $0x284A00, s31;
	s8 =	sadd.s32 $0x101A00, s8  }
.LBB2_1:
0xc: {  	[tilespmem:s2], [sflag:$0x2] =	stream.linear.gather [hbm4b:s8+s2], $0x80, $0x38;
	[tilespmem:$0x8080] =	vst v63  }
0xd: {  	_ =	swait.ge [sflag:s9], $0x80  }
0xe: {  	[sflag:s9] =	ssyncset.done $0x0  }
0xf: {  	[sflag:s9] =	ssyncadd.s32 $0xFFFFFF80  }
0x10: {  	[tilespmem:s10], [sflag:$0x1] =	stream.indirect.gather [hbm4b:s3+s10], $0x80, s2, s10, $0xb8;
	[tilespmem:$0x8080] =	vst v63  }
0x11: {  	_ = 	snop  }
0x12: {  	[tilespmem:s11], [sflag:$0x1] =	stream.indirect.gather [hbm4b:s4+s10], $0x80, s2, s10, $0xb8;
	[tilespmem:$0x8080] =	vst v63  }
0x13: {  	_ =	swait.ge [sflag:s12], $0x4000  }
0x14: {  	[sflag:s12] =	ssyncset.done $0x0  }
0x15: {  	[sflag:s12] =	ssyncadd.s32 $0xFFFFC000  }
0x16: {  	_ =	swait.ge [sflag:s12], $0x4000  }
0x17: {  	[sflag:s12] =	ssyncset.done $0x0  }
0x18: {  	s14 =	sadd.s32 $0x0, s6;
	[sflag:s12] =	ssyncadd.s32 $0xFFFFC000  }
0x19: {  	[hbm4b:s14+s2] =	stream.linear.scatter [tilespmem:s10], [sflag:$0x2], $0x4000, $0x38;
	[tilespmem:$0x8080] =	vst v63  }
0x1a: {  	_ =	swait.ge [sflag:s9], $0x4000  }
0x1b: {  	[sflag:s9] =	ssyncset.done $0x0  }
0x1c: {  	s31 =	sadd.s32 $0x0, s7;
	[sflag:s9] =	ssyncadd.s32 $0xFFFFC000  }
0x1d: {  	[hbm4b:s31+s2] =	stream.linear.scatter [tilespmem:s11], [sflag:$0x2], $0x4000, $0x38;
	[tilespmem:$0x8080] =	vst v63  }
0x1e: {  	_ =	swait.ge [sflag:s9], $0x4000  }
0x1f: {  	s15 =	smov.u32 s8;
	s14 =	simm.s32 $0x800;
	[sflag:s9] =	ssyncset.done $0x0  }
.LBB2_2:
0x20: {  	p0 =	sne.s32 s14, $0x3800;
	[sflag:s9] =	ssyncadd.s32 $0xFFFFC000;
	s15 =	sadd.s32 $0x10, s15  }
0x21: {  	[tilespmem:s2], [sflag:$0x2] =	stream.linear.gather [hbm4b:s15+s2], $0x80, $0x38;
	[tilespmem:$0x8080] =	vst v63  }
0x22: {  	s16 =	smov.u32 s14;
	s14 =	sadd.s32 $0x800, s14;
	_ =	swait.ge [sflag:s9], $0x80  }
0x23: {  	[sflag:s9] =	ssyncset.done $0x0  }
0x24: {  	[sflag:s9] =	ssyncadd.s32 $0xFFFFFF80  }
0x25: {  	[tilespmem:s10], [sflag:$0x1] =	stream.indirect.gather [hbm4b:s3+s10], $0x80, s2, s10, $0xb8;
	[tilespmem:$0x8080] =	vst v63  }
0x26: {  	_ = 	snop  }
0x27: {  	[tilespmem:s11], [sflag:$0x1] =	stream.indirect.gather [hbm4b:s4+s10], $0x80, s2, s10, $0xb8;
	[tilespmem:$0x8080] =	vst v63  }
0x28: {  	_ =	swait.ge [sflag:s12], $0x4000  }
0x29: {  	[sflag:s12] =	ssyncset.done $0x0  }
0x2a: {  	[sflag:s12] =	ssyncadd.s32 $0xFFFFC000  }
0x2b: {  	_ =	swait.ge [sflag:s12], $0x4000  }
0x2c: {  	[sflag:s12] =	ssyncset.done $0x0  }
0x2d: {  	s17 =	sadd.s32 s16, s6;
	[sflag:s12] =	ssyncadd.s32 $0xFFFFC000  }
0x2e: {  	[hbm4b:s17+s2] =	stream.linear.scatter [tilespmem:s10], [sflag:$0x2], $0x4000, $0x38;
	[tilespmem:$0x8080] =	vst v63  }
0x2f: {  	_ =	swait.ge [sflag:s9], $0x4000  }
.Ltmp0:
0x30: {  	[sflag:s9] =	ssyncset.done $0x0;
	(pc) =	sbr.rel @p0 .LBB2_2-.Ltmp0, $4  }
0x31: {  	s16 =	sadd.s32 s16, s7;
	[sflag:s9] =	ssyncadd.s32 $0xFFFFC000  }
0x32: {  	[hbm4b:s16+s2] =	stream.linear.scatter [tilespmem:s11], [sflag:$0x2], $0x4000, $0x38;
	[tilespmem:$0x8080] =	vst v63  }
0x33: {  	_ =	swait.ge [sflag:s9], $0x4000  }
0x34: {  	[sflag:s9] =	ssyncset.done $0x0  }
0x35: {  	s13 =	sadd.s32 $0x1, s13  }
0x36: {  	p0 =	sne.s32 s13, s5  }
.Ltmp1:
0x37: {  	_ = 	snop;
	(pc) =	sbr.rel @p0 .LBB2_1-.Ltmp1, $2  }
0x38: {  	_ =	sdelay $0x2  }
0x39: {  	[sflag:s9] =	ssyncadd.s32 $0xFFFFC000  }
0x3a: {  	_ =	sfence.sel $0x180000  }
0x3b: {  	[bflag:$0x0] =	sbarrier.arrive $0xFFFF  }
0x3c: {  	p0 =	sne.s32 s0, $0x0;
	_ =	strace $0x9000004A  }
0x3d: {  	s0 =	sadd.s32 @!p0 $0x100000, s1;
	[bflag:$0x2] =	sbarrier.arrive $0xFFFF  }
0x3e: {  	[sflag:s0] =	ssyncadd.tile.s32 @!p0 $0x1;
	_ =	shalt  }
.Lfunc_end2:
_tile_overlayer_lowered:
.L_overlay_start_2:
0x3f: {  	(tag) =	ssettag $0x2  }
0x40: {  	s0 =	rddreg [dreg:$0x0];
	s2 =	stileid.u32  }
0x41: {  	s1 =	rddreg [dreg:$0x1];
	p0 =	sne.s32 s2, $0x0  }
0x42: {  	s3 =	rddreg [dreg:$0x2];
	[bflag:$0x3] =	sbarrier.arrive $0xFFFF;
	s2 =	simm.s32 @!p0 $0x1C02  }
0x43: {  	[timem:s3], [sflag:s2] =	dma.local @!p0 [hbm:s0], s1  }
0x44: {  	s0 =	simm.s32 @!p0 $0x2  }
0x45: {  	_ =	swait.ge @!p0 [sflag:s0], s1  }
0x46: {  	s1 =	ssub.s32 @!p0 $0x0, s1;
	[sflag:s0] =	ssyncset.done @!p0 $0x0  }
0x47: {  	[sflag:s0] =	ssyncadd.s32 @!p0 s1  }
0x48: {  	[bflag:$0x3] =	sbarrier.arrive $0xFFFF  }
0x49: {  	_ =	shalt  }

// kernel: kernel.21.cloned.1.call-start
scs
__scs_entry_jumppad:
0x0: {  	(pc) =	sbr.rel $0x88, $3  }
0x1: {  	(tag) =	ssettag $0x0;
	lr =	simm.s32 $0x1  }
0x2: {  	[smem:$0x3F9A] =	sst lr;
	_ =	strace $0xD0000000  }
0x3: {  	_ = 	snop  }
0x4: {  	_ = 	snop  }
0x5: {  	_ = 	snop  }
0x6: {  	_ = 	snop  }
0x7: {  	_ = 	snop  }
__scs_overlays_trampoline_lowered:
0x8: {  	[smem:$0x3FA9] =	sst s0  }
0x9: {  	[smem:$0x3FAA] =	sst s1  }
0xa: {  	[smem:$0x3FAB] =	sst s2  }
0xb: {  	[smem:$0x3FAC] =	sst s3  }
0xc: {  	[smem:$0x3FAD] =	sst s4  }
0xd: {  	[smem:$0x3FAE] =	sst s5  }
0xe: {  	[smem:$0x3FAF] =	sst s6  }
0xf: {  	[smem:$0x3FB0] =	sst s7  }
0x10: {  	[smem:$0x3FB1] =	sst s8  }
0x11: {  	[smem:$0x3FB2] =	sst s9;
	s0 =	simm.s32 @!p0 $0x0  }
0x12: {  	s1 =	sld [smem:$0x3F98];
	s0 =	simm.s32 @p0 $0x1  }
0x13: {  	[smem:$0x3FB3] =	sst s0;
	s0 =	simm.s32 @!p1 $0x0  }
0x14: {  	s2 =	sld [smem:$0x3F97];
	s0 =	simm.s32 @p1 $0x1  }
0x15: {  	[smem:$0x3FB4] =	sst s0;
	s0 =	simm.s32 @!p2 $0x0  }
0x16: {  	s3 =	sld [smem:$0x3FDB];
	s0 =	simm.s32 @p2 $0x1  }
0x17: {  	s4 =	simm.s32 $0x1BF5;
	[smem:$0x3FB6] =	sst s0  }
0x18: {  	s0 =	sld [smem:$0x3F99];
	_ =	swait.ge [sflag:s4], $0x0  }
0x19: {  	s7 =	sld [smem:$0x3F9A]  }
0x1a: {  	s8 =	sadd.s32 $0xFFFFE003, lr  }
0x1b: {  	s9 =	sadd.s32 $0xFFFFFEF7, lr;
	s5 =	simm.s32 $0xFFFFFFFF;
	p2 =	slt.u32 s8, $0xFFFFF086  }
0x1c: {  	p1 =	slt.u32 s9, $0xF7A;
	s5 =	simm.s32 @!p2 $0x0  }
0x1d: {  	s5 =	simm.s32 @p1 $0x1;
	p0 =	seq.s32 s7, s2  }
0x1e: {  	s7 =	smul.u32 @!p0 $0xF7A, s2;
	p2 =	seq.s32 @!p0 s5, $0x0  }
0x1f: {  	s9 =	smul.u32 $0xF7A, s1;
	s8 =	simm.s32 @!p0 $0x1BF5;
	p2 =	por !p2, p0  }
0x20: {  	[sflag:s8] =	ssyncset.s32 @!p0 $0xFFFFF086;
	s6 =	sadd.s32 @!p0 s3, s7;
	s7 =	simm.s32 @!p0 $0x108  }
0x21: {  	s3 =	sadd.s32 s3, s9;
	s6 =	sadd.s32 @!p0 $0x88, s6;
	s7 =	simm.s32 @p2 $0x1082  }
0x22: {  	[simem:s7], [sflag:s8] =	dma.local @!p0 [hbm:s6], $0xF7A  }
0x23: {  	s9 =	sor.u32 $0xD0000000, s2;
	s6 =	simm.s32 $0x108;
	_ =	swait.ge @!p0 [sflag:s8], $0x0  }
0x24: {  	s3 =	sadd.s32 $0x88, s3;
	s6 =	simm.s32 @!p1 $0x1082;
	[sflag:s4] =	ssyncset.s32 $0xFFFFF086  }
0x25: {  	[simem:s6], [sflag:s4] =	dma.local [hbm:s3], $0xF7A  }
0x26: {  	[smem:$0x3F9A] =	sst s1;
	(tag) =	ssettag s2;
	_ =	strace s9  }
0x27: {  	s1 =	sld [smem:$0x3FAA]  }
0x28: {  	s2 =	sld [smem:$0x3FAB]  }
0x29: {  	s4 =	sld [smem:$0x3FAD]  }
0x2a: {  	p0 =	seq.s32 s5, $0x0;
	s5 =	sld [smem:$0x3FAE]  }
0x2b: {  	s6 =	sld [smem:$0x3FAF]  }
0x2c: {  	s7 =	sld [smem:$0x3FB0]  }
0x2d: {  	s3 =	simm.s32 $0x108;
	s8 =	sld [smem:$0x3FB1]  }
0x2e: {  	s3 =	simm.s32 @!p0 $0x1082;
	s9 =	sld [smem:$0x3FB2]  }
0x2f: {  	lr =	sadd.s32 s0, s3;
	s0 =	sld [smem:$0x3FA9]  }
0x30: {  	s3 =	sld [smem:$0x3FAC]  }
0x31: {  	[smem:$0x3FB5] =	sst s10  }
0x32: {  	s10 =	sld [smem:$0x3FB3];
	_ =	sdelay $0x3  }
0x33: {  	p0 =	seq.s32 s10, $0x1;
	s10 =	sld [smem:$0x3FB5];
	_ =	sdelay $0x3  }
0x34: {  	[smem:$0x3FB5] =	sst s10  }
0x35: {  	s10 =	sld [smem:$0x3FB4];
	_ =	sdelay $0x3  }
0x36: {  	p1 =	seq.s32 s10, $0x1;
	s10 =	sld [smem:$0x3FB5];
	_ =	sdelay $0x3  }
0x37: {  	[smem:$0x3FB5] =	sst s10  }
0x38: {  	s10 =	sld [smem:$0x3FB6]  }
0x39: {  	_ = 	snop;
	(pc) =	sbr.ind lr, $3  }
0x3a: {  	_ = 	snop  }
0x3b: {  	_ = 	snop  }
0x3c: {  	p2 =	seq.s32 s10, $0x1;
	s10 =	sld [smem:$0x3FB5]  }
0x3d: {  	_ =	shalt  }
0x3e: {  	_ =	shalt  }
0x3f: {  	_ =	shalt  }
0x40: {  	_ =	shalt  }
0x41: {  	_ =	shalt  }
0x42: {  	_ =	shalt  }
0x43: {  	_ =	shalt  }
0x44: {  	_ =	shalt  }
0x45: {  	_ =	shalt  }
0x46: {  	_ =	shalt  }
0x47: {  	_ =	shalt  }
0x48: {  	_ =	shalt  }
0x49: {  	_ =	shalt  }
0x4a: {  	_ =	shalt  }
0x4b: {  	_ =	shalt  }
0x4c: {  	_ =	shalt  }
0x4d: {  	_ =	shalt  }
0x4e: {  	_ =	shalt  }
0x4f: {  	_ =	shalt  }
0x50: {  	_ =	shalt  }
0x51: {  	_ =	shalt  }
0x52: {  	_ =	shalt  }
0x53: {  	_ =	shalt  }
0x54: {  	_ =	shalt  }
0x55: {  	_ =	shalt  }
0x56: {  	_ =	shalt  }
0x57: {  	_ =	shalt  }
0x58: {  	_ =	shalt  }
0x59: {  	_ =	shalt  }
0x5a: {  	_ =	shalt  }
0x5b: {  	_ =	shalt  }
0x5c: {  	_ =	shalt  }
0x5d: {  	_ =	shalt  }
0x5e: {  	_ =	shalt  }
0x5f: {  	_ =	shalt  }
0x60: {  	_ =	shalt  }
0x61: {  	_ =	shalt  }
0x62: {  	_ =	shalt  }
0x63: {  	_ =	shalt  }
0x64: {  	_ =	shalt  }
0x65: {  	_ =	shalt  }
0x66: {  	_ =	shalt  }
0x67: {  	_ =	shalt  }
0x68: {  	_ =	shalt  }
0x69: {  	_ =	shalt  }
0x6a: {  	_ =	shalt  }
0x6b: {  	_ =	shalt  }
0x6c: {  	_ =	shalt  }
0x6d: {  	_ =	shalt  }
0x6e: {  	_ =	shalt  }
0x6f: {  	_ =	shalt  }
0x70: {  	_ =	shalt  }
0x71: {  	_ =	shalt  }
0x72: {  	_ =	shalt  }
0x73: {  	_ =	shalt  }
0x74: {  	_ =	shalt  }
0x75: {  	_ =	shalt  }
0x76: {  	_ =	shalt  }
0x77: {  	_ =	shalt  }
0x78: {  	_ =	shalt  }
0x79: {  	_ =	shalt  }
0x7a: {  	_ =	shalt  }
0x7b: {  	_ =	shalt  }
0x7c: {  	_ =	shalt  }
0x7d: {  	_ =	shalt  }
0x7e: {  	_ =	shalt  }
0x7f: {  	_ =	shalt  }
0x80: {  	_ =	shalt  }
0x81: {  	_ =	shalt  }
0x82: {  	_ =	shalt  }
0x83: {  	_ =	shalt  }
0x84: {  	_ =	shalt  }
0x85: {  	_ =	shalt  }
0x86: {  	_ =	shalt  }
0x87: {  	_ =	shalt  }
.Lfunc_end0:
.L_simem_size_0:
called_computation.1_lowered:
.L_overlay_start_0:
0x88: {  	s2 =	sld [smem:$0x3FD9]  }
0x89: {  	s3 =	sld [smem:$0x3FFE];
	_ =	sdelay $0x1  }
0x8a: {  	s1 =	srdreg.scid  }
0x8b: {  	s0 =	sand.u32 $0x1, s1  }
0x8c: {  	s17 =	sshll.u32 s0, $0xA;
	s2 =	sadd.s32 s3, s2  }
0x8d: {  	s2 =	sadd.s32 s2, s17  }
0x8e: {  	[smem:$0x3FC1] =	sst s2  }
0x8f: {  	_ = 	snop  }
0x90: {  	(tm) =	ssettm $0x1  }
0x91: {  	s18 =	sld [smem:$0x3FFB];
	_ =	sdelay $0x3  }
0x92: {  	_ =	strace s18  }
0x93: {  	s2 =	sld [smem:$0x3FFC];
	_ =	sdelay $0x3  }
0x94: {  	_ =	strace s2  }
0x95: {  	s2 =	sld [smem:$0x3FFD];
	_ =	sdelay $0x3  }
0x96: {  	_ =	strace s2  }
0x97: {  	_ =	strace $0x8FFFFFFF  }
0x98: {  	s19 =	sld [smem:$0x3FDB];
	_ =	sdelay $0x1  }
0x99: {  	s20 =	simm.s32 $_scs_section_size  }
0x9a: {  	s4 =	simm.s32 $_size__tile_overlayer_lowered;
	s5 =	simm.s32 $_tile_overlayer_lowered  }
0x9b: {  	s6 =	simm.s32 $0x1BFF;
	s21 =	sshll.u32 s5, $0x1;
	s3 =	sadd.s32 s20, s19  }
0x9c: {  	s22 =	simm.s32 $0x0;
	s4 =	sshll.u32 s4, $0x1;
	s5 =	sadd.s32 s21, s3  }
0x9d: {  	[timem:s22], [sflag:s6] =	dma.local [hbm:s5], s4  }
0x9e: {  	_ =	swait.ge [sflag:s6], s4  }
0x9f: {  	s4 =	ssub.s32 $0x0, s4;
	[sflag:s6] =	ssyncset.done $0x0  }
0xa0: {  	[sflag:s6] =	ssyncadd.s32 s4;
	_ =	sdelay $0x1  }
0xa1: {  	s23 =	simm.s32 $0x1B8B  }
0xa2: {  	_ =	swait.ge [sflag:s23], $0x1  }
0xa3: {  	[sflag:s23] =	ssyncset.done $0x0  }
0xa4: {  	[sflag:s23] =	ssyncadd.s32 $0xFFFFFFFF  }
0xa5: {  	s4 =	sld [smem:$0x0]  }
0xa6: {  	s5 =	sand.u32 $0xFFFFFFFE, s1  }
0xa7: {  	p0 =	sne.s32 s1, s5  }
0xa8: {  	s5 =	sshll.u32 @p0 s5, $0xE  }
0xa9: {  	s5 =	sadd.s32 @p0 $0x11B8D, s5;
	s6 =	sshll.u32 @p0 s4, $0x11  }
0xaa: {  	s5 =	sor.u32 @p0 s6, s5  }
0xab: {  	[sflag:s5] =	ssyncadd.remote.s32 @p0 $0x1;
	_ =	sdelay $0x1  }
0xac: {  	s5 =	simm.s32 @p0 $0x1B8D  }
0xad: {  	_ =	swait.eq @p0 [sflag:s5], $0x1  }
0xae: {  	[sflag:s5] =	ssyncadd.s32 @p0 $0xFFFFFFFF  }
0xaf: {  	s6 =	sshll.u32 @!p0 s1, $0xE  }
0xb0: {  	s6 =	sor.u32 @!p0 $0x4000, s6;
	s5 =	simm.s32 @!p0 $0x1B8D  }
0xb1: {  	s4 =	sshll.u32 @!p0 s4, $0x11;
	s6 =	sadd.s32 @!p0 $0x11B8D, s6;
	_ =	swait.eq @!p0 [sflag:s5], $0x1  }
0xb2: {  	s4 =	sor.u32 @!p0 s4, s6;
	[sflag:s5] =	ssyncadd.s32 @!p0 $0xFFFFFFFF  }
0xb3: {  	s25 =	simm.s32 $0x1B8E;
	s24 =	sld [smem:$0x3FFE];
	[sflag:s4] =	ssyncadd.remote.s32 @!p0 $0x1  }
0xb4: {  	s26 =	simm.s32 $execute0_lowered;
	[smem:$0x3FD2] =	sst s25  }
0xb5: {  	s5 =	sshll.u32 s26, $0x1;
	_ =	strace $0x80000055;
	[dreg:$0x1] =	wrdreg $0xFFFFFFFF  }
0xb6: {  	s28 =	simm.s32 $_size_execute0_lowered;
	s3 =	sadd.s32 s3, s5;
	[dreg:$0x0] =	wrdreg $0x0  }
0xb7: {  	s5 =	sshll.u32 s28, $0x1;
	[dreg:$0x2] =	wrdreg s3  }
0xb8: {  	[dreg:$0x3] =	wrdreg s5  }
0xb9: {  	[dreg:$0x4] =	wrdreg $0xC0  }
0xba: {  	_ =	task [dreg:s22], $0x5FFFF  }
0xbb: {  	[dreg:$0x1] =	wrdreg $0xFFFFFFFF  }
0xbc: {  	[dreg:$0x0] =	wrdreg $0x60  }
0xbd: {  	[dreg:$0x2] =	wrdreg s24  }
0xbe: {  	[dreg:$0x3] =	wrdreg $0xB  }
0xbf: {  	_ =	task.clear_ibuf [dreg:s22], $0x4FFFF;
	_ =	strace $0x90000055  }
0xc0: {  	s29 =	simm.s32 $0xB;
	_ =	strace $0x80000057  }
0xc1: {  	_ =	swait.ge [sflag:s29], $0x1  }
0xc2: {  	[sflag:s29] =	ssyncadd.s32 $0xFFFFFFFF  }
0xc3: {  	_ =	strace $0x90000057  }
0xc4: {  	_ =	sfence  }
0xc5: {  	s30 =	sld [smem:$0x0];
	_ =	sdelay $0x2  }
0xc6: {  	s31 =	sshll.u32 s1, $0xD;
	s1 =	sshrl.u32 s1, $0x2  }
0xc7: {  	s4 =	sand.u32 $0x4000, s31;
	s1 =	sadd.s32 s1, s30  }
0xc8: {  	s0 =	sor.u32 s4, s0;
	s1 =	sshll.u32 s1, $0x11  }
0xc9: {  	s0 =	sor.u32 s1, s0  }
0xca: {  	s0 =	sadd.s32 $0x8F2B, s0  }
0xcb: {  	[sflag:s0] =	ssyncadd.remote.s32 $0x1  }
0xcc: {  	_ =	sfence.sel $0xFFFF  }
0xcd: {  	[dreg:$0x0] =	wrdreg $0xFFFFFFFF;
	(pc) =	sbr.abs _section_cstart, $3  }
0xce: {  	[dreg:$0x1] =	wrdreg $0xFFFFFFFF  }
0xcf: {  	_ =	task.clear_ibuf [dreg:s22], $0x2FFFF;
	_ =	strace $0x9FFFFFFF  }
0xd0: {  	(tm) =	ssettm $0x7FFFFFFF  }
0xd1: {  	_ =	shalt  }
tec
execute0_lowered:
.L_overlay_start_1:
0x0: {  	(tag) =	ssettag $0x1  }
0x1: {  	s3 =	rddreg [dreg:$0x0];
	s2 =	srdreg.scid  }
0x2: {  	s0 =	rddreg [dreg:$0x1];
	s1 =	stileid.u32  }
0x3: {  	s9 =	simm.s32 $0x1;
	s10 =	simm.s32 $0x0;
	s4 =	sand.u32 $0x1, s2  }
0x4: {  	s2 =	simm.s32 $0x0;
	s5 =	sshll.u32 s1, $0xB;
	s30 =	sshll.u32 s1, $0xF  }
0x5: {  	s6 =	sshll.u32 s4, $0xA;
	[smem:$0x7FF] =	sst s2;
	s29 =	ssub.s32 $0x2, s4  }
0x6: {  	s31 =	sshll.u32 s4, $0xE;
	s5 =	sor.u32 s6, s5;
	s8 =	sshrl.u32 s29, $0x1  }
0x7: {  	_ =	strace $0x80000056;
	s5 =	sshrl.u32 s5, $0x3;
	s6 =	ssub.s32 s29, s8  }
0x8: {  	s8 =	simm.s32 $0x80;
	s7 =	sadd.s32 s5, s3;
	s5 =	sadd.s32 s30, s3  }
0x9: {  	s3 =	sadd.s32 $0x81A00, s3;
	s4 =	smax.u32 s6, $0x1;
	s5 =	sadd.s32 s31, s5  }
0xa: {  	s6 =	sadd.s32 $0x101A00, s7;
	s7 =	simm.s32 $0x2;
	s5 =	sadd.s32 $0x1A00, s5  }
.LBB2_1:
0xb: {  	s11 =	sadd.s32 $0x0, s6  }
0xc: {  	[tilespmem:s2], [sflag:$0x2] =	stream.linear.gather [hbm4b:s11+s2], $0x80, $0x38;
	[tilespmem:$0x4080] =	vst v63  }
0xd: {  	_ =	swait.ge [sflag:s7], $0x80  }
0xe: {  	[sflag:s7] =	ssyncset.done $0x0  }
0xf: {  	[sflag:s7] =	ssyncadd.s32 $0xFFFFFF80  }
0x10: {  	[tilespmem:s8], [sflag:$0x2] =	stream.linear.gather [hbm4b:s5+s2], $0x4000, $0x38;
	[tilespmem:$0x4080] =	vst v63  }
0x11: {  	_ =	swait.ge [sflag:s7], $0x4000  }
0x12: {  	[sflag:s7] =	ssyncset.done $0x0  }
0x13: {  	[sflag:s7] =	ssyncadd.s32 $0xFFFFC000  }
0x14: {  	[hbm4b:s3+s8] =	stream.indirect.scatter [tilespmem:s8], [sflag:$0x1], $0x80, s2, s8, $0xb8;
	[tilespmem:$0x4080] =	vst v63  }
0x15: {  	s12 =	simm.s32 $0x10;
	_ =	swait.ge [sflag:s9], $0x4000  }
0x16: {  	s13 =	simm.s32 $0x20;
	s11 =	sadd.s32 $0x800, s5;
	[sflag:s9] =	ssyncset.done $0x0  }
.LBB2_2:
0x17: {  	s14 =	sadd.s32 s12, s6  }
0x18: {  	[sflag:s9] =	ssyncadd.s32 $0xFFFFC000;
	s12 =	smov.u32 s13;
	s15 =	sadd.s32 $0x10, s13  }
0x19: {  	[tilespmem:s2], [sflag:$0x2] =	stream.linear.gather [hbm4b:s14+s2], $0x80, $0x38;
	[tilespmem:$0x4080] =	vst v63  }
0x1a: {  	p0 =	sne.s32 s13, $0x70;
	_ =	swait.ge [sflag:s7], $0x80  }
0x1b: {  	[sflag:s7] =	ssyncset.done $0x0  }
0x1c: {  	[sflag:s7] =	ssyncadd.s32 $0xFFFFFF80  }
0x1d: {  	[tilespmem:s8], [sflag:$0x2] =	stream.linear.gather [hbm4b:s11+s2], $0x4000, $0x38;
	[tilespmem:$0x4080] =	vst v63  }
0x1e: {  	_ =	swait.ge [sflag:s7], $0x4000  }
.Ltmp0:
0x1f: {  	[sflag:s7] =	ssyncset.done $0x0;
	(pc) =	sbr.rel @p0 .LBB2_2-.Ltmp0, $4  }
0x20: {  	[sflag:s7] =	ssyncadd.s32 $0xFFFFC000  }
0x21: {  	[hbm4b:s3+s8] =	stream.indirect.scatter [tilespmem:s8], [sflag:$0x1], $0x80, s2, s8, $0xb8;
	[tilespmem:$0x4080] =	vst v63  }
0x22: {  	_ =	swait.ge [sflag:s9], $0x4000  }
0x23: {  	s13 =	smov.u32 s15;
	s11 =	sadd.s32 $0x800, s11;
	[sflag:s9] =	ssyncset.done $0x0  }
0x24: {  	s12 =	sadd.s32 s12, s6;
	[sflag:s9] =	ssyncadd.s32 $0xFFFFC000  }
0x25: {  	[tilespmem:s2], [sflag:$0x2] =	stream.linear.gather [hbm4b:s12+s2], $0x80, $0x38;
	[tilespmem:$0x4080] =	vst v63  }
0x26: {  	_ =	swait.ge [sflag:s7], $0x80  }
0x27: {  	[sflag:s7] =	ssyncset.done $0x0  }
0x28: {  	[sflag:s7] =	ssyncadd.s32 $0xFFFFFF80  }
0x29: {  	[tilespmem:s8], [sflag:$0x2] =	stream.linear.gather [hbm4b:s11+s2], $0x4000, $0x38;
	[tilespmem:$0x4080] =	vst v63  }
0x2a: {  	s10 =	sadd.s32 $0x1, s10;
	_ =	swait.ge [sflag:s7], $0x4000  }
0x2b: {  	p0 =	sne.s32 s10, s4;
	[sflag:s7] =	ssyncset.done $0x0  }
.Ltmp1:
0x2c: {  	[sflag:s7] =	ssyncadd.s32 $0xFFFFC000;
	(pc) =	sbr.rel @p0 .LBB2_1-.Ltmp1, $4  }
0x2d: {  	[hbm4b:s3+s8] =	stream.indirect.scatter [tilespmem:s8], [sflag:$0x1], $0x80, s2, s8, $0xb8;
	[tilespmem:$0x4080] =	vst v63  }
0x2e: {  	_ =	swait.ge [sflag:s9], $0x4000  }
0x2f: {  	[sflag:s9] =	ssyncset.done $0x0  }
0x30: {  	[sflag:s9] =	ssyncadd.s32 $0xFFFFC000  }
0x31: {  	_ =	sfence.sel $0x180000  }
0x32: {  	[bflag:$0x0] =	sbarrier.arrive $0xFFFF  }
0x33: {  	p0 =	sne.s32 s1, $0x0;
	_ =	strace $0x90000056  }
0x34: {  	s0 =	sadd.s32 @!p0 $0x100000, s0;
	[bflag:$0x2] =	sbarrier.arrive $0xFFFF  }
0x35: {  	[sflag:s0] =	ssyncadd.tile.s32 @!p0 $0x1;
	_ =	shalt  }
.Lfunc_end2:
_tile_overlayer_lowered:
.L_overlay_start_2:
0x36: {  	(tag) =	ssettag $0x2  }
0x37: {  	s0 =	rddreg [dreg:$0x0];
	s2 =	stileid.u32  }
0x38: {  	s1 =	rddreg [dreg:$0x1];
	p0 =	sne.s32 s2, $0x0  }
0x39: {  	s3 =	rddreg [dreg:$0x2];
	[bflag:$0x3] =	sbarrier.arrive $0xFFFF;
	s2 =	simm.s32 @!p0 $0x1C02  }
0x3a: {  	[timem:s3], [sflag:s2] =	dma.local @!p0 [hbm:s0], s1  }
0x3b: {  	s0 =	simm.s32 @!p0 $0x2  }
0x3c: {  	_ =	swait.ge @!p0 [sflag:s0], s1  }
0x3d: {  	s1 =	ssub.s32 @!p0 $0x0, s1;
	[sflag:s0] =	ssyncset.done @!p0 $0x0  }
0x3e: {  	[sflag:s0] =	ssyncadd.s32 @!p0 s1  }
0x3f: {  	[bflag:$0x3] =	sbarrier.arrive $0xFFFF  }
0x40: {  	_ =	shalt  }

// kernel: kernel.24.cloned.1.call-start
scs
__scs_entry_jumppad:
0x0: {  	(pc) =	sbr.rel $0x88, $3  }
0x1: {  	(tag) =	ssettag $0x0;
	lr =	simm.s32 $0x1  }
0x2: {  	[smem:$0x3F9A] =	sst lr;
	_ =	strace $0xD0000000  }
0x3: {  	_ = 	snop  }
0x4: {  	_ = 	snop  }
0x5: {  	_ = 	snop  }
0x6: {  	_ = 	snop  }
0x7: {  	_ = 	snop  }
__scs_overlays_trampoline_lowered:
0x8: {  	[smem:$0x3FA9] =	sst s0  }
0x9: {  	[smem:$0x3FAA] =	sst s1  }
0xa: {  	[smem:$0x3FAB] =	sst s2  }
0xb: {  	[smem:$0x3FAC] =	sst s3  }
0xc: {  	[smem:$0x3FAD] =	sst s4  }
0xd: {  	[smem:$0x3FAE] =	sst s5  }
0xe: {  	[smem:$0x3FAF] =	sst s6  }
0xf: {  	[smem:$0x3FB0] =	sst s7  }
0x10: {  	[smem:$0x3FB1] =	sst s8  }
0x11: {  	[smem:$0x3FB2] =	sst s9;
	s0 =	simm.s32 @!p0 $0x0  }
0x12: {  	s1 =	sld [smem:$0x3F98];
	s0 =	simm.s32 @p0 $0x1  }
0x13: {  	[smem:$0x3FB3] =	sst s0;
	s0 =	simm.s32 @!p1 $0x0  }
0x14: {  	s2 =	sld [smem:$0x3F97];
	s0 =	simm.s32 @p1 $0x1  }
0x15: {  	[smem:$0x3FB4] =	sst s0;
	s0 =	simm.s32 @!p2 $0x0  }
0x16: {  	s3 =	sld [smem:$0x3FDB];
	s0 =	simm.s32 @p2 $0x1  }
0x17: {  	s4 =	simm.s32 $0x1BF5;
	[smem:$0x3FB6] =	sst s0  }
0x18: {  	s0 =	sld [smem:$0x3F99];
	_ =	swait.ge [sflag:s4], $0x0  }
0x19: {  	s7 =	sld [smem:$0x3F9A]  }
0x1a: {  	s8 =	sadd.s32 $0xFFFFE003, lr  }
0x1b: {  	s9 =	sadd.s32 $0xFFFFFEF7, lr;
	s5 =	simm.s32 $0xFFFFFFFF;
	p2 =	slt.u32 s8, $0xFFFFF086  }
0x1c: {  	p1 =	slt.u32 s9, $0xF7A;
	s5 =	simm.s32 @!p2 $0x0  }
0x1d: {  	s5 =	simm.s32 @p1 $0x1;
	p0 =	seq.s32 s7, s2  }
0x1e: {  	s7 =	smul.u32 @!p0 $0xF7A, s2;
	p2 =	seq.s32 @!p0 s5, $0x0  }
0x1f: {  	s9 =	smul.u32 $0xF7A, s1;
	s8 =	simm.s32 @!p0 $0x1BF5;
	p2 =	por !p2, p0  }
0x20: {  	[sflag:s8] =	ssyncset.s32 @!p0 $0xFFFFF086;
	s6 =	sadd.s32 @!p0 s3, s7;
	s7 =	simm.s32 @!p0 $0x108  }
0x21: {  	s3 =	sadd.s32 s3, s9;
	s6 =	sadd.s32 @!p0 $0x88, s6;
	s7 =	simm.s32 @p2 $0x1082  }
0x22: {  	[simem:s7], [sflag:s8] =	dma.local @!p0 [hbm:s6], $0xF7A  }
0x23: {  	s9 =	sor.u32 $0xD0000000, s2;
	s6 =	simm.s32 $0x108;
	_ =	swait.ge @!p0 [sflag:s8], $0x0  }
0x24: {  	s3 =	sadd.s32 $0x88, s3;
	s6 =	simm.s32 @!p1 $0x1082;
	[sflag:s4] =	ssyncset.s32 $0xFFFFF086  }
0x25: {  	[simem:s6], [sflag:s4] =	dma.local [hbm:s3], $0xF7A  }
0x26: {  	[smem:$0x3F9A] =	sst s1;
	(tag) =	ssettag s2;
	_ =	strace s9  }
0x27: {  	s1 =	sld [smem:$0x3FAA]  }
0x28: {  	s2 =	sld [smem:$0x3FAB]  }
0x29: {  	s4 =	sld [smem:$0x3FAD]  }
0x2a: {  	p0 =	seq.s32 s5, $0x0;
	s5 =	sld [smem:$0x3FAE]  }
0x2b: {  	s6 =	sld [smem:$0x3FAF]  }
0x2c: {  	s7 =	sld [smem:$0x3FB0]  }
0x2d: {  	s3 =	simm.s32 $0x108;
	s8 =	sld [smem:$0x3FB1]  }
0x2e: {  	s3 =	simm.s32 @!p0 $0x1082;
	s9 =	sld [smem:$0x3FB2]  }
0x2f: {  	lr =	sadd.s32 s0, s3;
	s0 =	sld [smem:$0x3FA9]  }
0x30: {  	s3 =	sld [smem:$0x3FAC]  }
0x31: {  	[smem:$0x3FB5] =	sst s10  }
0x32: {  	s10 =	sld [smem:$0x3FB3];
	_ =	sdelay $0x3  }
0x33: {  	p0 =	seq.s32 s10, $0x1;
	s10 =	sld [smem:$0x3FB5];
	_ =	sdelay $0x3  }
0x34: {  	[smem:$0x3FB5] =	sst s10  }
0x35: {  	s10 =	sld [smem:$0x3FB4];
	_ =	sdelay $0x3  }
0x36: {  	p1 =	seq.s32 s10, $0x1;
	s10 =	sld [smem:$0x3FB5];
	_ =	sdelay $0x3  }
0x37: {  	[smem:$0x3FB5] =	sst s10  }
0x38: {  	s10 =	sld [smem:$0x3FB6]  }
0x39: {  	_ = 	snop;
	(pc) =	sbr.ind lr, $3  }
0x3a: {  	_ = 	snop  }
0x3b: {  	_ = 	snop  }
0x3c: {  	p2 =	seq.s32 s10, $0x1;
	s10 =	sld [smem:$0x3FB5]  }
0x3d: {  	_ =	shalt  }
0x3e: {  	_ =	shalt  }
0x3f: {  	_ =	shalt  }
0x40: {  	_ =	shalt  }
0x41: {  	_ =	shalt  }
0x42: {  	_ =	shalt  }
0x43: {  	_ =	shalt  }
0x44: {  	_ =	shalt  }
0x45: {  	_ =	shalt  }
0x46: {  	_ =	shalt  }
0x47: {  	_ =	shalt  }
0x48: {  	_ =	shalt  }
0x49: {  	_ =	shalt  }
0x4a: {  	_ =	shalt  }
0x4b: {  	_ =	shalt  }
0x4c: {  	_ =	shalt  }
0x4d: {  	_ =	shalt  }
0x4e: {  	_ =	shalt  }
0x4f: {  	_ =	shalt  }
0x50: {  	_ =	shalt  }
0x51: {  	_ =	shalt  }
0x52: {  	_ =	shalt  }
0x53: {  	_ =	shalt  }
0x54: {  	_ =	shalt  }
0x55: {  	_ =	shalt  }
0x56: {  	_ =	shalt  }
0x57: {  	_ =	shalt  }
0x58: {  	_ =	shalt  }
0x59: {  	_ =	shalt  }
0x5a: {  	_ =	shalt  }
0x5b: {  	_ =	shalt  }
0x5c: {  	_ =	shalt  }
0x5d: {  	_ =	shalt  }
0x5e: {  	_ =	shalt  }
0x5f: {  	_ =	shalt  }
0x60: {  	_ =	shalt  }
0x61: {  	_ =	shalt  }
0x62: {  	_ =	shalt  }
0x63: {  	_ =	shalt  }
0x64: {  	_ =	shalt  }
0x65: {  	_ =	shalt  }
0x66: {  	_ =	shalt  }
0x67: {  	_ =	shalt  }
0x68: {  	_ =	shalt  }
0x69: {  	_ =	shalt  }
0x6a: {  	_ =	shalt  }
0x6b: {  	_ =	shalt  }
0x6c: {  	_ =	shalt  }
0x6d: {  	_ =	shalt  }
0x6e: {  	_ =	shalt  }
0x6f: {  	_ =	shalt  }
0x70: {  	_ =	shalt  }
0x71: {  	_ =	shalt  }
0x72: {  	_ =	shalt  }
0x73: {  	_ =	shalt  }
0x74: {  	_ =	shalt  }
0x75: {  	_ =	shalt  }
0x76: {  	_ =	shalt  }
0x77: {  	_ =	shalt  }
0x78: {  	_ =	shalt  }
0x79: {  	_ =	shalt  }
0x7a: {  	_ =	shalt  }
0x7b: {  	_ =	shalt  }
0x7c: {  	_ =	shalt  }
0x7d: {  	_ =	shalt  }
0x7e: {  	_ =	shalt  }
0x7f: {  	_ =	shalt  }
0x80: {  	_ =	shalt  }
0x81: {  	_ =	shalt  }
0x82: {  	_ =	shalt  }
0x83: {  	_ =	shalt  }
0x84: {  	_ =	shalt  }
0x85: {  	_ =	shalt  }
0x86: {  	_ =	shalt  }
0x87: {  	_ =	shalt  }
.Lfunc_end0:
.L_simem_size_0:
called_computation.2_lowered:
.L_overlay_start_0:
0x88: {  	s2 =	sld [smem:$0x3FD9]  }
0x89: {  	s3 =	sld [smem:$0x3FFE];
	_ =	sdelay $0x1  }
0x8a: {  	s1 =	srdreg.scid  }
0x8b: {  	s0 =	sand.u32 $0x1, s1  }
0x8c: {  	s17 =	sshll.u32 s0, $0xA;
	s2 =	sadd.s32 s3, s2  }
0x8d: {  	s2 =	sadd.s32 s2, s17  }
0x8e: {  	[smem:$0x3FC1] =	sst s2  }
0x8f: {  	_ = 	snop  }
0x90: {  	s2 =	sld [smem:$0x3FD0];
	(tm) =	ssettm $0x1  }
0x91: {  	s18 =	sld [smem:$0x3FFB];
	_ =	sdelay $0x3  }
0x92: {  	_ =	strace s18  }
0x93: {  	s3 =	sld [smem:$0x3FFC];
	_ =	sdelay $0x3  }
0x94: {  	_ =	strace s3  }
0x95: {  	s3 =	sld [smem:$0x3FFD];
	_ =	sdelay $0x3  }
0x96: {  	_ =	strace s3  }
0x97: {  	_ =	strace $0x8FFFFFFF  }
0x98: {  	s19 =	sld [smem:$0x3FDB];
	_ =	sdelay $0x1  }
0x99: {  	s4 =	simm.s32 $_scs_section_size  }
0x9a: {  	s5 =	simm.s32 $_size__tile_overlayer_lowered;
	s6 =	simm.s32 $_tile_overlayer_lowered  }
0x9b: {  	s22 =	simm.s32 $0x1BFF;
	s21 =	sshll.u32 s6, $0x1;
	s3 =	sadd.s32 s4, s19  }
0x9c: {  	s7 =	simm.s32 $0x0;
	s20 =	sshll.u32 s5, $0x1;
	s5 =	sadd.s32 s21, s3  }
0x9d: {  	[timem:s7], [sflag:s22] =	dma.local [hbm:s5], s20  }
0x9e: {  	_ =	swait.ge [sflag:s22], s20  }
0x9f: {  	s4 =	ssub.s32 $0x0, s20;
	[sflag:s22] =	ssyncset.done $0x0  }
0xa0: {  	[sflag:s22] =	ssyncadd.s32 s4;
	_ =	sdelay $0x1  }
0xa1: {  	s23 =	simm.s32 $0x1B8B  }
0xa2: {  	_ =	swait.ge [sflag:s23], $0x1  }
0xa3: {  	[sflag:s23] =	ssyncset.done $0x0  }
0xa4: {  	s25 =	simm.s32 $0x1B8E;
	s24 =	sld [smem:$0x3FFE];
	[sflag:s23] =	ssyncadd.s32 $0xFFFFFFFF  }
0xa5: {  	s26 =	simm.s32 $execute0_lowered;
	[smem:$0x3FD2] =	sst s25  }
0xa6: {  	s5 =	sshll.u32 s26, $0x1;
	_ =	strace $0x80000046;
	[dreg:$0x1] =	wrdreg $0xFFFFFFFF  }
0xa7: {  	s28 =	simm.s32 $_size_execute0_lowered;
	s3 =	sadd.s32 s3, s5;
	[dreg:$0x0] =	wrdreg $0x0  }
0xa8: {  	s5 =	sshll.u32 s28, $0x1;
	[dreg:$0x2] =	wrdreg s3  }
0xa9: {  	[dreg:$0x3] =	wrdreg s5  }
0xaa: {  	[dreg:$0x4] =	wrdreg $0xC0  }
0xab: {  	_ =	task [dreg:s7], $0x5FFFF  }
0xac: {  	[dreg:$0x1] =	wrdreg $0xFFFFFFFF  }
0xad: {  	[dreg:$0x0] =	wrdreg $0x60  }
0xae: {  	[dreg:$0x2] =	wrdreg s2  }
0xaf: {  	[dreg:$0x3] =	wrdreg s24  }
0xb0: {  	[dreg:$0x4] =	wrdreg $0x9  }
0xb1: {  	_ =	task.clear_ibuf [dreg:s7], $0x5FFFF;
	_ =	strace $0x90000046  }
0xb2: {  	s29 =	simm.s32 $0x9;
	_ =	strace $0x80000048  }
0xb3: {  	_ =	swait.ge [sflag:s29], $0x1  }
0xb4: {  	[sflag:s29] =	ssyncadd.s32 $0xFFFFFFFF  }
0xb5: {  	_ =	strace $0x90000048  }
0xb6: {  	_ =	sfence  }
0xb7: {  	s30 =	sld [smem:$0x0];
	_ =	sdelay $0x2  }
0xb8: {  	s31 =	sshll.u32 s1, $0xD;
	s1 =	sshrl.u32 s1, $0x2  }
0xb9: {  	s3 =	sand.u32 $0x4000, s31;
	s1 =	sadd.s32 s1, s30  }
0xba: {  	s0 =	sor.u32 s3, s0;
	s1 =	sshll.u32 s1, $0x11  }
0xbb: {  	s0 =	sor.u32 s1, s0  }
0xbc: {  	s0 =	sadd.s32 $0x8F2B, s0  }
0xbd: {  	[sflag:s0] =	ssyncadd.remote.s32 $0x1  }
0xbe: {  	_ =	sfence.sel $0xFFFF  }
0xbf: {  	[dreg:$0x0] =	wrdreg $0xFFFFFFFF;
	(pc) =	sbr.abs _section_cstart, $3  }
0xc0: {  	[dreg:$0x1] =	wrdreg $0xFFFFFFFF  }
0xc1: {  	_ =	task.clear_ibuf [dreg:s7], $0x2FFFF;
	_ =	strace $0x9FFFFFFF  }
0xc2: {  	(tm) =	ssettm $0x7FFFFFFF  }
0xc3: {  	_ =	shalt  }
tec
execute0_lowered:
.L_overlay_start_1:
0x0: {  	(tag) =	ssettag $0x1  }
0x1: {  	s8 =	rddreg [dreg:$0x0]  }
0x2: {  	s5 =	rddreg [dreg:$0x1]  }
0x3: {  	s0 =	rddreg [dreg:$0x2];
	s1 =	simm.s32 $0x0  }
0x4: {  	s2 =	srdreg.scid;
	s11 =	simm.s32 $0x4080;
	s12 =	simm.s32 $0x1  }
0x5: {  	s13 =	simm.s32 $0x0;
	[smem:$0x7FF] =	sst s1;
	s6 =	sand.u32 $0x1, s2  }
0x6: {  	s2 =	stileid.u32;
	s3 =	sadd.s32 $0x1A00, s5;
	s4 =	sadd.s32 $0x81A00, s5  }
0x7: {  	_ =	strace $0x80000047;
	s7 =	ssub.s32 $0x2, s6;
	s9 =	sshll.u32 s2, $0xF  }
0x8: {  	s29 =	sshll.u32 s2, $0xB;
	s30 =	sshll.u32 s6, $0xA;
	s10 =	sshrl.u32 s7, $0x1  }
0x9: {  	s6 =	sshll.u32 s6, $0xE;
	s9 =	sadd.s32 s9, s5;
	s28 =	ssub.s32 s7, s10  }
0xa: {  	s9 =	sadd.s32 s6, s9;
	s10 =	sor.u32 s30, s29;
	s5 =	smax.u32 s28, $0x1  }
0xb: {  	s6 =	sadd.s32 $0x104A00, s9;
	s7 =	sadd.s32 $0x184A00, s9;
	s31 =	sshrl.u32 s10, $0x3  }
0xc: {  	s9 =	simm.s32 $0x2;
	s10 =	simm.s32 $0x80;
	s8 =	sadd.s32 s31, s8  }
.LBB2_1:
0xd: {  	[tilespmem:s1], [sflag:$0x2] =	stream.linear.gather [hbm4b:s8+s1], $0x80, $0x38;
	[tilespmem:$0x8080] =	vst v63  }
0xe: {  	_ =	swait.ge [sflag:s9], $0x80  }
0xf: {  	[sflag:s9] =	ssyncset.done $0x0  }
0x10: {  	[sflag:s9] =	ssyncadd.s32 $0xFFFFFF80  }
0x11: {  	[tilespmem:s10], [sflag:$0x1] =	stream.indirect.gather [hbm4b:s3+s10], $0x80, s1, s10, $0xb8;
	[tilespmem:$0x8080] =	vst v63  }
0x12: {  	_ = 	snop  }
0x13: {  	[tilespmem:s11], [sflag:$0x1] =	stream.indirect.gather [hbm4b:s4+s10], $0x80, s1, s10, $0xb8;
	[tilespmem:$0x8080] =	vst v63  }
0x14: {  	_ =	swait.ge [sflag:s12], $0x4000  }
0x15: {  	[sflag:s12] =	ssyncset.done $0x0  }
0x16: {  	[sflag:s12] =	ssyncadd.s32 $0xFFFFC000  }
0x17: {  	_ =	swait.ge [sflag:s12], $0x4000  }
0x18: {  	[sflag:s12] =	ssyncset.done $0x0  }
0x19: {  	s14 =	sadd.s32 $0x0, s6;
	[sflag:s12] =	ssyncadd.s32 $0xFFFFC000  }
0x1a: {  	[hbm4b:s14+s1] =	stream.linear.scatter [tilespmem:s10], [sflag:$0x2], $0x4000, $0x38;
	[tilespmem:$0x8080] =	vst v63  }
0x1b: {  	_ =	swait.ge [sflag:s9], $0x4000  }
0x1c: {  	[sflag:s9] =	ssyncset.done $0x0  }
0x1d: {  	s31 =	sadd.s32 $0x0, s7;
	[sflag:s9] =	ssyncadd.s32 $0xFFFFC000  }
0x1e: {  	[hbm4b:s31+s1] =	stream.linear.scatter [tilespmem:s11], [sflag:$0x2], $0x4000, $0x38;
	[tilespmem:$0x8080] =	vst v63  }
0x1f: {  	_ =	swait.ge [sflag:s9], $0x4000  }
0x20: {  	s15 =	smov.u32 s8;
	s14 =	simm.s32 $0x800;
	[sflag:s9] =	ssyncset.done $0x0  }
.LBB2_2:
0x21: {  	p0 =	sne.s32 s14, $0x3800;
	[sflag:s9] =	ssyncadd.s32 $0xFFFFC000;
	s15 =	sadd.s32 $0x10, s15  }
0x22: {  	[tilespmem:s1], [sflag:$0x2] =	stream.linear.gather [hbm4b:s15+s1], $0x80, $0x38;
	[tilespmem:$0x8080] =	vst v63  }
0x23: {  	s16 =	smov.u32 s14;
	s14 =	sadd.s32 $0x800, s14;
	_ =	swait.ge [sflag:s9], $0x80  }
0x24: {  	[sflag:s9] =	ssyncset.done $0x0  }
0x25: {  	[sflag:s9] =	ssyncadd.s32 $0xFFFFFF80  }
0x26: {  	[tilespmem:s10], [sflag:$0x1] =	stream.indirect.gather [hbm4b:s3+s10], $0x80, s1, s10, $0xb8;
	[tilespmem:$0x8080] =	vst v63  }
0x27: {  	_ = 	snop  }
0x28: {  	[tilespmem:s11], [sflag:$0x1] =	stream.indirect.gather [hbm4b:s4+s10], $0x80, s1, s10, $0xb8;
	[tilespmem:$0x8080] =	vst v63  }
0x29: {  	_ =	swait.ge [sflag:s12], $0x4000  }
0x2a: {  	[sflag:s12] =	ssyncset.done $0x0  }
0x2b: {  	[sflag:s12] =	ssyncadd.s32 $0xFFFFC000  }
0x2c: {  	_ =	swait.ge [sflag:s12], $0x4000  }
0x2d: {  	[sflag:s12] =	ssyncset.done $0x0  }
0x2e: {  	s17 =	sadd.s32 s16, s6;
	[sflag:s12] =	ssyncadd.s32 $0xFFFFC000  }
0x2f: {  	[hbm4b:s17+s1] =	stream.linear.scatter [tilespmem:s10], [sflag:$0x2], $0x4000, $0x38;
	[tilespmem:$0x8080] =	vst v63  }
0x30: {  	_ =	swait.ge [sflag:s9], $0x4000  }
.Ltmp0:
0x31: {  	[sflag:s9] =	ssyncset.done $0x0;
	(pc) =	sbr.rel @p0 .LBB2_2-.Ltmp0, $4  }
0x32: {  	s16 =	sadd.s32 s16, s7;
	[sflag:s9] =	ssyncadd.s32 $0xFFFFC000  }
0x33: {  	[hbm4b:s16+s1] =	stream.linear.scatter [tilespmem:s11], [sflag:$0x2], $0x4000, $0x38;
	[tilespmem:$0x8080] =	vst v63  }
0x34: {  	_ =	swait.ge [sflag:s9], $0x4000  }
0x35: {  	[sflag:s9] =	ssyncset.done $0x0  }
0x36: {  	s13 =	sadd.s32 $0x1, s13  }
0x37: {  	p0 =	sne.s32 s13, s5  }
.Ltmp1:
0x38: {  	_ = 	snop;
	(pc) =	sbr.rel @p0 .LBB2_1-.Ltmp1, $2  }
0x39: {  	_ =	sdelay $0x2  }
0x3a: {  	[sflag:s9] =	ssyncadd.s32 $0xFFFFC000  }
0x3b: {  	_ =	sfence.sel $0x180000  }
0x3c: {  	[bflag:$0x0] =	sbarrier.arrive $0xFFFF  }
0x3d: {  	p0 =	sne.s32 s2, $0x0;
	_ =	strace $0x90000047  }
0x3e: {  	s0 =	sadd.s32 @!p0 $0x100000, s0;
	[bflag:$0x2] =	sbarrier.arrive $0xFFFF  }
0x3f: {  	[sflag:s0] =	ssyncadd.tile.s32 @!p0 $0x1;
	_ =	shalt  }
.Lfunc_end2:
_tile_overlayer_lowered:
.L_overlay_start_2:
0x40: {  	(tag) =	ssettag $0x2  }
0x41: {  	s0 =	rddreg [dreg:$0x0];
	s2 =	stileid.u32  }
0x42: {  	s1 =	rddreg [dreg:$0x1];
	p0 =	sne.s32 s2, $0x0  }
0x43: {  	s3 =	rddreg [dreg:$0x2];
	[bflag:$0x3] =	sbarrier.arrive $0xFFFF;
	s2 =	simm.s32 @!p0 $0x1C02  }
0x44: {  	[timem:s3], [sflag:s2] =	dma.local @!p0 [hbm:s0], s1  }
0x45: {  	s0 =	simm.s32 @!p0 $0x2  }
0x46: {  	_ =	swait.ge @!p0 [sflag:s0], s1  }
0x47: {  	s1 =	ssub.s32 @!p0 $0x0, s1;
	[sflag:s0] =	ssyncset.done @!p0 $0x0  }
0x48: {  	[sflag:s0] =	ssyncadd.s32 @!p0 s1  }
0x49: {  	[bflag:$0x3] =	sbarrier.arrive $0xFFFF  }
0x4a: {  	_ =	shalt  }

// kernel: kernel.27.cloned.1.call-start
scs
__scs_entry_jumppad:
0x0: {  	(pc) =	sbr.rel $0x88, $3  }
0x1: {  	(tag) =	ssettag $0x0;
	lr =	simm.s32 $0x1  }
0x2: {  	[smem:$0x3F9A] =	sst lr;
	_ =	strace $0xD0000000  }
0x3: {  	_ = 	snop  }
0x4: {  	_ = 	snop  }
0x5: {  	_ = 	snop  }
0x6: {  	_ = 	snop  }
0x7: {  	_ = 	snop  }
__scs_overlays_trampoline_lowered:
0x8: {  	[smem:$0x3FA9] =	sst s0  }
0x9: {  	[smem:$0x3FAA] =	sst s1  }
0xa: {  	[smem:$0x3FAB] =	sst s2  }
0xb: {  	[smem:$0x3FAC] =	sst s3  }
0xc: {  	[smem:$0x3FAD] =	sst s4  }
0xd: {  	[smem:$0x3FAE] =	sst s5  }
0xe: {  	[smem:$0x3FAF] =	sst s6  }
0xf: {  	[smem:$0x3FB0] =	sst s7  }
0x10: {  	[smem:$0x3FB1] =	sst s8  }
0x11: {  	[smem:$0x3FB2] =	sst s9;
	s0 =	simm.s32 @!p0 $0x0  }
0x12: {  	s1 =	sld [smem:$0x3F98];
	s0 =	simm.s32 @p0 $0x1  }
0x13: {  	[smem:$0x3FB3] =	sst s0;
	s0 =	simm.s32 @!p1 $0x0  }
0x14: {  	s2 =	sld [smem:$0x3F97];
	s0 =	simm.s32 @p1 $0x1  }
0x15: {  	[smem:$0x3FB4] =	sst s0;
	s0 =	simm.s32 @!p2 $0x0  }
0x16: {  	s3 =	sld [smem:$0x3FDB];
	s0 =	simm.s32 @p2 $0x1  }
0x17: {  	s4 =	simm.s32 $0x1BF5;
	[smem:$0x3FB6] =	sst s0  }
0x18: {  	s0 =	sld [smem:$0x3F99];
	_ =	swait.ge [sflag:s4], $0x0  }
0x19: {  	s7 =	sld [smem:$0x3F9A]  }
0x1a: {  	s8 =	sadd.s32 $0xFFFFE003, lr  }
0x1b: {  	s9 =	sadd.s32 $0xFFFFFEF7, lr;
	s5 =	simm.s32 $0xFFFFFFFF;
	p2 =	slt.u32 s8, $0xFFFFF086  }
0x1c: {  	p1 =	slt.u32 s9, $0xF7A;
	s5 =	simm.s32 @!p2 $0x0  }
0x1d: {  	s5 =	simm.s32 @p1 $0x1;
	p0 =	seq.s32 s7, s2  }
0x1e: {  	s7 =	smul.u32 @!p0 $0xF7A, s2;
	p2 =	seq.s32 @!p0 s5, $0x0  }
0x1f: {  	s9 =	smul.u32 $0xF7A, s1;
	s8 =	simm.s32 @!p0 $0x1BF5;
	p2 =	por !p2, p0  }
0x20: {  	[sflag:s8] =	ssyncset.s32 @!p0 $0xFFFFF086;
	s6 =	sadd.s32 @!p0 s3, s7;
	s7 =	simm.s32 @!p0 $0x108  }
0x21: {  	s3 =	sadd.s32 s3, s9;
	s6 =	sadd.s32 @!p0 $0x88, s6;
	s7 =	simm.s32 @p2 $0x1082  }
0x22: {  	[simem:s7], [sflag:s8] =	dma.local @!p0 [hbm:s6], $0xF7A  }
0x23: {  	s9 =	sor.u32 $0xD0000000, s2;
	s6 =	simm.s32 $0x108;
	_ =	swait.ge @!p0 [sflag:s8], $0x0  }
0x24: {  	s3 =	sadd.s32 $0x88, s3;
	s6 =	simm.s32 @!p1 $0x1082;
	[sflag:s4] =	ssyncset.s32 $0xFFFFF086  }
0x25: {  	[simem:s6], [sflag:s4] =	dma.local [hbm:s3], $0xF7A  }
0x26: {  	[smem:$0x3F9A] =	sst s1;
	(tag) =	ssettag s2;
	_ =	strace s9  }
0x27: {  	s1 =	sld [smem:$0x3FAA]  }
0x28: {  	s2 =	sld [smem:$0x3FAB]  }
0x29: {  	s4 =	sld [smem:$0x3FAD]  }
0x2a: {  	p0 =	seq.s32 s5, $0x0;
	s5 =	sld [smem:$0x3FAE]  }
0x2b: {  	s6 =	sld [smem:$0x3FAF]  }
0x2c: {  	s7 =	sld [smem:$0x3FB0]  }
0x2d: {  	s3 =	simm.s32 $0x108;
	s8 =	sld [smem:$0x3FB1]  }
0x2e: {  	s3 =	simm.s32 @!p0 $0x1082;
	s9 =	sld [smem:$0x3FB2]  }
0x2f: {  	lr =	sadd.s32 s0, s3;
	s0 =	sld [smem:$0x3FA9]  }
0x30: {  	s3 =	sld [smem:$0x3FAC]  }
0x31: {  	[smem:$0x3FB5] =	sst s10  }
0x32: {  	s10 =	sld [smem:$0x3FB3];
	_ =	sdelay $0x3  }
0x33: {  	p0 =	seq.s32 s10, $0x1;
	s10 =	sld [smem:$0x3FB5];
	_ =	sdelay $0x3  }
0x34: {  	[smem:$0x3FB5] =	sst s10  }
0x35: {  	s10 =	sld [smem:$0x3FB4];
	_ =	sdelay $0x3  }
0x36: {  	p1 =	seq.s32 s10, $0x1;
	s10 =	sld [smem:$0x3FB5];
	_ =	sdelay $0x3  }
0x37: {  	[smem:$0x3FB5] =	sst s10  }
0x38: {  	s10 =	sld [smem:$0x3FB6]  }
0x39: {  	_ = 	snop;
	(pc) =	sbr.ind lr, $3  }
0x3a: {  	_ = 	snop  }
0x3b: {  	_ = 	snop  }
0x3c: {  	p2 =	seq.s32 s10, $0x1;
	s10 =	sld [smem:$0x3FB5]  }
0x3d: {  	_ =	shalt  }
0x3e: {  	_ =	shalt  }
0x3f: {  	_ =	shalt  }
0x40: {  	_ =	shalt  }
0x41: {  	_ =	shalt  }
0x42: {  	_ =	shalt  }
0x43: {  	_ =	shalt  }
0x44: {  	_ =	shalt  }
0x45: {  	_ =	shalt  }
0x46: {  	_ =	shalt  }
0x47: {  	_ =	shalt  }
0x48: {  	_ =	shalt  }
0x49: {  	_ =	shalt  }
0x4a: {  	_ =	shalt  }
0x4b: {  	_ =	shalt  }
0x4c: {  	_ =	shalt  }
0x4d: {  	_ =	shalt  }
0x4e: {  	_ =	shalt  }
0x4f: {  	_ =	shalt  }
0x50: {  	_ =	shalt  }
0x51: {  	_ =	shalt  }
0x52: {  	_ =	shalt  }
0x53: {  	_ =	shalt  }
0x54: {  	_ =	shalt  }
0x55: {  	_ =	shalt  }
0x56: {  	_ =	shalt  }
0x57: {  	_ =	shalt  }
0x58: {  	_ =	shalt  }
0x59: {  	_ =	shalt  }
0x5a: {  	_ =	shalt  }
0x5b: {  	_ =	shalt  }
0x5c: {  	_ =	shalt  }
0x5d: {  	_ =	shalt  }
0x5e: {  	_ =	shalt  }
0x5f: {  	_ =	shalt  }
0x60: {  	_ =	shalt  }
0x61: {  	_ =	shalt  }
0x62: {  	_ =	shalt  }
0x63: {  	_ =	shalt  }
0x64: {  	_ =	shalt  }
0x65: {  	_ =	shalt  }
0x66: {  	_ =	shalt  }
0x67: {  	_ =	shalt  }
0x68: {  	_ =	shalt  }
0x69: {  	_ =	shalt  }
0x6a: {  	_ =	shalt  }
0x6b: {  	_ =	shalt  }
0x6c: {  	_ =	shalt  }
0x6d: {  	_ =	shalt  }
0x6e: {  	_ =	shalt  }
0x6f: {  	_ =	shalt  }
0x70: {  	_ =	shalt  }
0x71: {  	_ =	shalt  }
0x72: {  	_ =	shalt  }
0x73: {  	_ =	shalt  }
0x74: {  	_ =	shalt  }
0x75: {  	_ =	shalt  }
0x76: {  	_ =	shalt  }
0x77: {  	_ =	shalt  }
0x78: {  	_ =	shalt  }
0x79: {  	_ =	shalt  }
0x7a: {  	_ =	shalt  }
0x7b: {  	_ =	shalt  }
0x7c: {  	_ =	shalt  }
0x7d: {  	_ =	shalt  }
0x7e: {  	_ =	shalt  }
0x7f: {  	_ =	shalt  }
0x80: {  	_ =	shalt  }
0x81: {  	_ =	shalt  }
0x82: {  	_ =	shalt  }
0x83: {  	_ =	shalt  }
0x84: {  	_ =	shalt  }
0x85: {  	_ =	shalt  }
0x86: {  	_ =	shalt  }
0x87: {  	_ =	shalt  }
.Lfunc_end0:
.L_simem_size_0:
called_computation.3_lowered:
.L_overlay_start_0:
0x88: {  	s2 =	sld [smem:$0x3FD9]  }
0x89: {  	s3 =	sld [smem:$0x3FFE];
	_ =	sdelay $0x1  }
0x8a: {  	s1 =	srdreg.scid  }
0x8b: {  	s0 =	sand.u32 $0x1, s1  }
0x8c: {  	s17 =	sshll.u32 s0, $0xA;
	s2 =	sadd.s32 s3, s2  }
0x8d: {  	s2 =	sadd.s32 s2, s17  }
0x8e: {  	[smem:$0x3FC1] =	sst s2  }
0x8f: {  	_ = 	snop  }
0x90: {  	s18 =	sld [smem:$0x3FD0];
	(tm) =	ssettm $0x1  }
0x91: {  	s19 =	sld [smem:$0x3FFB];
	_ =	sdelay $0x3  }
0x92: {  	_ =	strace s19  }
0x93: {  	s2 =	sld [smem:$0x3FFC];
	_ =	sdelay $0x3  }
0x94: {  	_ =	strace s2  }
0x95: {  	s2 =	sld [smem:$0x3FFD];
	_ =	sdelay $0x3  }
0x96: {  	_ =	strace s2  }
0x97: {  	_ =	strace $0x8FFFFFFF  }
0x98: {  	s20 =	sld [smem:$0x3FDB];
	_ =	sdelay $0x1  }
0x99: {  	s4 =	simm.s32 $_scs_section_size  }
0x9a: {  	s5 =	simm.s32 $_size__tile_overlayer_lowered;
	s6 =	simm.s32 $_tile_overlayer_lowered  }
0x9b: {  	s7 =	simm.s32 $0x1BFF;
	s21 =	sshll.u32 s6, $0x1;
	s4 =	sadd.s32 s4, s20  }
0x9c: {  	s22 =	simm.s32 $0x0;
	s5 =	sshll.u32 s5, $0x1;
	s6 =	sadd.s32 s21, s4  }
0x9d: {  	[timem:s22], [sflag:s7] =	dma.local [hbm:s6], s5  }
0x9e: {  	_ =	swait.ge [sflag:s7], s5  }
0x9f: {  	s5 =	ssub.s32 $0x0, s5;
	[sflag:s7] =	ssyncset.done $0x0  }
0xa0: {  	[sflag:s7] =	ssyncadd.s32 s5;
	_ =	sdelay $0x1  }
0xa1: {  	s23 =	simm.s32 $0x1B8B  }
0xa2: {  	_ =	swait.ge [sflag:s23], $0x1  }
0xa3: {  	[sflag:s23] =	ssyncset.done $0x0  }
0xa4: {  	[sflag:s23] =	ssyncadd.s32 $0xFFFFFFFF  }
0xa5: {  	s5 =	sld [smem:$0x0]  }
0xa6: {  	s6 =	sand.u32 $0xFFFFFFFE, s1  }
0xa7: {  	p0 =	sne.s32 s1, s6  }
0xa8: {  	s6 =	sshll.u32 @p0 s6, $0xE  }
0xa9: {  	s6 =	sadd.s32 @p0 $0x11B8D, s6;
	s7 =	sshll.u32 @p0 s5, $0x11  }
0xaa: {  	s6 =	sor.u32 @p0 s7, s6  }
0xab: {  	[sflag:s6] =	ssyncadd.remote.s32 @p0 $0x1;
	_ =	sdelay $0x1  }
0xac: {  	s6 =	simm.s32 @p0 $0x1B8D  }
0xad: {  	_ =	swait.eq @p0 [sflag:s6], $0x1  }
0xae: {  	[sflag:s6] =	ssyncadd.s32 @p0 $0xFFFFFFFF  }
0xaf: {  	s7 =	sshll.u32 @!p0 s1, $0xE  }
0xb0: {  	s7 =	sor.u32 @!p0 $0x4000, s7;
	s6 =	simm.s32 @!p0 $0x1B8D  }
0xb1: {  	s5 =	sshll.u32 @!p0 s5, $0x11;
	s7 =	sadd.s32 @!p0 $0x11B8D, s7;
	_ =	swait.eq @!p0 [sflag:s6], $0x1  }
0xb2: {  	s5 =	sor.u32 @!p0 s5, s7;
	[sflag:s6] =	ssyncadd.s32 @!p0 $0xFFFFFFFF  }
0xb3: {  	s25 =	simm.s32 $0x1B8E;
	s24 =	sld [smem:$0x3FFE];
	[sflag:s5] =	ssyncadd.remote.s32 @!p0 $0x1  }
0xb4: {  	s26 =	simm.s32 $execute0_lowered;
	[smem:$0x3FD2] =	sst s25  }
0xb5: {  	s6 =	sshll.u32 s26, $0x1;
	_ =	strace $0x80000052;
	[dreg:$0x1] =	wrdreg $0xFFFFFFFF  }
0xb6: {  	s28 =	simm.s32 $_size_execute0_lowered;
	s4 =	sadd.s32 s4, s6;
	[dreg:$0x0] =	wrdreg $0x0  }
0xb7: {  	s6 =	sshll.u32 s28, $0x1;
	[dreg:$0x2] =	wrdreg s4  }
0xb8: {  	[dreg:$0x3] =	wrdreg s6  }
0xb9: {  	[dreg:$0x4] =	wrdreg $0xC0  }
0xba: {  	_ =	task [dreg:s22], $0x5FFFF  }
0xbb: {  	[dreg:$0x1] =	wrdreg $0xFFFFFFFF  }
0xbc: {  	[dreg:$0x0] =	wrdreg $0x60  }
0xbd: {  	[dreg:$0x2] =	wrdreg s18  }
0xbe: {  	[dreg:$0x3] =	wrdreg s24  }
0xbf: {  	[dreg:$0x4] =	wrdreg $0x9  }
0xc0: {  	_ =	task.clear_ibuf [dreg:s22], $0x5FFFF;
	_ =	strace $0x90000052  }
0xc1: {  	s29 =	simm.s32 $0x9;
	_ =	strace $0x80000054  }
0xc2: {  	_ =	swait.ge [sflag:s29], $0x1  }
0xc3: {  	[sflag:s29] =	ssyncadd.s32 $0xFFFFFFFF  }
0xc4: {  	_ =	strace $0x90000054  }
0xc5: {  	_ =	sfence  }
0xc6: {  	s30 =	sld [smem:$0x0];
	_ =	sdelay $0x2  }
0xc7: {  	s31 =	sshll.u32 s1, $0xD;
	s1 =	sshrl.u32 s1, $0x2  }
0xc8: {  	s4 =	sand.u32 $0x4000, s31;
	s1 =	sadd.s32 s1, s30  }
0xc9: {  	s0 =	sor.u32 s4, s0;
	s1 =	sshll.u32 s1, $0x11  }
0xca: {  	s0 =	sor.u32 s1, s0  }
0xcb: {  	s0 =	sadd.s32 $0x8F2B, s0  }
0xcc: {  	[sflag:s0] =	ssyncadd.remote.s32 $0x1  }
0xcd: {  	_ =	sfence.sel $0xFFFF  }
0xce: {  	[dreg:$0x0] =	wrdreg $0xFFFFFFFF;
	(pc) =	sbr.abs _section_cstart, $3  }
0xcf: {  	[dreg:$0x1] =	wrdreg $0xFFFFFFFF  }
0xd0: {  	_ =	task.clear_ibuf [dreg:s22], $0x2FFFF;
	_ =	strace $0x9FFFFFFF  }
0xd1: {  	(tm) =	ssettm $0x7FFFFFFF  }
tec
execute0_lowered:
.L_overlay_start_1:
0x0: {  	(tag) =	ssettag $0x1  }
0x1: {  	s6 =	rddreg [dreg:$0x0]  }
0x2: {  	s3 =	rddreg [dreg:$0x1]  }
0x3: {  	s0 =	rddreg [dreg:$0x2];
	s2 =	simm.s32 $0x0;
	s1 =	stileid.u32  }
0x4: {  	s4 =	srdreg.scid;
	[smem:$0x7FF] =	sst s2  }
0x5: {  	s5 =	sshll.u32 s1, $0xF;
	s4 =	sand.u32 $0x1, s4;
	s9 =	sshll.u32 s1, $0xB  }
0x6: {  	_ =	strace $0x80000053;
	s5 =	sadd.s32 s5, s3;
	s3 =	sadd.s32 $0x184A00, s3  }
0x7: {  	s7 =	ssub.s32 $0x2, s4;
	s10 =	sshll.u32 s4, $0xA;
	s30 =	sshll.u32 s4, $0xE  }
0x8: {  	s8 =	sshrl.u32 s7, $0x1;
	s9 =	sor.u32 s10, s9;
	s5 =	sadd.s32 s30, s5  }
0x9: {  	s10 =	simm.s32 $0x0;
	s7 =	ssub.s32 s7, s8;
	s31 =	sshrl.u32 s9, $0x3  }
0xa: {  	s5 =	sadd.s32 $0x104A00, s5;
	s8 =	simm.s32 $0x80;
	s9 =	simm.s32 $0x1  }
0xb: {  	s4 =	smax.u32 s7, $0x1;
	s6 =	sadd.s32 s31, s6;
	s7 =	simm.s32 $0x2  }
.LBB2_1:
0xc: {  	s11 =	sadd.s32 $0x0, s6  }
0xd: {  	[tilespmem:s2], [sflag:$0x2] =	stream.linear.gather [hbm4b:s11+s2], $0x80, $0x38;
	[tilespmem:$0x4080] =	vst v63  }
0xe: {  	_ =	swait.ge [sflag:s7], $0x80  }
0xf: {  	[sflag:s7] =	ssyncset.done $0x0  }
0x10: {  	[sflag:s7] =	ssyncadd.s32 $0xFFFFFF80  }
0x11: {  	[tilespmem:s8], [sflag:$0x2] =	stream.linear.gather [hbm4b:s5+s2], $0x4000, $0x38;
	[tilespmem:$0x4080] =	vst v63  }
0x12: {  	_ =	swait.ge [sflag:s7], $0x4000  }
0x13: {  	[sflag:s7] =	ssyncset.done $0x0  }
0x14: {  	[sflag:s7] =	ssyncadd.s32 $0xFFFFC000  }
0x15: {  	[hbm4b:s3+s8] =	stream.indirect.scatter [tilespmem:s8], [sflag:$0x1], $0x80, s2, s8, $0xb8;
	[tilespmem:$0x4080] =	vst v63  }
0x16: {  	s12 =	simm.s32 $0x10;
	_ =	swait.ge [sflag:s9], $0x4000  }
0x17: {  	s13 =	simm.s32 $0x20;
	s11 =	sadd.s32 $0x800, s5;
	[sflag:s9] =	ssyncset.done $0x0  }
.LBB2_2:
0x18: {  	s14 =	sadd.s32 s12, s6  }
0x19: {  	[sflag:s9] =	ssyncadd.s32 $0xFFFFC000;
	s12 =	smov.u32 s13;
	s15 =	sadd.s32 $0x10, s13  }
0x1a: {  	[tilespmem:s2], [sflag:$0x2] =	stream.linear.gather [hbm4b:s14+s2], $0x80, $0x38;
	[tilespmem:$0x4080] =	vst v63  }
0x1b: {  	p0 =	sne.s32 s13, $0x70;
	_ =	swait.ge [sflag:s7], $0x80  }
0x1c: {  	[sflag:s7] =	ssyncset.done $0x0  }
0x1d: {  	[sflag:s7] =	ssyncadd.s32 $0xFFFFFF80  }
0x1e: {  	[tilespmem:s8], [sflag:$0x2] =	stream.linear.gather [hbm4b:s11+s2], $0x4000, $0x38;
	[tilespmem:$0x4080] =	vst v63  }
0x1f: {  	_ =	swait.ge [sflag:s7], $0x4000  }
.Ltmp0:
0x20: {  	[sflag:s7] =	ssyncset.done $0x0;
	(pc) =	sbr.rel @p0 .LBB2_2-.Ltmp0, $4  }
0x21: {  	[sflag:s7] =	ssyncadd.s32 $0xFFFFC000  }
0x22: {  	[hbm4b:s3+s8] =	stream.indirect.scatter [tilespmem:s8], [sflag:$0x1], $0x80, s2, s8, $0xb8;
	[tilespmem:$0x4080] =	vst v63  }
0x23: {  	_ =	swait.ge [sflag:s9], $0x4000  }
0x24: {  	s13 =	smov.u32 s15;
	s11 =	sadd.s32 $0x800, s11;
	[sflag:s9] =	ssyncset.done $0x0  }
0x25: {  	s12 =	sadd.s32 s12, s6;
	[sflag:s9] =	ssyncadd.s32 $0xFFFFC000  }
0x26: {  	[tilespmem:s2], [sflag:$0x2] =	stream.linear.gather [hbm4b:s12+s2], $0x80, $0x38;
	[tilespmem:$0x4080] =	vst v63  }
0x27: {  	_ =	swait.ge [sflag:s7], $0x80  }
0x28: {  	[sflag:s7] =	ssyncset.done $0x0  }
0x29: {  	[sflag:s7] =	ssyncadd.s32 $0xFFFFFF80  }
0x2a: {  	[tilespmem:s8], [sflag:$0x2] =	stream.linear.gather [hbm4b:s11+s2], $0x4000, $0x38;
	[tilespmem:$0x4080] =	vst v63  }
0x2b: {  	s10 =	sadd.s32 $0x1, s10;
	_ =	swait.ge [sflag:s7], $0x4000  }
0x2c: {  	p0 =	sne.s32 s10, s4;
	[sflag:s7] =	ssyncset.done $0x0  }
.Ltmp1:
0x2d: {  	[sflag:s7] =	ssyncadd.s32 $0xFFFFC000;
	(pc) =	sbr.rel @p0 .LBB2_1-.Ltmp1, $4  }
0x2e: {  	[hbm4b:s3+s8] =	stream.indirect.scatter [tilespmem:s8], [sflag:$0x1], $0x80, s2, s8, $0xb8;
	[tilespmem:$0x4080] =	vst v63  }
0x2f: {  	_ =	swait.ge [sflag:s9], $0x4000  }
0x30: {  	[sflag:s9] =	ssyncset.done $0x0  }
0x31: {  	[sflag:s9] =	ssyncadd.s32 $0xFFFFC000  }
0x32: {  	_ =	sfence.sel $0x180000  }
0x33: {  	[bflag:$0x0] =	sbarrier.arrive $0xFFFF  }
0x34: {  	p0 =	sne.s32 s1, $0x0;
	_ =	strace $0x90000053  }
0x35: {  	s0 =	sadd.s32 @!p0 $0x100000, s0;
	[bflag:$0x2] =	sbarrier.arrive $0xFFFF  }
0x36: {  	[sflag:s0] =	ssyncadd.tile.s32 @!p0 $0x1;
	_ =	shalt  }
.Lfunc_end2:
_tile_overlayer_lowered:
.L_overlay_start_2:
0x37: {  	(tag) =	ssettag $0x2  }
0x38: {  	s0 =	rddreg [dreg:$0x0];
	s2 =	stileid.u32  }
0x39: {  	s1 =	rddreg [dreg:$0x1];
	p0 =	sne.s32 s2, $0x0  }
0x3a: {  	s3 =	rddreg [dreg:$0x2];
	[bflag:$0x3] =	sbarrier.arrive $0xFFFF;
	s2 =	simm.s32 @!p0 $0x1C02  }
0x3b: {  	[timem:s3], [sflag:s2] =	dma.local @!p0 [hbm:s0], s1  }
0x3c: {  	s0 =	simm.s32 @!p0 $0x2  }
0x3d: {  	_ =	swait.ge @!p0 [sflag:s0], s1  }
0x3e: {  	s1 =	ssub.s32 @!p0 $0x0, s1;
	[sflag:s0] =	ssyncset.done @!p0 $0x0  }
0x3f: {  	[sflag:s0] =	ssyncadd.s32 @!p0 s1  }
0x40: {  	[bflag:$0x3] =	sbarrier.arrive $0xFFFF  }
0x41: {  	_ =	shalt  }

// kernel: kernel.30.cloned.1.call-start
scs
__scs_entry_jumppad:
0x0: {  	(pc) =	sbr.rel $0x88, $3  }
0x1: {  	(tag) =	ssettag $0x0;
	lr =	simm.s32 $0x1  }
0x2: {  	[smem:$0x3F9A] =	sst lr;
	_ =	strace $0xD0000000  }
0x3: {  	_ = 	snop  }
0x4: {  	_ = 	snop  }
0x5: {  	_ = 	snop  }
0x6: {  	_ = 	snop  }
0x7: {  	_ = 	snop  }
__scs_overlays_trampoline_lowered:
0x8: {  	[smem:$0x3FA9] =	sst s0  }
0x9: {  	[smem:$0x3FAA] =	sst s1  }
0xa: {  	[smem:$0x3FAB] =	sst s2  }
0xb: {  	[smem:$0x3FAC] =	sst s3  }
0xc: {  	[smem:$0x3FAD] =	sst s4  }
0xd: {  	[smem:$0x3FAE] =	sst s5  }
0xe: {  	[smem:$0x3FAF] =	sst s6  }
0xf: {  	[smem:$0x3FB0] =	sst s7  }
0x10: {  	[smem:$0x3FB1] =	sst s8  }
0x11: {  	[smem:$0x3FB2] =	sst s9;
	s0 =	simm.s32 @!p0 $0x0  }
0x12: {  	s1 =	sld [smem:$0x3F98];
	s0 =	simm.s32 @p0 $0x1  }
0x13: {  	[smem:$0x3FB3] =	sst s0;
	s0 =	simm.s32 @!p1 $0x0  }
0x14: {  	s2 =	sld [smem:$0x3F97];
	s0 =	simm.s32 @p1 $0x1  }
0x15: {  	[smem:$0x3FB4] =	sst s0;
	s0 =	simm.s32 @!p2 $0x0  }
0x16: {  	s3 =	sld [smem:$0x3FDB];
	s0 =	simm.s32 @p2 $0x1  }
0x17: {  	s4 =	simm.s32 $0x1BF5;
	[smem:$0x3FB6] =	sst s0  }
0x18: {  	s0 =	sld [smem:$0x3F99];
	_ =	swait.ge [sflag:s4], $0x0  }
0x19: {  	s7 =	sld [smem:$0x3F9A]  }
0x1a: {  	s8 =	sadd.s32 $0xFFFFE003, lr  }
0x1b: {  	s9 =	sadd.s32 $0xFFFFFEF7, lr;
	s5 =	simm.s32 $0xFFFFFFFF;
	p2 =	slt.u32 s8, $0xFFFFF086  }
0x1c: {  	p1 =	slt.u32 s9, $0xF7A;
	s5 =	simm.s32 @!p2 $0x0  }
0x1d: {  	s5 =	simm.s32 @p1 $0x1;
	p0 =	seq.s32 s7, s2  }
0x1e: {  	s7 =	smul.u32 @!p0 $0xF7A, s2;
	p2 =	seq.s32 @!p0 s5, $0x0  }
0x1f: {  	s9 =	smul.u32 $0xF7A, s1;
	s8 =	simm.s32 @!p0 $0x1BF5;
	p2 =	por !p2, p0  }
0x20: {  	[sflag:s8] =	ssyncset.s32 @!p0 $0xFFFFF086;
	s6 =	sadd.s32 @!p0 s3, s7;
	s7 =	simm.s32 @!p0 $0x108  }
0x21: {  	s3 =	sadd.s32 s3, s9;
	s6 =	sadd.s32 @!p0 $0x88, s6;
	s7 =	simm.s32 @p2 $0x1082  }
0x22: {  	[simem:s7], [sflag:s8] =	dma.local @!p0 [hbm:s6], $0xF7A  }
0x23: {  	s9 =	sor.u32 $0xD0000000, s2;
	s6 =	simm.s32 $0x108;
	_ =	swait.ge @!p0 [sflag:s8], $0x0  }
0x24: {  	s3 =	sadd.s32 $0x88, s3;
	s6 =	simm.s32 @!p1 $0x1082;
	[sflag:s4] =	ssyncset.s32 $0xFFFFF086  }
0x25: {  	[simem:s6], [sflag:s4] =	dma.local [hbm:s3], $0xF7A  }
0x26: {  	[smem:$0x3F9A] =	sst s1;
	(tag) =	ssettag s2;
	_ =	strace s9  }
0x27: {  	s1 =	sld [smem:$0x3FAA]  }
0x28: {  	s2 =	sld [smem:$0x3FAB]  }
0x29: {  	s4 =	sld [smem:$0x3FAD]  }
0x2a: {  	p0 =	seq.s32 s5, $0x0;
	s5 =	sld [smem:$0x3FAE]  }
0x2b: {  	s6 =	sld [smem:$0x3FAF]  }
0x2c: {  	s7 =	sld [smem:$0x3FB0]  }
0x2d: {  	s3 =	simm.s32 $0x108;
	s8 =	sld [smem:$0x3FB1]  }
0x2e: {  	s3 =	simm.s32 @!p0 $0x1082;
	s9 =	sld [smem:$0x3FB2]  }
0x2f: {  	lr =	sadd.s32 s0, s3;
	s0 =	sld [smem:$0x3FA9]  }
0x30: {  	s3 =	sld [smem:$0x3FAC]  }
0x31: {  	[smem:$0x3FB5] =	sst s10  }
0x32: {  	s10 =	sld [smem:$0x3FB3];
	_ =	sdelay $0x3  }
0x33: {  	p0 =	seq.s32 s10, $0x1;
	s10 =	sld [smem:$0x3FB5];
	_ =	sdelay $0x3  }
0x34: {  	[smem:$0x3FB5] =	sst s10  }
0x35: {  	s10 =	sld [smem:$0x3FB4];
	_ =	sdelay $0x3  }
0x36: {  	p1 =	seq.s32 s10, $0x1;
	s10 =	sld [smem:$0x3FB5];
	_ =	sdelay $0x3  }
0x37: {  	[smem:$0x3FB5] =	sst s10  }
0x38: {  	s10 =	sld [smem:$0x3FB6]  }
0x39: {  	_ = 	snop;
	(pc) =	sbr.ind lr, $3  }
0x3a: {  	_ = 	snop  }
0x3b: {  	_ = 	snop  }
0x3c: {  	p2 =	seq.s32 s10, $0x1;
	s10 =	sld [smem:$0x3FB5]  }
0x3d: {  	_ =	shalt  }
0x3e: {  	_ =	shalt  }
0x3f: {  	_ =	shalt  }
0x40: {  	_ =	shalt  }
0x41: {  	_ =	shalt  }
0x42: {  	_ =	shalt  }
0x43: {  	_ =	shalt  }
0x44: {  	_ =	shalt  }
0x45: {  	_ =	shalt  }
0x46: {  	_ =	shalt  }
0x47: {  	_ =	shalt  }
0x48: {  	_ =	shalt  }
0x49: {  	_ =	shalt  }
0x4a: {  	_ =	shalt  }
0x4b: {  	_ =	shalt  }
0x4c: {  	_ =	shalt  }
0x4d: {  	_ =	shalt  }
0x4e: {  	_ =	shalt  }
0x4f: {  	_ =	shalt  }
0x50: {  	_ =	shalt  }
0x51: {  	_ =	shalt  }
0x52: {  	_ =	shalt  }
0x53: {  	_ =	shalt  }
0x54: {  	_ =	shalt  }
0x55: {  	_ =	shalt  }
0x56: {  	_ =	shalt  }
0x57: {  	_ =	shalt  }
0x58: {  	_ =	shalt  }
0x59: {  	_ =	shalt  }
0x5a: {  	_ =	shalt  }
0x5b: {  	_ =	shalt  }
0x5c: {  	_ =	shalt  }
0x5d: {  	_ =	shalt  }
0x5e: {  	_ =	shalt  }
0x5f: {  	_ =	shalt  }
0x60: {  	_ =	shalt  }
0x61: {  	_ =	shalt  }
0x62: {  	_ =	shalt  }
0x63: {  	_ =	shalt  }
0x64: {  	_ =	shalt  }
0x65: {  	_ =	shalt  }
0x66: {  	_ =	shalt  }
0x67: {  	_ =	shalt  }
0x68: {  	_ =	shalt  }
0x69: {  	_ =	shalt  }
0x6a: {  	_ =	shalt  }
0x6b: {  	_ =	shalt  }
0x6c: {  	_ =	shalt  }
0x6d: {  	_ =	shalt  }
0x6e: {  	_ =	shalt  }
0x6f: {  	_ =	shalt  }
0x70: {  	_ =	shalt  }
0x71: {  	_ =	shalt  }
0x72: {  	_ =	shalt  }
0x73: {  	_ =	shalt  }
0x74: {  	_ =	shalt  }
0x75: {  	_ =	shalt  }
0x76: {  	_ =	shalt  }
0x77: {  	_ =	shalt  }
0x78: {  	_ =	shalt  }
0x79: {  	_ =	shalt  }
0x7a: {  	_ =	shalt  }
0x7b: {  	_ =	shalt  }
0x7c: {  	_ =	shalt  }
0x7d: {  	_ =	shalt  }
0x7e: {  	_ =	shalt  }
0x7f: {  	_ =	shalt  }
0x80: {  	_ =	shalt  }
0x81: {  	_ =	shalt  }
0x82: {  	_ =	shalt  }
0x83: {  	_ =	shalt  }
0x84: {  	_ =	shalt  }
0x85: {  	_ =	shalt  }
0x86: {  	_ =	shalt  }
0x87: {  	_ =	shalt  }
.Lfunc_end0:
.L_simem_size_0:
called_computation.4_lowered:
.L_overlay_start_0:
0x88: {  	s2 =	sld [smem:$0x3FD9]  }
0x89: {  	s3 =	sld [smem:$0x3FFE];
	_ =	sdelay $0x1  }
0x8a: {  	s1 =	srdreg.scid  }
0x8b: {  	s0 =	sand.u32 $0x1, s1  }
0x8c: {  	s17 =	sshll.u32 s0, $0xA;
	s2 =	sadd.s32 s3, s2  }
0x8d: {  	s2 =	sadd.s32 s2, s17  }
0x8e: {  	[smem:$0x3FC1] =	sst s2  }
0x8f: {  	_ = 	snop  }
0x90: {  	(tm) =	ssettm $0x1  }
0x91: {  	s18 =	sld [smem:$0x3FFB];
	_ =	sdelay $0x3  }
0x92: {  	_ =	strace s18  }
0x93: {  	s2 =	sld [smem:$0x3FFC];
	_ =	sdelay $0x3  }
0x94: {  	_ =	strace s2  }
0x95: {  	s2 =	sld [smem:$0x3FFD];
	_ =	sdelay $0x3  }
0x96: {  	_ =	strace s2  }
0x97: {  	_ =	strace $0x8FFFFFFF  }
0x98: {  	s19 =	sld [smem:$0x3FDB];
	_ =	sdelay $0x1  }
0x99: {  	s20 =	simm.s32 $_scs_section_size  }
0x9a: {  	s4 =	simm.s32 $_size__tile_overlayer_lowered;
	s5 =	simm.s32 $_tile_overlayer_lowered  }
0x9b: {  	s6 =	simm.s32 $0x1BFF;
	s21 =	sshll.u32 s5, $0x1;
	s3 =	sadd.s32 s20, s19  }
0x9c: {  	s22 =	simm.s32 $0x0;
	s4 =	sshll.u32 s4, $0x1;
	s5 =	sadd.s32 s21, s3  }
0x9d: {  	[timem:s22], [sflag:s6] =	dma.local [hbm:s5], s4  }
0x9e: {  	_ =	swait.ge [sflag:s6], s4  }
0x9f: {  	s4 =	ssub.s32 $0x0, s4;
	[sflag:s6] =	ssyncset.done $0x0  }
0xa0: {  	[sflag:s6] =	ssyncadd.s32 s4;
	_ =	sdelay $0x1  }
0xa1: {  	s23 =	simm.s32 $0x1B8B  }
0xa2: {  	_ =	swait.ge [sflag:s23], $0x1  }
0xa3: {  	[sflag:s23] =	ssyncset.done $0x0  }
0xa4: {  	[sflag:s23] =	ssyncadd.s32 $0xFFFFFFFF  }
0xa5: {  	s4 =	sld [smem:$0x0]  }
0xa6: {  	s5 =	sand.u32 $0xFFFFFFFE, s1  }
0xa7: {  	p0 =	sne.s32 s1, s5  }
0xa8: {  	s5 =	sshll.u32 @p0 s5, $0xE  }
0xa9: {  	s5 =	sadd.s32 @p0 $0x11B8D, s5;
	s6 =	sshll.u32 @p0 s4, $0x11  }
0xaa: {  	s5 =	sor.u32 @p0 s6, s5  }
0xab: {  	[sflag:s5] =	ssyncadd.remote.s32 @p0 $0x1;
	_ =	sdelay $0x1  }
0xac: {  	s5 =	simm.s32 @p0 $0x1B8D  }
0xad: {  	_ =	swait.eq @p0 [sflag:s5], $0x1  }
0xae: {  	[sflag:s5] =	ssyncadd.s32 @p0 $0xFFFFFFFF  }
0xaf: {  	s6 =	sshll.u32 @!p0 s1, $0xE  }
0xb0: {  	s6 =	sor.u32 @!p0 $0x4000, s6;
	s5 =	simm.s32 @!p0 $0x1B8D  }
0xb1: {  	s4 =	sshll.u32 @!p0 s4, $0x11;
	s6 =	sadd.s32 @!p0 $0x11B8D, s6;
	_ =	swait.eq @!p0 [sflag:s5], $0x1  }
0xb2: {  	s4 =	sor.u32 @!p0 s4, s6;
	[sflag:s5] =	ssyncadd.s32 @!p0 $0xFFFFFFFF  }
0xb3: {  	s25 =	simm.s32 $0x1B8E;
	s24 =	sld [smem:$0x3FFE];
	[sflag:s4] =	ssyncadd.remote.s32 @!p0 $0x1  }
0xb4: {  	s26 =	simm.s32 $execute0_lowered;
	[smem:$0x3FD2] =	sst s25  }
0xb5: {  	s5 =	sshll.u32 s26, $0x1;
	_ =	strace $0x8000004F;
	[dreg:$0x1] =	wrdreg $0xFFFFFFFF  }
0xb6: {  	s28 =	simm.s32 $_size_execute0_lowered;
	s3 =	sadd.s32 s3, s5;
	[dreg:$0x0] =	wrdreg $0x0  }
0xb7: {  	s5 =	sshll.u32 s28, $0x1;
	[dreg:$0x2] =	wrdreg s3  }
0xb8: {  	[dreg:$0x3] =	wrdreg s5  }
0xb9: {  	[dreg:$0x4] =	wrdreg $0xC0  }
0xba: {  	_ =	task [dreg:s22], $0x5FFFF  }
0xbb: {  	[dreg:$0x1] =	wrdreg $0xFFFFFFFF  }
0xbc: {  	[dreg:$0x0] =	wrdreg $0x60  }
0xbd: {  	[dreg:$0x2] =	wrdreg s24  }
0xbe: {  	[dreg:$0x3] =	wrdreg $0xA  }
0xbf: {  	_ =	task.clear_ibuf [dreg:s22], $0x4FFFF;
	_ =	strace $0x9000004F  }
0xc0: {  	s29 =	simm.s32 $0xA;
	_ =	strace $0x80000051  }
0xc1: {  	_ =	swait.ge [sflag:s29], $0x1  }
0xc2: {  	[sflag:s29] =	ssyncadd.s32 $0xFFFFFFFF  }
0xc3: {  	_ =	strace $0x90000051  }
0xc4: {  	_ =	sfence  }
0xc5: {  	s30 =	sld [smem:$0x0];
	_ =	sdelay $0x2  }
0xc6: {  	s31 =	sshll.u32 s1, $0xD;
	s1 =	sshrl.u32 s1, $0x2  }
0xc7: {  	s4 =	sand.u32 $0x4000, s31;
	s1 =	sadd.s32 s1, s30  }
0xc8: {  	s0 =	sor.u32 s4, s0;
	s1 =	sshll.u32 s1, $0x11  }
0xc9: {  	s0 =	sor.u32 s1, s0  }
0xca: {  	s0 =	sadd.s32 $0x8F2B, s0  }
0xcb: {  	[sflag:s0] =	ssyncadd.remote.s32 $0x1  }
0xcc: {  	_ =	sfence.sel $0xFFFF  }
0xcd: {  	[dreg:$0x0] =	wrdreg $0xFFFFFFFF;
	(pc) =	sbr.abs _section_cstart, $3  }
0xce: {  	[dreg:$0x1] =	wrdreg $0xFFFFFFFF  }
0xcf: {  	_ =	task.clear_ibuf [dreg:s22], $0x2FFFF;
	_ =	strace $0x9FFFFFFF  }
0xd0: {  	(tm) =	ssettm $0x7FFFFFFF  }
0xd1: {  	_ =	shalt  }
tec
execute0_lowered:
.L_overlay_start_1:
0x0: {  	(tag) =	ssettag $0x1  }
0x1: {  	s1 =	srdreg.scid  }
0x2: {  	s0 =	stileid.u32;
	s5 =	rddreg [dreg:$0x0];
	s2 =	simm.s32 $0x0  }
0x3: {  	s11 =	simm.s32 $0x4080;
	s12 =	simm.s32 $0x1;
	s13 =	simm.s32 $0x0  }
0x4: {  	s4 =	sand.u32 $0x1, s1;
	s3 =	sshll.u32 s0, $0xB;
	s1 =	rddreg [dreg:$0x1]  }
0x5: {  	[smem:$0x7FF] =	sst s2;
	s29 =	sshll.u32 s0, $0xF;
	s6 =	sshll.u32 s4, $0xA  }
0x6: {  	_ =	strace $0x80000050;
	s7 =	ssub.s32 $0x2, s4;
	s10 =	sshll.u32 s4, $0xE  }
0x7: {  	s4 =	sadd.s32 $0x384A00, s5;
	s3 =	sor.u32 s6, s3;
	s9 =	sshrl.u32 s7, $0x1  }
0x8: {  	s6 =	sadd.s32 s29, s5;
	s3 =	sshrl.u32 s3, $0x3;
	s30 =	ssub.s32 s7, s9  }
0x9: {  	s31 =	sadd.s32 s10, s6;
	s9 =	simm.s32 $0x2;
	s10 =	simm.s32 $0x80  }
0xa: {  	s8 =	sadd.s32 s3, s5;
	s3 =	sadd.s32 $0x304A00, s5;
	s6 =	sadd.s32 $0x504A00, s31  }
0xb: {  	s5 =	smax.u32 s30, $0x1;
	s7 =	sadd.s32 $0x584A00, s31;
	s8 =	sadd.s32 $0x103A00, s8  }
.LBB2_1:
0xc: {  	[tilespmem:s2], [sflag:$0x2] =	stream.linear.gather [hbm4b:s8+s2], $0x80, $0x38;
	[tilespmem:$0x8080] =	vst v63  }
0xd: {  	_ =	swait.ge [sflag:s9], $0x80  }
0xe: {  	[sflag:s9] =	ssyncset.done $0x0  }
0xf: {  	[sflag:s9] =	ssyncadd.s32 $0xFFFFFF80  }
0x10: {  	[tilespmem:s10], [sflag:$0x1] =	stream.indirect.gather [hbm4b:s3+s10], $0x80, s2, s10, $0xb8;
	[tilespmem:$0x8080] =	vst v63  }
0x11: {  	_ = 	snop  }
0x12: {  	[tilespmem:s11], [sflag:$0x1] =	stream.indirect.gather [hbm4b:s4+s10], $0x80, s2, s10, $0xb8;
	[tilespmem:$0x8080] =	vst v63  }
0x13: {  	_ =	swait.ge [sflag:s12], $0x4000  }
0x14: {  	[sflag:s12] =	ssyncset.done $0x0  }
0x15: {  	[sflag:s12] =	ssyncadd.s32 $0xFFFFC000  }
0x16: {  	_ =	swait.ge [sflag:s12], $0x4000  }
0x17: {  	[sflag:s12] =	ssyncset.done $0x0  }
0x18: {  	s14 =	sadd.s32 $0x0, s6;
	[sflag:s12] =	ssyncadd.s32 $0xFFFFC000  }
0x19: {  	[hbm4b:s14+s2] =	stream.linear.scatter [tilespmem:s10], [sflag:$0x2], $0x4000, $0x38;
	[tilespmem:$0x8080] =	vst v63  }
0x1a: {  	_ =	swait.ge [sflag:s9], $0x4000  }
0x1b: {  	[sflag:s9] =	ssyncset.done $0x0  }
0x1c: {  	s31 =	sadd.s32 $0x0, s7;
	[sflag:s9] =	ssyncadd.s32 $0xFFFFC000  }
0x1d: {  	[hbm4b:s31+s2] =	stream.linear.scatter [tilespmem:s11], [sflag:$0x2], $0x4000, $0x38;
	[tilespmem:$0x8080] =	vst v63  }
0x1e: {  	_ =	swait.ge [sflag:s9], $0x4000  }
0x1f: {  	s15 =	smov.u32 s8;
	s14 =	simm.s32 $0x800;
	[sflag:s9] =	ssyncset.done $0x0  }
.LBB2_2:
0x20: {  	p0 =	sne.s32 s14, $0x3800;
	[sflag:s9] =	ssyncadd.s32 $0xFFFFC000;
	s15 =	sadd.s32 $0x10, s15  }
0x21: {  	[tilespmem:s2], [sflag:$0x2] =	stream.linear.gather [hbm4b:s15+s2], $0x80, $0x38;
	[tilespmem:$0x8080] =	vst v63  }
0x22: {  	s16 =	smov.u32 s14;
	s14 =	sadd.s32 $0x800, s14;
	_ =	swait.ge [sflag:s9], $0x80  }
0x23: {  	[sflag:s9] =	ssyncset.done $0x0  }
0x24: {  	[sflag:s9] =	ssyncadd.s32 $0xFFFFFF80  }
0x25: {  	[tilespmem:s10], [sflag:$0x1] =	stream.indirect.gather [hbm4b:s3+s10], $0x80, s2, s10, $0xb8;
	[tilespmem:$0x8080] =	vst v63  }
0x26: {  	_ = 	snop  }
0x27: {  	[tilespmem:s11], [sflag:$0x1] =	stream.indirect.gather [hbm4b:s4+s10], $0x80, s2, s10, $0xb8;
	[tilespmem:$0x8080] =	vst v63  }
0x28: {  	_ =	swait.ge [sflag:s12], $0x4000  }
0x29: {  	[sflag:s12] =	ssyncset.done $0x0  }
0x2a: {  	[sflag:s12] =	ssyncadd.s32 $0xFFFFC000  }
0x2b: {  	_ =	swait.ge [sflag:s12], $0x4000  }
0x2c: {  	[sflag:s12] =	ssyncset.done $0x0  }
0x2d: {  	s17 =	sadd.s32 s16, s6;
	[sflag:s12] =	ssyncadd.s32 $0xFFFFC000  }
0x2e: {  	[hbm4b:s17+s2] =	stream.linear.scatter [tilespmem:s10], [sflag:$0x2], $0x4000, $0x38;
	[tilespmem:$0x8080] =	vst v63  }
0x2f: {  	_ =	swait.ge [sflag:s9], $0x4000  }
.Ltmp0:
0x30: {  	[sflag:s9] =	ssyncset.done $0x0;
	(pc) =	sbr.rel @p0 .LBB2_2-.Ltmp0, $4  }
0x31: {  	s16 =	sadd.s32 s16, s7;
	[sflag:s9] =	ssyncadd.s32 $0xFFFFC000  }
0x32: {  	[hbm4b:s16+s2] =	stream.linear.scatter [tilespmem:s11], [sflag:$0x2], $0x4000, $0x38;
	[tilespmem:$0x8080] =	vst v63  }
0x33: {  	_ =	swait.ge [sflag:s9], $0x4000  }
0x34: {  	[sflag:s9] =	ssyncset.done $0x0  }
0x35: {  	s13 =	sadd.s32 $0x1, s13  }
0x36: {  	p0 =	sne.s32 s13, s5  }
.Ltmp1:
0x37: {  	_ = 	snop;
	(pc) =	sbr.rel @p0 .LBB2_1-.Ltmp1, $2  }
0x38: {  	_ =	sdelay $0x2  }
0x39: {  	[sflag:s9] =	ssyncadd.s32 $0xFFFFC000  }
0x3a: {  	_ =	sfence.sel $0x180000  }
0x3b: {  	[bflag:$0x0] =	sbarrier.arrive $0xFFFF  }
0x3c: {  	p0 =	sne.s32 s0, $0x0;
	_ =	strace $0x90000050  }
0x3d: {  	s0 =	sadd.s32 @!p0 $0x100000, s1;
	[bflag:$0x2] =	sbarrier.arrive $0xFFFF  }
0x3e: {  	[sflag:s0] =	ssyncadd.tile.s32 @!p0 $0x1;
	_ =	shalt  }
.Lfunc_end2:
_tile_overlayer_lowered:
.L_overlay_start_2:
0x3f: {  	(tag) =	ssettag $0x2  }
0x40: {  	s0 =	rddreg [dreg:$0x0];
	s2 =	stileid.u32  }
0x41: {  	s1 =	rddreg [dreg:$0x1];
	p0 =	sne.s32 s2, $0x0  }
0x42: {  	s3 =	rddreg [dreg:$0x2];
	[bflag:$0x3] =	sbarrier.arrive $0xFFFF;
	s2 =	simm.s32 @!p0 $0x1C02  }
0x43: {  	[timem:s3], [sflag:s2] =	dma.local @!p0 [hbm:s0], s1  }
0x44: {  	s0 =	simm.s32 @!p0 $0x2  }
0x45: {  	_ =	swait.ge @!p0 [sflag:s0], s1  }
0x46: {  	s1 =	ssub.s32 @!p0 $0x0, s1;
	[sflag:s0] =	ssyncset.done @!p0 $0x0  }
0x47: {  	[sflag:s0] =	ssyncadd.s32 @!p0 s1  }
0x48: {  	[bflag:$0x3] =	sbarrier.arrive $0xFFFF  }
0x49: {  	_ =	shalt  }

// kernel: kernel.33.cloned.1.call-start
scs
__scs_entry_jumppad:
0x0: {  	(pc) =	sbr.rel $0x88, $3  }
0x1: {  	(tag) =	ssettag $0x0;
	lr =	simm.s32 $0x1  }
0x2: {  	[smem:$0x3F9A] =	sst lr;
	_ =	strace $0xD0000000  }
0x3: {  	_ = 	snop  }
0x4: {  	_ = 	snop  }
0x5: {  	_ = 	snop  }
0x6: {  	_ = 	snop  }
0x7: {  	_ = 	snop  }
__scs_overlays_trampoline_lowered:
0x8: {  	[smem:$0x3FA9] =	sst s0  }
0x9: {  	[smem:$0x3FAA] =	sst s1  }
0xa: {  	[smem:$0x3FAB] =	sst s2  }
0xb: {  	[smem:$0x3FAC] =	sst s3  }
0xc: {  	[smem:$0x3FAD] =	sst s4  }
0xd: {  	[smem:$0x3FAE] =	sst s5  }
0xe: {  	[smem:$0x3FAF] =	sst s6  }
0xf: {  	[smem:$0x3FB0] =	sst s7  }
0x10: {  	[smem:$0x3FB1] =	sst s8  }
0x11: {  	[smem:$0x3FB2] =	sst s9;
	s0 =	simm.s32 @!p0 $0x0  }
0x12: {  	s1 =	sld [smem:$0x3F98];
	s0 =	simm.s32 @p0 $0x1  }
0x13: {  	[smem:$0x3FB3] =	sst s0;
	s0 =	simm.s32 @!p1 $0x0  }
0x14: {  	s2 =	sld [smem:$0x3F97];
	s0 =	simm.s32 @p1 $0x1  }
0x15: {  	[smem:$0x3FB4] =	sst s0;
	s0 =	simm.s32 @!p2 $0x0  }
0x16: {  	s3 =	sld [smem:$0x3FDB];
	s0 =	simm.s32 @p2 $0x1  }
0x17: {  	s4 =	simm.s32 $0x1BF5;
	[smem:$0x3FB6] =	sst s0  }
0x18: {  	s0 =	sld [smem:$0x3F99];
	_ =	swait.ge [sflag:s4], $0x0  }
0x19: {  	s7 =	sld [smem:$0x3F9A]  }
0x1a: {  	s8 =	sadd.s32 $0xFFFFE003, lr  }
0x1b: {  	s9 =	sadd.s32 $0xFFFFFEF7, lr;
	s5 =	simm.s32 $0xFFFFFFFF;
	p2 =	slt.u32 s8, $0xFFFFF086  }
0x1c: {  	p1 =	slt.u32 s9, $0xF7A;
	s5 =	simm.s32 @!p2 $0x0  }
0x1d: {  	s5 =	simm.s32 @p1 $0x1;
	p0 =	seq.s32 s7, s2  }
0x1e: {  	s7 =	smul.u32 @!p0 $0xF7A, s2;
	p2 =	seq.s32 @!p0 s5, $0x0  }
0x1f: {  	s9 =	smul.u32 $0xF7A, s1;
	s8 =	simm.s32 @!p0 $0x1BF5;
	p2 =	por !p2, p0  }
0x20: {  	[sflag:s8] =	ssyncset.s32 @!p0 $0xFFFFF086;
	s6 =	sadd.s32 @!p0 s3, s7;
	s7 =	simm.s32 @!p0 $0x108  }
0x21: {  	s3 =	sadd.s32 s3, s9;
	s6 =	sadd.s32 @!p0 $0x88, s6;
	s7 =	simm.s32 @p2 $0x1082  }
0x22: {  	[simem:s7], [sflag:s8] =	dma.local @!p0 [hbm:s6], $0xF7A  }
0x23: {  	s9 =	sor.u32 $0xD0000000, s2;
	s6 =	simm.s32 $0x108;
	_ =	swait.ge @!p0 [sflag:s8], $0x0  }
0x24: {  	s3 =	sadd.s32 $0x88, s3;
	s6 =	simm.s32 @!p1 $0x1082;
	[sflag:s4] =	ssyncset.s32 $0xFFFFF086  }
0x25: {  	[simem:s6], [sflag:s4] =	dma.local [hbm:s3], $0xF7A  }
0x26: {  	[smem:$0x3F9A] =	sst s1;
	(tag) =	ssettag s2;
	_ =	strace s9  }
0x27: {  	s1 =	sld [smem:$0x3FAA]  }
0x28: {  	s2 =	sld [smem:$0x3FAB]  }
0x29: {  	s4 =	sld [smem:$0x3FAD]  }
0x2a: {  	p0 =	seq.s32 s5, $0x0;
	s5 =	sld [smem:$0x3FAE]  }
0x2b: {  	s6 =	sld [smem:$0x3FAF]  }
0x2c: {  	s7 =	sld [smem:$0x3FB0]  }
0x2d: {  	s3 =	simm.s32 $0x108;
	s8 =	sld [smem:$0x3FB1]  }
0x2e: {  	s3 =	simm.s32 @!p0 $0x1082;
	s9 =	sld [smem:$0x3FB2]  }
0x2f: {  	lr =	sadd.s32 s0, s3;
	s0 =	sld [smem:$0x3FA9]  }
0x30: {  	s3 =	sld [smem:$0x3FAC]  }
0x31: {  	[smem:$0x3FB5] =	sst s10  }
0x32: {  	s10 =	sld [smem:$0x3FB3];
	_ =	sdelay $0x3  }
0x33: {  	p0 =	seq.s32 s10, $0x1;
	s10 =	sld [smem:$0x3FB5];
	_ =	sdelay $0x3  }
0x34: {  	[smem:$0x3FB5] =	sst s10  }
0x35: {  	s10 =	sld [smem:$0x3FB4];
	_ =	sdelay $0x3  }
0x36: {  	p1 =	seq.s32 s10, $0x1;
	s10 =	sld [smem:$0x3FB5];
	_ =	sdelay $0x3  }
0x37: {  	[smem:$0x3FB5] =	sst s10  }
0x38: {  	s10 =	sld [smem:$0x3FB6]  }
0x39: {  	_ = 	snop;
	(pc) =	sbr.ind lr, $3  }
0x3a: {  	_ = 	snop  }
0x3b: {  	_ = 	snop  }
0x3c: {  	p2 =	seq.s32 s10, $0x1;
	s10 =	sld [smem:$0x3FB5]  }
0x3d: {  	_ =	shalt  }
0x3e: {  	_ =	shalt  }
0x3f: {  	_ =	shalt  }
0x40: {  	_ =	shalt  }
0x41: {  	_ =	shalt  }
0x42: {  	_ =	shalt  }
0x43: {  	_ =	shalt  }
0x44: {  	_ =	shalt  }
0x45: {  	_ =	shalt  }
0x46: {  	_ =	shalt  }
0x47: {  	_ =	shalt  }
0x48: {  	_ =	shalt  }
0x49: {  	_ =	shalt  }
0x4a: {  	_ =	shalt  }
0x4b: {  	_ =	shalt  }
0x4c: {  	_ =	shalt  }
0x4d: {  	_ =	shalt  }
0x4e: {  	_ =	shalt  }
0x4f: {  	_ =	shalt  }
0x50: {  	_ =	shalt  }
0x51: {  	_ =	shalt  }
0x52: {  	_ =	shalt  }
0x53: {  	_ =	shalt  }
0x54: {  	_ =	shalt  }
0x55: {  	_ =	shalt  }
0x56: {  	_ =	shalt  }
0x57: {  	_ =	shalt  }
0x58: {  	_ =	shalt  }
0x59: {  	_ =	shalt  }
0x5a: {  	_ =	shalt  }
0x5b: {  	_ =	shalt  }
0x5c: {  	_ =	shalt  }
0x5d: {  	_ =	shalt  }
0x5e: {  	_ =	shalt  }
0x5f: {  	_ =	shalt  }
0x60: {  	_ =	shalt  }
0x61: {  	_ =	shalt  }
0x62: {  	_ =	shalt  }
0x63: {  	_ =	shalt  }
0x64: {  	_ =	shalt  }
0x65: {  	_ =	shalt  }
0x66: {  	_ =	shalt  }
0x67: {  	_ =	shalt  }
0x68: {  	_ =	shalt  }
0x69: {  	_ =	shalt  }
0x6a: {  	_ =	shalt  }
0x6b: {  	_ =	shalt  }
0x6c: {  	_ =	shalt  }
0x6d: {  	_ =	shalt  }
0x6e: {  	_ =	shalt  }
0x6f: {  	_ =	shalt  }
0x70: {  	_ =	shalt  }
0x71: {  	_ =	shalt  }
0x72: {  	_ =	shalt  }
0x73: {  	_ =	shalt  }
0x74: {  	_ =	shalt  }
0x75: {  	_ =	shalt  }
0x76: {  	_ =	shalt  }
0x77: {  	_ =	shalt  }
0x78: {  	_ =	shalt  }
0x79: {  	_ =	shalt  }
0x7a: {  	_ =	shalt  }
0x7b: {  	_ =	shalt  }
0x7c: {  	_ =	shalt  }
0x7d: {  	_ =	shalt  }
0x7e: {  	_ =	shalt  }
0x7f: {  	_ =	shalt  }
0x80: {  	_ =	shalt  }
0x81: {  	_ =	shalt  }
0x82: {  	_ =	shalt  }
0x83: {  	_ =	shalt  }
0x84: {  	_ =	shalt  }
0x85: {  	_ =	shalt  }
0x86: {  	_ =	shalt  }
0x87: {  	_ =	shalt  }
.Lfunc_end0:
.L_simem_size_0:
called_computation.5_lowered:
.L_overlay_start_0:
0x88: {  	s2 =	sld [smem:$0x3FD9]  }
0x89: {  	s3 =	sld [smem:$0x3FFE];
	_ =	sdelay $0x1  }
0x8a: {  	s1 =	srdreg.scid  }
0x8b: {  	s0 =	sand.u32 $0x1, s1  }
0x8c: {  	s17 =	sshll.u32 s0, $0xA;
	s2 =	sadd.s32 s3, s2  }
0x8d: {  	s2 =	sadd.s32 s2, s17  }
0x8e: {  	[smem:$0x3FC1] =	sst s2  }
0x8f: {  	_ = 	snop  }
0x90: {  	(tm) =	ssettm $0x1  }
0x91: {  	s18 =	sld [smem:$0x3FFB];
	_ =	sdelay $0x3  }
0x92: {  	_ =	strace s18  }
0x93: {  	s2 =	sld [smem:$0x3FFC];
	_ =	sdelay $0x3  }
0x94: {  	_ =	strace s2  }
0x95: {  	s2 =	sld [smem:$0x3FFD];
	_ =	sdelay $0x3  }
0x96: {  	_ =	strace s2  }
0x97: {  	_ =	strace $0x8FFFFFFF  }
0x98: {  	s19 =	sld [smem:$0x3FDB];
	_ =	sdelay $0x1  }
0x99: {  	s20 =	simm.s32 $_scs_section_size  }
0x9a: {  	s4 =	simm.s32 $_size__tile_overlayer_lowered;
	s5 =	simm.s32 $_tile_overlayer_lowered  }
0x9b: {  	s6 =	simm.s32 $0x1BFF;
	s21 =	sshll.u32 s5, $0x1;
	s3 =	sadd.s32 s20, s19  }
0x9c: {  	s22 =	simm.s32 $0x0;
	s4 =	sshll.u32 s4, $0x1;
	s5 =	sadd.s32 s21, s3  }
0x9d: {  	[timem:s22], [sflag:s6] =	dma.local [hbm:s5], s4  }
0x9e: {  	_ =	swait.ge [sflag:s6], s4  }
0x9f: {  	s4 =	ssub.s32 $0x0, s4;
	[sflag:s6] =	ssyncset.done $0x0  }
0xa0: {  	[sflag:s6] =	ssyncadd.s32 s4;
	_ =	sdelay $0x1  }
0xa1: {  	s23 =	simm.s32 $0x1B8B  }
0xa2: {  	_ =	swait.ge [sflag:s23], $0x1  }
0xa3: {  	[sflag:s23] =	ssyncset.done $0x0  }
0xa4: {  	[sflag:s23] =	ssyncadd.s32 $0xFFFFFFFF  }
0xa5: {  	s4 =	sld [smem:$0x0]  }
0xa6: {  	s5 =	sand.u32 $0xFFFFFFFE, s1  }
0xa7: {  	p0 =	sne.s32 s1, s5  }
0xa8: {  	s5 =	sshll.u32 @p0 s5, $0xE  }
0xa9: {  	s5 =	sadd.s32 @p0 $0x11B8D, s5;
	s6 =	sshll.u32 @p0 s4, $0x11  }
0xaa: {  	s5 =	sor.u32 @p0 s6, s5  }
0xab: {  	[sflag:s5] =	ssyncadd.remote.s32 @p0 $0x1;
	_ =	sdelay $0x1  }
0xac: {  	s5 =	simm.s32 @p0 $0x1B8D  }
0xad: {  	_ =	swait.eq @p0 [sflag:s5], $0x1  }
0xae: {  	[sflag:s5] =	ssyncadd.s32 @p0 $0xFFFFFFFF  }
0xaf: {  	s6 =	sshll.u32 @!p0 s1, $0xE  }
0xb0: {  	s6 =	sor.u32 @!p0 $0x4000, s6;
	s5 =	simm.s32 @!p0 $0x1B8D  }
0xb1: {  	s4 =	sshll.u32 @!p0 s4, $0x11;
	s6 =	sadd.s32 @!p0 $0x11B8D, s6;
	_ =	swait.eq @!p0 [sflag:s5], $0x1  }
0xb2: {  	s4 =	sor.u32 @!p0 s4, s6;
	[sflag:s5] =	ssyncadd.s32 @!p0 $0xFFFFFFFF  }
0xb3: {  	s25 =	simm.s32 $0x1B8E;
	s24 =	sld [smem:$0x3FFE];
	[sflag:s4] =	ssyncadd.remote.s32 @!p0 $0x1  }
0xb4: {  	s26 =	simm.s32 $execute0_lowered;
	[smem:$0x3FD2] =	sst s25  }
0xb5: {  	s5 =	sshll.u32 s26, $0x1;
	_ =	strace $0x8000005B;
	[dreg:$0x1] =	wrdreg $0xFFFFFFFF  }
0xb6: {  	s28 =	simm.s32 $_size_execute0_lowered;
	s3 =	sadd.s32 s3, s5;
	[dreg:$0x0] =	wrdreg $0x0  }
0xb7: {  	s5 =	sshll.u32 s28, $0x1;
	[dreg:$0x2] =	wrdreg s3  }
0xb8: {  	[dreg:$0x3] =	wrdreg s5  }
0xb9: {  	[dreg:$0x4] =	wrdreg $0xC0  }
0xba: {  	_ =	task [dreg:s22], $0x5FFFF  }
0xbb: {  	[dreg:$0x1] =	wrdreg $0xFFFFFFFF  }
0xbc: {  	[dreg:$0x0] =	wrdreg $0x60  }
0xbd: {  	[dreg:$0x2] =	wrdreg s24  }
0xbe: {  	[dreg:$0x3] =	wrdreg $0xA  }
0xbf: {  	_ =	task.clear_ibuf [dreg:s22], $0x4FFFF;
	_ =	strace $0x9000005B  }
0xc0: {  	s29 =	simm.s32 $0xA;
	_ =	strace $0x8000005D  }
0xc1: {  	_ =	swait.ge [sflag:s29], $0x1  }
0xc2: {  	[sflag:s29] =	ssyncadd.s32 $0xFFFFFFFF  }
0xc3: {  	_ =	strace $0x9000005D  }
0xc4: {  	_ =	sfence  }
0xc5: {  	s30 =	sld [smem:$0x0];
	_ =	sdelay $0x2  }
0xc6: {  	s31 =	sshll.u32 s1, $0xD;
	s1 =	sshrl.u32 s1, $0x2  }
0xc7: {  	s4 =	sand.u32 $0x4000, s31;
	s1 =	sadd.s32 s1, s30  }
0xc8: {  	s0 =	sor.u32 s4, s0;
	s1 =	sshll.u32 s1, $0x11  }
0xc9: {  	s0 =	sor.u32 s1, s0  }
0xca: {  	s0 =	sadd.s32 $0x8F2B, s0  }
0xcb: {  	[sflag:s0] =	ssyncadd.remote.s32 $0x1  }
0xcc: {  	_ =	sfence.sel $0xFFFF  }
0xcd: {  	[dreg:$0x0] =	wrdreg $0xFFFFFFFF;
	(pc) =	sbr.abs _section_cstart, $3  }
0xce: {  	[dreg:$0x1] =	wrdreg $0xFFFFFFFF  }
0xcf: {  	_ =	task.clear_ibuf [dreg:s22], $0x2FFFF;
	_ =	strace $0x9FFFFFFF  }
0xd0: {  	(tm) =	ssettm $0x7FFFFFFF  }
0xd1: {  	_ =	shalt  }
tec
execute0_lowered:
.L_overlay_start_1:
0x0: {  	(tag) =	ssettag $0x1  }
0x1: {  	s3 =	rddreg [dreg:$0x0];
	s2 =	srdreg.scid  }
0x2: {  	s0 =	rddreg [dreg:$0x1];
	s1 =	stileid.u32  }
0x3: {  	s9 =	simm.s32 $0x1;
	s10 =	simm.s32 $0x0;
	s4 =	sand.u32 $0x1, s2  }
0x4: {  	s2 =	simm.s32 $0x0;
	s5 =	sshll.u32 s1, $0xB;
	s30 =	sshll.u32 s1, $0xF  }
0x5: {  	s6 =	sshll.u32 s4, $0xA;
	[smem:$0x7FF] =	sst s2;
	s29 =	ssub.s32 $0x2, s4  }
0x6: {  	s31 =	sshll.u32 s4, $0xE;
	s5 =	sor.u32 s6, s5;
	s8 =	sshrl.u32 s29, $0x1  }
0x7: {  	_ =	strace $0x8000005C;
	s5 =	sshrl.u32 s5, $0x3;
	s6 =	ssub.s32 s29, s8  }
0x8: {  	s8 =	simm.s32 $0x80;
	s7 =	sadd.s32 s5, s3;
	s5 =	sadd.s32 s30, s3  }
0x9: {  	s3 =	sadd.s32 $0x384A00, s3;
	s4 =	smax.u32 s6, $0x1;
	s5 =	sadd.s32 s31, s5  }
0xa: {  	s6 =	sadd.s32 $0x103A00, s7;
	s7 =	simm.s32 $0x2;
	s5 =	sadd.s32 $0x304A00, s5  }
.LBB2_1:
0xb: {  	s11 =	sadd.s32 $0x0, s6  }
0xc: {  	[tilespmem:s2], [sflag:$0x2] =	stream.linear.gather [hbm4b:s11+s2], $0x80, $0x38;
	[tilespmem:$0x4080] =	vst v63  }
0xd: {  	_ =	swait.ge [sflag:s7], $0x80  }
0xe: {  	[sflag:s7] =	ssyncset.done $0x0  }
0xf: {  	[sflag:s7] =	ssyncadd.s32 $0xFFFFFF80  }
0x10: {  	[tilespmem:s8], [sflag:$0x2] =	stream.linear.gather [hbm4b:s5+s2], $0x4000, $0x38;
	[tilespmem:$0x4080] =	vst v63  }
0x11: {  	_ =	swait.ge [sflag:s7], $0x4000  }
0x12: {  	[sflag:s7] =	ssyncset.done $0x0  }
0x13: {  	[sflag:s7] =	ssyncadd.s32 $0xFFFFC000  }
0x14: {  	[hbm4b:s3+s8] =	stream.indirect.scatter [tilespmem:s8], [sflag:$0x1], $0x80, s2, s8, $0xb8;
	[tilespmem:$0x4080] =	vst v63  }
0x15: {  	s12 =	simm.s32 $0x10;
	_ =	swait.ge [sflag:s9], $0x4000  }
0x16: {  	s13 =	simm.s32 $0x20;
	s11 =	sadd.s32 $0x800, s5;
	[sflag:s9] =	ssyncset.done $0x0  }
.LBB2_2:
0x17: {  	s14 =	sadd.s32 s12, s6  }
0x18: {  	[sflag:s9] =	ssyncadd.s32 $0xFFFFC000;
	s12 =	smov.u32 s13;
	s15 =	sadd.s32 $0x10, s13  }
0x19: {  	[tilespmem:s2], [sflag:$0x2] =	stream.linear.gather [hbm4b:s14+s2], $0x80, $0x38;
	[tilespmem:$0x4080] =	vst v63  }
0x1a: {  	p0 =	sne.s32 s13, $0x70;
	_ =	swait.ge [sflag:s7], $0x80  }
0x1b: {  	[sflag:s7] =	ssyncset.done $0x0  }
0x1c: {  	[sflag:s7] =	ssyncadd.s32 $0xFFFFFF80  }
0x1d: {  	[tilespmem:s8], [sflag:$0x2] =	stream.linear.gather [hbm4b:s11+s2], $0x4000, $0x38;
	[tilespmem:$0x4080] =	vst v63  }
0x1e: {  	_ =	swait.ge [sflag:s7], $0x4000  }
.Ltmp0:
0x1f: {  	[sflag:s7] =	ssyncset.done $0x0;
	(pc) =	sbr.rel @p0 .LBB2_2-.Ltmp0, $4  }
0x20: {  	[sflag:s7] =	ssyncadd.s32 $0xFFFFC000  }
0x21: {  	[hbm4b:s3+s8] =	stream.indirect.scatter [tilespmem:s8], [sflag:$0x1], $0x80, s2, s8, $0xb8;
	[tilespmem:$0x4080] =	vst v63  }
0x22: {  	_ =	swait.ge [sflag:s9], $0x4000  }
0x23: {  	s13 =	smov.u32 s15;
	s11 =	sadd.s32 $0x800, s11;
	[sflag:s9] =	ssyncset.done $0x0  }
0x24: {  	s12 =	sadd.s32 s12, s6;
	[sflag:s9] =	ssyncadd.s32 $0xFFFFC000  }
0x25: {  	[tilespmem:s2], [sflag:$0x2] =	stream.linear.gather [hbm4b:s12+s2], $0x80, $0x38;
	[tilespmem:$0x4080] =	vst v63  }
0x26: {  	_ =	swait.ge [sflag:s7], $0x80  }
0x27: {  	[sflag:s7] =	ssyncset.done $0x0  }
0x28: {  	[sflag:s7] =	ssyncadd.s32 $0xFFFFFF80  }
0x29: {  	[tilespmem:s8], [sflag:$0x2] =	stream.linear.gather [hbm4b:s11+s2], $0x4000, $0x38;
	[tilespmem:$0x4080] =	vst v63  }
0x2a: {  	s10 =	sadd.s32 $0x1, s10;
	_ =	swait.ge [sflag:s7], $0x4000  }
0x2b: {  	p0 =	sne.s32 s10, s4;
	[sflag:s7] =	ssyncset.done $0x0  }
.Ltmp1:
0x2c: {  	[sflag:s7] =	ssyncadd.s32 $0xFFFFC000;
	(pc) =	sbr.rel @p0 .LBB2_1-.Ltmp1, $4  }
0x2d: {  	[hbm4b:s3+s8] =	stream.indirect.scatter [tilespmem:s8], [sflag:$0x1], $0x80, s2, s8, $0xb8;
	[tilespmem:$0x4080] =	vst v63  }
0x2e: {  	_ =	swait.ge [sflag:s9], $0x4000  }
0x2f: {  	[sflag:s9] =	ssyncset.done $0x0  }
0x30: {  	[sflag:s9] =	ssyncadd.s32 $0xFFFFC000  }
0x31: {  	_ =	sfence.sel $0x180000  }
0x32: {  	[bflag:$0x0] =	sbarrier.arrive $0xFFFF  }
0x33: {  	p0 =	sne.s32 s1, $0x0;
	_ =	strace $0x9000005C  }
0x34: {  	s0 =	sadd.s32 @!p0 $0x100000, s0;
	[bflag:$0x2] =	sbarrier.arrive $0xFFFF  }
0x35: {  	[sflag:s0] =	ssyncadd.tile.s32 @!p0 $0x1;
	_ =	shalt  }
.Lfunc_end2:
_tile_overlayer_lowered:
.L_overlay_start_2:
0x36: {  	(tag) =	ssettag $0x2  }
0x37: {  	s0 =	rddreg [dreg:$0x0];
	s2 =	stileid.u32  }
0x38: {  	s1 =	rddreg [dreg:$0x1];
	p0 =	sne.s32 s2, $0x0  }
0x39: {  	s3 =	rddreg [dreg:$0x2];
	[bflag:$0x3] =	sbarrier.arrive $0xFFFF;
	s2 =	simm.s32 @!p0 $0x1C02  }
0x3a: {  	[timem:s3], [sflag:s2] =	dma.local @!p0 [hbm:s0], s1  }
0x3b: {  	s0 =	simm.s32 @!p0 $0x2  }
0x3c: {  	_ =	swait.ge @!p0 [sflag:s0], s1  }
0x3d: {  	s1 =	ssub.s32 @!p0 $0x0, s1;
	[sflag:s0] =	ssyncset.done @!p0 $0x0  }
0x3e: {  	[sflag:s0] =	ssyncadd.s32 @!p0 s1  }
0x3f: {  	[bflag:$0x3] =	sbarrier.arrive $0xFFFF  }
0x40: {  	_ =	shalt  }

// kernel: kernel.36.cloned.1.call-start
scs
__scs_entry_jumppad:
0x0: {  	(pc) =	sbr.rel $0x88, $3  }
0x1: {  	(tag) =	ssettag $0x0;
	lr =	simm.s32 $0x1  }
0x2: {  	[smem:$0x3F9A] =	sst lr;
	_ =	strace $0xD0000000  }
0x3: {  	_ = 	snop  }
0x4: {  	_ = 	snop  }
0x5: {  	_ = 	snop  }
0x6: {  	_ = 	snop  }
0x7: {  	_ = 	snop  }
__scs_overlays_trampoline_lowered:
0x8: {  	[smem:$0x3FA9] =	sst s0  }
0x9: {  	[smem:$0x3FAA] =	sst s1  }
0xa: {  	[smem:$0x3FAB] =	sst s2  }
0xb: {  	[smem:$0x3FAC] =	sst s3  }
0xc: {  	[smem:$0x3FAD] =	sst s4  }
0xd: {  	[smem:$0x3FAE] =	sst s5  }
0xe: {  	[smem:$0x3FAF] =	sst s6  }
0xf: {  	[smem:$0x3FB0] =	sst s7  }
0x10: {  	[smem:$0x3FB1] =	sst s8  }
0x11: {  	[smem:$0x3FB2] =	sst s9;
	s0 =	simm.s32 @!p0 $0x0  }
0x12: {  	s1 =	sld [smem:$0x3F98];
	s0 =	simm.s32 @p0 $0x1  }
0x13: {  	[smem:$0x3FB3] =	sst s0;
	s0 =	simm.s32 @!p1 $0x0  }
0x14: {  	s2 =	sld [smem:$0x3F97];
	s0 =	simm.s32 @p1 $0x1  }
0x15: {  	[smem:$0x3FB4] =	sst s0;
	s0 =	simm.s32 @!p2 $0x0  }
0x16: {  	s3 =	sld [smem:$0x3FDB];
	s0 =	simm.s32 @p2 $0x1  }
0x17: {  	s4 =	simm.s32 $0x1BF5;
	[smem:$0x3FB6] =	sst s0  }
0x18: {  	s0 =	sld [smem:$0x3F99];
	_ =	swait.ge [sflag:s4], $0x0  }
0x19: {  	s7 =	sld [smem:$0x3F9A]  }
0x1a: {  	s8 =	sadd.s32 $0xFFFFE003, lr  }
0x1b: {  	s9 =	sadd.s32 $0xFFFFFEF7, lr;
	s5 =	simm.s32 $0xFFFFFFFF;
	p2 =	slt.u32 s8, $0xFFFFF086  }
0x1c: {  	p1 =	slt.u32 s9, $0xF7A;
	s5 =	simm.s32 @!p2 $0x0  }
0x1d: {  	s5 =	simm.s32 @p1 $0x1;
	p0 =	seq.s32 s7, s2  }
0x1e: {  	s7 =	smul.u32 @!p0 $0xF7A, s2;
	p2 =	seq.s32 @!p0 s5, $0x0  }
0x1f: {  	s9 =	smul.u32 $0xF7A, s1;
	s8 =	simm.s32 @!p0 $0x1BF5;
	p2 =	por !p2, p0  }
0x20: {  	[sflag:s8] =	ssyncset.s32 @!p0 $0xFFFFF086;
	s6 =	sadd.s32 @!p0 s3, s7;
	s7 =	simm.s32 @!p0 $0x108  }
0x21: {  	s3 =	sadd.s32 s3, s9;
	s6 =	sadd.s32 @!p0 $0x88, s6;
	s7 =	simm.s32 @p2 $0x1082  }
0x22: {  	[simem:s7], [sflag:s8] =	dma.local @!p0 [hbm:s6], $0xF7A  }
0x23: {  	s9 =	sor.u32 $0xD0000000, s2;
	s6 =	simm.s32 $0x108;
	_ =	swait.ge @!p0 [sflag:s8], $0x0  }
0x24: {  	s3 =	sadd.s32 $0x88, s3;
	s6 =	simm.s32 @!p1 $0x1082;
	[sflag:s4] =	ssyncset.s32 $0xFFFFF086  }
0x25: {  	[simem:s6], [sflag:s4] =	dma.local [hbm:s3], $0xF7A  }
0x26: {  	[smem:$0x3F9A] =	sst s1;
	(tag) =	ssettag s2;
	_ =	strace s9  }
0x27: {  	s1 =	sld [smem:$0x3FAA]  }
0x28: {  	s2 =	sld [smem:$0x3FAB]  }
0x29: {  	s4 =	sld [smem:$0x3FAD]  }
0x2a: {  	p0 =	seq.s32 s5, $0x0;
	s5 =	sld [smem:$0x3FAE]  }
0x2b: {  	s6 =	sld [smem:$0x3FAF]  }
0x2c: {  	s7 =	sld [smem:$0x3FB0]  }
0x2d: {  	s3 =	simm.s32 $0x108;
	s8 =	sld [smem:$0x3FB1]  }
0x2e: {  	s3 =	simm.s32 @!p0 $0x1082;
	s9 =	sld [smem:$0x3FB2]  }
0x2f: {  	lr =	sadd.s32 s0, s3;
	s0 =	sld [smem:$0x3FA9]  }
0x30: {  	s3 =	sld [smem:$0x3FAC]  }
0x31: {  	[smem:$0x3FB5] =	sst s10  }
0x32: {  	s10 =	sld [smem:$0x3FB3];
	_ =	sdelay $0x3  }
0x33: {  	p0 =	seq.s32 s10, $0x1;
	s10 =	sld [smem:$0x3FB5];
	_ =	sdelay $0x3  }
0x34: {  	[smem:$0x3FB5] =	sst s10  }
0x35: {  	s10 =	sld [smem:$0x3FB4];
	_ =	sdelay $0x3  }
0x36: {  	p1 =	seq.s32 s10, $0x1;
	s10 =	sld [smem:$0x3FB5];
	_ =	sdelay $0x3  }
0x37: {  	[smem:$0x3FB5] =	sst s10  }
0x38: {  	s10 =	sld [smem:$0x3FB6]  }
0x39: {  	_ = 	snop;
	(pc) =	sbr.ind lr, $3  }
0x3a: {  	_ = 	snop  }
0x3b: {  	_ = 	snop  }
0x3c: {  	p2 =	seq.s32 s10, $0x1;
	s10 =	sld [smem:$0x3FB5]  }
0x3d: {  	_ =	shalt  }
0x3e: {  	_ =	shalt  }
0x3f: {  	_ =	shalt  }
0x40: {  	_ =	shalt  }
0x41: {  	_ =	shalt  }
0x42: {  	_ =	shalt  }
0x43: {  	_ =	shalt  }
0x44: {  	_ =	shalt  }
0x45: {  	_ =	shalt  }
0x46: {  	_ =	shalt  }
0x47: {  	_ =	shalt  }
0x48: {  	_ =	shalt  }
0x49: {  	_ =	shalt  }
0x4a: {  	_ =	shalt  }
0x4b: {  	_ =	shalt  }
0x4c: {  	_ =	shalt  }
0x4d: {  	_ =	shalt  }
0x4e: {  	_ =	shalt  }
0x4f: {  	_ =	shalt  }
0x50: {  	_ =	shalt  }
0x51: {  	_ =	shalt  }
0x52: {  	_ =	shalt  }
0x53: {  	_ =	shalt  }
0x54: {  	_ =	shalt  }
0x55: {  	_ =	shalt  }
0x56: {  	_ =	shalt  }
0x57: {  	_ =	shalt  }
0x58: {  	_ =	shalt  }
0x59: {  	_ =	shalt  }
0x5a: {  	_ =	shalt  }
0x5b: {  	_ =	shalt  }
0x5c: {  	_ =	shalt  }
0x5d: {  	_ =	shalt  }
0x5e: {  	_ =	shalt  }
0x5f: {  	_ =	shalt  }
0x60: {  	_ =	shalt  }
0x61: {  	_ =	shalt  }
0x62: {  	_ =	shalt  }
0x63: {  	_ =	shalt  }
0x64: {  	_ =	shalt  }
0x65: {  	_ =	shalt  }
0x66: {  	_ =	shalt  }
0x67: {  	_ =	shalt  }
0x68: {  	_ =	shalt  }
0x69: {  	_ =	shalt  }
0x6a: {  	_ =	shalt  }
0x6b: {  	_ =	shalt  }
0x6c: {  	_ =	shalt  }
0x6d: {  	_ =	shalt  }
0x6e: {  	_ =	shalt  }
0x6f: {  	_ =	shalt  }
0x70: {  	_ =	shalt  }
0x71: {  	_ =	shalt  }
0x72: {  	_ =	shalt  }
0x73: {  	_ =	shalt  }
0x74: {  	_ =	shalt  }
0x75: {  	_ =	shalt  }
0x76: {  	_ =	shalt  }
0x77: {  	_ =	shalt  }
0x78: {  	_ =	shalt  }
0x79: {  	_ =	shalt  }
0x7a: {  	_ =	shalt  }
0x7b: {  	_ =	shalt  }
0x7c: {  	_ =	shalt  }
0x7d: {  	_ =	shalt  }
0x7e: {  	_ =	shalt  }
0x7f: {  	_ =	shalt  }
0x80: {  	_ =	shalt  }
0x81: {  	_ =	shalt  }
0x82: {  	_ =	shalt  }
0x83: {  	_ =	shalt  }
0x84: {  	_ =	shalt  }
0x85: {  	_ =	shalt  }
0x86: {  	_ =	shalt  }
0x87: {  	_ =	shalt  }
.Lfunc_end0:
.L_simem_size_0:
called_computation.6_lowered:
.L_overlay_start_0:
0x88: {  	s2 =	sld [smem:$0x3FD9]  }
0x89: {  	s3 =	sld [smem:$0x3FFE];
	_ =	sdelay $0x1  }
0x8a: {  	s1 =	srdreg.scid  }
0x8b: {  	s0 =	sand.u32 $0x1, s1  }
0x8c: {  	s17 =	sshll.u32 s0, $0xA;
	s2 =	sadd.s32 s3, s2  }
0x8d: {  	s2 =	sadd.s32 s2, s17  }
0x8e: {  	[smem:$0x3FC1] =	sst s2  }
0x8f: {  	_ = 	snop  }
0x90: {  	(tm) =	ssettm $0x1  }
0x91: {  	s18 =	sld [smem:$0x3FFB];
	_ =	sdelay $0x3  }
0x92: {  	_ =	strace s18  }
0x93: {  	s2 =	sld [smem:$0x3FFC];
	_ =	sdelay $0x3  }
0x94: {  	_ =	strace s2  }
0x95: {  	s2 =	sld [smem:$0x3FFD];
	_ =	sdelay $0x3  }
0x96: {  	_ =	strace s2  }
0x97: {  	_ =	strace $0x8FFFFFFF  }
0x98: {  	s19 =	sld [smem:$0x3FDB];
	_ =	sdelay $0x1  }
0x99: {  	s20 =	simm.s32 $_scs_section_size  }
0x9a: {  	s4 =	simm.s32 $_size__tile_overlayer_lowered;
	s5 =	simm.s32 $_tile_overlayer_lowered  }
0x9b: {  	s6 =	simm.s32 $0x1BFF;
	s21 =	sshll.u32 s5, $0x1;
	s3 =	sadd.s32 s20, s19  }
0x9c: {  	s22 =	simm.s32 $0x0;
	s4 =	sshll.u32 s4, $0x1;
	s5 =	sadd.s32 s21, s3  }
0x9d: {  	[timem:s22], [sflag:s6] =	dma.local [hbm:s5], s4  }
0x9e: {  	_ =	swait.ge [sflag:s6], s4  }
0x9f: {  	s4 =	ssub.s32 $0x0, s4;
	[sflag:s6] =	ssyncset.done $0x0  }
0xa0: {  	[sflag:s6] =	ssyncadd.s32 s4;
	_ =	sdelay $0x1  }
0xa1: {  	s23 =	simm.s32 $0x1B8B  }
0xa2: {  	_ =	swait.ge [sflag:s23], $0x1  }
0xa3: {  	[sflag:s23] =	ssyncset.done $0x0  }
0xa4: {  	[sflag:s23] =	ssyncadd.s32 $0xFFFFFFFF  }
0xa5: {  	s4 =	sld [smem:$0x0]  }
0xa6: {  	s5 =	sand.u32 $0xFFFFFFFE, s1  }
0xa7: {  	p0 =	sne.s32 s1, s5  }
0xa8: {  	s5 =	sshll.u32 @p0 s5, $0xE  }
0xa9: {  	s5 =	sadd.s32 @p0 $0x11B8D, s5;
	s6 =	sshll.u32 @p0 s4, $0x11  }
0xaa: {  	s5 =	sor.u32 @p0 s6, s5  }
0xab: {  	[sflag:s5] =	ssyncadd.remote.s32 @p0 $0x1;
	_ =	sdelay $0x1  }
0xac: {  	s5 =	simm.s32 @p0 $0x1B8D  }
0xad: {  	_ =	swait.eq @p0 [sflag:s5], $0x1  }
0xae: {  	[sflag:s5] =	ssyncadd.s32 @p0 $0xFFFFFFFF  }
0xaf: {  	s6 =	sshll.u32 @!p0 s1, $0xE  }
0xb0: {  	s6 =	sor.u32 @!p0 $0x4000, s6;
	s5 =	simm.s32 @!p0 $0x1B8D  }
0xb1: {  	s4 =	sshll.u32 @!p0 s4, $0x11;
	s6 =	sadd.s32 @!p0 $0x11B8D, s6;
	_ =	swait.eq @!p0 [sflag:s5], $0x1  }
0xb2: {  	s4 =	sor.u32 @!p0 s4, s6;
	[sflag:s5] =	ssyncadd.s32 @!p0 $0xFFFFFFFF  }
0xb3: {  	s25 =	simm.s32 $0x1B8E;
	s24 =	sld [smem:$0x3FFE];
	[sflag:s4] =	ssyncadd.remote.s32 @!p0 $0x1  }
0xb4: {  	s26 =	simm.s32 $execute0_lowered;
	[smem:$0x3FD2] =	sst s25  }
0xb5: {  	s5 =	sshll.u32 s26, $0x1;
	_ =	strace $0x8000004C;
	[dreg:$0x1] =	wrdreg $0xFFFFFFFF  }
0xb6: {  	s28 =	simm.s32 $_size_execute0_lowered;
	s3 =	sadd.s32 s3, s5;
	[dreg:$0x0] =	wrdreg $0x0  }
0xb7: {  	s5 =	sshll.u32 s28, $0x1;
	[dreg:$0x2] =	wrdreg s3  }
0xb8: {  	[dreg:$0x3] =	wrdreg s5  }
0xb9: {  	[dreg:$0x4] =	wrdreg $0xC0  }
0xba: {  	_ =	task [dreg:s22], $0x5FFFF  }
0xbb: {  	[dreg:$0x1] =	wrdreg $0xFFFFFFFF  }
0xbc: {  	[dreg:$0x0] =	wrdreg $0x60  }
0xbd: {  	[dreg:$0x2] =	wrdreg s24  }
0xbe: {  	[dreg:$0x3] =	wrdreg $0xC  }
0xbf: {  	_ =	task.clear_ibuf [dreg:s22], $0x4FFFF;
	_ =	strace $0x9000004C  }
0xc0: {  	s29 =	simm.s32 $0xC;
	_ =	strace $0x8000004E  }
0xc1: {  	_ =	swait.ge [sflag:s29], $0x1  }
0xc2: {  	[sflag:s29] =	ssyncadd.s32 $0xFFFFFFFF  }
0xc3: {  	_ =	strace $0x9000004E  }
0xc4: {  	_ =	sfence  }
0xc5: {  	s30 =	sld [smem:$0x0];
	_ =	sdelay $0x2  }
0xc6: {  	s31 =	sshll.u32 s1, $0xD;
	s1 =	sshrl.u32 s1, $0x2  }
0xc7: {  	s4 =	sand.u32 $0x4000, s31;
	s1 =	sadd.s32 s1, s30  }
0xc8: {  	s0 =	sor.u32 s4, s0;
	s1 =	sshll.u32 s1, $0x11  }
0xc9: {  	s0 =	sor.u32 s1, s0  }
0xca: {  	s0 =	sadd.s32 $0x8F2B, s0  }
0xcb: {  	[sflag:s0] =	ssyncadd.remote.s32 $0x1  }
0xcc: {  	_ =	sfence.sel $0xFFFF  }
0xcd: {  	[dreg:$0x0] =	wrdreg $0xFFFFFFFF;
	(pc) =	sbr.abs _section_cstart, $3  }
0xce: {  	[dreg:$0x1] =	wrdreg $0xFFFFFFFF  }
0xcf: {  	_ =	task.clear_ibuf [dreg:s22], $0x2FFFF;
	_ =	strace $0x9FFFFFFF  }
0xd0: {  	(tm) =	ssettm $0x7FFFFFFF  }
0xd1: {  	_ =	shalt  }
tec
execute0_lowered:
.L_overlay_start_1:
0x0: {  	(tag) =	ssettag $0x1  }
0x1: {  	s1 =	srdreg.scid  }
0x2: {  	s0 =	stileid.u32;
	s5 =	rddreg [dreg:$0x0];
	s2 =	simm.s32 $0x0  }
0x3: {  	s11 =	simm.s32 $0x4080;
	s12 =	simm.s32 $0x1;
	s13 =	simm.s32 $0x0  }
0x4: {  	s4 =	sand.u32 $0x1, s1;
	s3 =	sshll.u32 s0, $0xB;
	s1 =	rddreg [dreg:$0x1]  }
0x5: {  	[smem:$0x7FF] =	sst s2;
	s29 =	sshll.u32 s0, $0xF;
	s6 =	sshll.u32 s4, $0xA  }
0x6: {  	_ =	strace $0x8000004D;
	s7 =	ssub.s32 $0x2, s4;
	s10 =	sshll.u32 s4, $0xE  }
0x7: {  	s4 =	sadd.s32 $0x384A00, s5;
	s3 =	sor.u32 s6, s3;
	s9 =	sshrl.u32 s7, $0x1  }
0x8: {  	s6 =	sadd.s32 s29, s5;
	s3 =	sshrl.u32 s3, $0x3;
	s30 =	ssub.s32 s7, s9  }
0x9: {  	s31 =	sadd.s32 s10, s6;
	s9 =	simm.s32 $0x2;
	s10 =	simm.s32 $0x80  }
0xa: {  	s8 =	sadd.s32 s3, s5;
	s3 =	sadd.s32 $0x304A00, s5;
	s6 =	sadd.s32 $0x404A00, s31  }
0xb: {  	s5 =	smax.u32 s30, $0x1;
	s7 =	sadd.s32 $0x484A00, s31;
	s8 =	sadd.s32 $0x102A00, s8  }
.LBB2_1:
0xc: {  	[tilespmem:s2], [sflag:$0x2] =	stream.linear.gather [hbm4b:s8+s2], $0x80, $0x38;
	[tilespmem:$0x8080] =	vst v63  }
0xd: {  	_ =	swait.ge [sflag:s9], $0x80  }
0xe: {  	[sflag:s9] =	ssyncset.done $0x0  }
0xf: {  	[sflag:s9] =	ssyncadd.s32 $0xFFFFFF80  }
0x10: {  	[tilespmem:s10], [sflag:$0x1] =	stream.indirect.gather [hbm4b:s3+s10], $0x80, s2, s10, $0xb8;
	[tilespmem:$0x8080] =	vst v63  }
0x11: {  	_ = 	snop  }
0x12: {  	[tilespmem:s11], [sflag:$0x1] =	stream.indirect.gather [hbm4b:s4+s10], $0x80, s2, s10, $0xb8;
	[tilespmem:$0x8080] =	vst v63  }
0x13: {  	_ =	swait.ge [sflag:s12], $0x4000  }
0x14: {  	[sflag:s12] =	ssyncset.done $0x0  }
0x15: {  	[sflag:s12] =	ssyncadd.s32 $0xFFFFC000  }
0x16: {  	_ =	swait.ge [sflag:s12], $0x4000  }
0x17: {  	[sflag:s12] =	ssyncset.done $0x0  }
0x18: {  	s14 =	sadd.s32 $0x0, s6;
	[sflag:s12] =	ssyncadd.s32 $0xFFFFC000  }
0x19: {  	[hbm4b:s14+s2] =	stream.linear.scatter [tilespmem:s10], [sflag:$0x2], $0x4000, $0x38;
	[tilespmem:$0x8080] =	vst v63  }
0x1a: {  	_ =	swait.ge [sflag:s9], $0x4000  }
0x1b: {  	[sflag:s9] =	ssyncset.done $0x0  }
0x1c: {  	s31 =	sadd.s32 $0x0, s7;
	[sflag:s9] =	ssyncadd.s32 $0xFFFFC000  }
0x1d: {  	[hbm4b:s31+s2] =	stream.linear.scatter [tilespmem:s11], [sflag:$0x2], $0x4000, $0x38;
	[tilespmem:$0x8080] =	vst v63  }
0x1e: {  	_ =	swait.ge [sflag:s9], $0x4000  }
0x1f: {  	s15 =	smov.u32 s8;
	s14 =	simm.s32 $0x800;
	[sflag:s9] =	ssyncset.done $0x0  }
.LBB2_2:
0x20: {  	p0 =	sne.s32 s14, $0x3800;
	[sflag:s9] =	ssyncadd.s32 $0xFFFFC000;
	s15 =	sadd.s32 $0x10, s15  }
0x21: {  	[tilespmem:s2], [sflag:$0x2] =	stream.linear.gather [hbm4b:s15+s2], $0x80, $0x38;
	[tilespmem:$0x8080] =	vst v63  }
0x22: {  	s16 =	smov.u32 s14;
	s14 =	sadd.s32 $0x800, s14;
	_ =	swait.ge [sflag:s9], $0x80  }
0x23: {  	[sflag:s9] =	ssyncset.done $0x0  }
0x24: {  	[sflag:s9] =	ssyncadd.s32 $0xFFFFFF80  }
0x25: {  	[tilespmem:s10], [sflag:$0x1] =	stream.indirect.gather [hbm4b:s3+s10], $0x80, s2, s10, $0xb8;
	[tilespmem:$0x8080] =	vst v63  }
0x26: {  	_ = 	snop  }
0x27: {  	[tilespmem:s11], [sflag:$0x1] =	stream.indirect.gather [hbm4b:s4+s10], $0x80, s2, s10, $0xb8;
	[tilespmem:$0x8080] =	vst v63  }
0x28: {  	_ =	swait.ge [sflag:s12], $0x4000  }
0x29: {  	[sflag:s12] =	ssyncset.done $0x0  }
0x2a: {  	[sflag:s12] =	ssyncadd.s32 $0xFFFFC000  }
0x2b: {  	_ =	swait.ge [sflag:s12], $0x4000  }
0x2c: {  	[sflag:s12] =	ssyncset.done $0x0  }
0x2d: {  	s17 =	sadd.s32 s16, s6;
	[sflag:s12] =	ssyncadd.s32 $0xFFFFC000  }
0x2e: {  	[hbm4b:s17+s2] =	stream.linear.scatter [tilespmem:s10], [sflag:$0x2], $0x4000, $0x38;
	[tilespmem:$0x8080] =	vst v63  }
0x2f: {  	_ =	swait.ge [sflag:s9], $0x4000  }
.Ltmp0:
0x30: {  	[sflag:s9] =	ssyncset.done $0x0;
	(pc) =	sbr.rel @p0 .LBB2_2-.Ltmp0, $4  }
0x31: {  	s16 =	sadd.s32 s16, s7;
	[sflag:s9] =	ssyncadd.s32 $0xFFFFC000  }
0x32: {  	[hbm4b:s16+s2] =	stream.linear.scatter [tilespmem:s11], [sflag:$0x2], $0x4000, $0x38;
	[tilespmem:$0x8080] =	vst v63  }
0x33: {  	_ =	swait.ge [sflag:s9], $0x4000  }
0x34: {  	[sflag:s9] =	ssyncset.done $0x0  }
0x35: {  	s13 =	sadd.s32 $0x1, s13  }
0x36: {  	p0 =	sne.s32 s13, s5  }
.Ltmp1:
0x37: {  	_ = 	snop;
	(pc) =	sbr.rel @p0 .LBB2_1-.Ltmp1, $2  }
0x38: {  	_ =	sdelay $0x2  }
0x39: {  	[sflag:s9] =	ssyncadd.s32 $0xFFFFC000  }
0x3a: {  	_ =	sfence.sel $0x180000  }
0x3b: {  	[bflag:$0x0] =	sbarrier.arrive $0xFFFF  }
0x3c: {  	p0 =	sne.s32 s0, $0x0;
	_ =	strace $0x9000004D  }
0x3d: {  	s0 =	sadd.s32 @!p0 $0x100000, s1;
	[bflag:$0x2] =	sbarrier.arrive $0xFFFF  }
0x3e: {  	[sflag:s0] =	ssyncadd.tile.s32 @!p0 $0x1;
	_ =	shalt  }
.Lfunc_end2:
_tile_overlayer_lowered:
.L_overlay_start_2:
0x3f: {  	(tag) =	ssettag $0x2  }
0x40: {  	s0 =	rddreg [dreg:$0x0];
	s2 =	stileid.u32  }
0x41: {  	s1 =	rddreg [dreg:$0x1];
	p0 =	sne.s32 s2, $0x0  }
0x42: {  	s3 =	rddreg [dreg:$0x2];
	[bflag:$0x3] =	sbarrier.arrive $0xFFFF;
	s2 =	simm.s32 @!p0 $0x1C02  }
0x43: {  	[timem:s3], [sflag:s2] =	dma.local @!p0 [hbm:s0], s1  }
0x44: {  	s0 =	simm.s32 @!p0 $0x2  }
0x45: {  	_ =	swait.ge @!p0 [sflag:s0], s1  }
0x46: {  	s1 =	ssub.s32 @!p0 $0x0, s1;
	[sflag:s0] =	ssyncset.done @!p0 $0x0  }
0x47: {  	[sflag:s0] =	ssyncadd.s32 @!p0 s1  }
0x48: {  	[bflag:$0x3] =	sbarrier.arrive $0xFFFF  }
0x49: {  	_ =	shalt  }

// kernel: kernel.39.cloned.1.call-start
scs
__scs_entry_jumppad:
0x0: {  	(pc) =	sbr.rel $0x88, $3  }
0x1: {  	(tag) =	ssettag $0x0;
	lr =	simm.s32 $0x1  }
0x2: {  	[smem:$0x3F9A] =	sst lr;
	_ =	strace $0xD0000000  }
0x3: {  	_ = 	snop  }
0x4: {  	_ = 	snop  }
0x5: {  	_ = 	snop  }
0x6: {  	_ = 	snop  }
0x7: {  	_ = 	snop  }
__scs_overlays_trampoline_lowered:
0x8: {  	[smem:$0x3FA9] =	sst s0  }
0x9: {  	[smem:$0x3FAA] =	sst s1  }
0xa: {  	[smem:$0x3FAB] =	sst s2  }
0xb: {  	[smem:$0x3FAC] =	sst s3  }
0xc: {  	[smem:$0x3FAD] =	sst s4  }
0xd: {  	[smem:$0x3FAE] =	sst s5  }
0xe: {  	[smem:$0x3FAF] =	sst s6  }
0xf: {  	[smem:$0x3FB0] =	sst s7  }
0x10: {  	[smem:$0x3FB1] =	sst s8  }
0x11: {  	[smem:$0x3FB2] =	sst s9;
	s0 =	simm.s32 @!p0 $0x0  }
0x12: {  	s1 =	sld [smem:$0x3F98];
	s0 =	simm.s32 @p0 $0x1  }
0x13: {  	[smem:$0x3FB3] =	sst s0;
	s0 =	simm.s32 @!p1 $0x0  }
0x14: {  	s2 =	sld [smem:$0x3F97];
	s0 =	simm.s32 @p1 $0x1  }
0x15: {  	[smem:$0x3FB4] =	sst s0;
	s0 =	simm.s32 @!p2 $0x0  }
0x16: {  	s3 =	sld [smem:$0x3FDB];
	s0 =	simm.s32 @p2 $0x1  }
0x17: {  	s4 =	simm.s32 $0x1BF5;
	[smem:$0x3FB6] =	sst s0  }
0x18: {  	s0 =	sld [smem:$0x3F99];
	_ =	swait.ge [sflag:s4], $0x0  }
0x19: {  	s7 =	sld [smem:$0x3F9A]  }
0x1a: {  	s8 =	sadd.s32 $0xFFFFE003, lr  }
0x1b: {  	s9 =	sadd.s32 $0xFFFFFEF7, lr;
	s5 =	simm.s32 $0xFFFFFFFF;
	p2 =	slt.u32 s8, $0xFFFFF086  }
0x1c: {  	p1 =	slt.u32 s9, $0xF7A;
	s5 =	simm.s32 @!p2 $0x0  }
0x1d: {  	s5 =	simm.s32 @p1 $0x1;
	p0 =	seq.s32 s7, s2  }
0x1e: {  	s7 =	smul.u32 @!p0 $0xF7A, s2;
	p2 =	seq.s32 @!p0 s5, $0x0  }
0x1f: {  	s9 =	smul.u32 $0xF7A, s1;
	s8 =	simm.s32 @!p0 $0x1BF5;
	p2 =	por !p2, p0  }
0x20: {  	[sflag:s8] =	ssyncset.s32 @!p0 $0xFFFFF086;
	s6 =	sadd.s32 @!p0 s3, s7;
	s7 =	simm.s32 @!p0 $0x108  }
0x21: {  	s3 =	sadd.s32 s3, s9;
	s6 =	sadd.s32 @!p0 $0x88, s6;
	s7 =	simm.s32 @p2 $0x1082  }
0x22: {  	[simem:s7], [sflag:s8] =	dma.local @!p0 [hbm:s6], $0xF7A  }
0x23: {  	s9 =	sor.u32 $0xD0000000, s2;
	s6 =	simm.s32 $0x108;
	_ =	swait.ge @!p0 [sflag:s8], $0x0  }
0x24: {  	s3 =	sadd.s32 $0x88, s3;
	s6 =	simm.s32 @!p1 $0x1082;
	[sflag:s4] =	ssyncset.s32 $0xFFFFF086  }
0x25: {  	[simem:s6], [sflag:s4] =	dma.local [hbm:s3], $0xF7A  }
0x26: {  	[smem:$0x3F9A] =	sst s1;
	(tag) =	ssettag s2;
	_ =	strace s9  }
0x27: {  	s1 =	sld [smem:$0x3FAA]  }
0x28: {  	s2 =	sld [smem:$0x3FAB]  }
0x29: {  	s4 =	sld [smem:$0x3FAD]  }
0x2a: {  	p0 =	seq.s32 s5, $0x0;
	s5 =	sld [smem:$0x3FAE]  }
0x2b: {  	s6 =	sld [smem:$0x3FAF]  }
0x2c: {  	s7 =	sld [smem:$0x3FB0]  }
0x2d: {  	s3 =	simm.s32 $0x108;
	s8 =	sld [smem:$0x3FB1]  }
0x2e: {  	s3 =	simm.s32 @!p0 $0x1082;
	s9 =	sld [smem:$0x3FB2]  }
0x2f: {  	lr =	sadd.s32 s0, s3;
	s0 =	sld [smem:$0x3FA9]  }
0x30: {  	s3 =	sld [smem:$0x3FAC]  }
0x31: {  	[smem:$0x3FB5] =	sst s10  }
0x32: {  	s10 =	sld [smem:$0x3FB3];
	_ =	sdelay $0x3  }
0x33: {  	p0 =	seq.s32 s10, $0x1;
	s10 =	sld [smem:$0x3FB5];
	_ =	sdelay $0x3  }
0x34: {  	[smem:$0x3FB5] =	sst s10  }
0x35: {  	s10 =	sld [smem:$0x3FB4];
	_ =	sdelay $0x3  }
0x36: {  	p1 =	seq.s32 s10, $0x1;
	s10 =	sld [smem:$0x3FB5];
	_ =	sdelay $0x3  }
0x37: {  	[smem:$0x3FB5] =	sst s10  }
0x38: {  	s10 =	sld [smem:$0x3FB6]  }
0x39: {  	_ = 	snop;
	(pc) =	sbr.ind lr, $3  }
0x3a: {  	_ = 	snop  }
0x3b: {  	_ = 	snop  }
0x3c: {  	p2 =	seq.s32 s10, $0x1;
	s10 =	sld [smem:$0x3FB5]  }
0x3d: {  	_ =	shalt  }
0x3e: {  	_ =	shalt  }
0x3f: {  	_ =	shalt  }
0x40: {  	_ =	shalt  }
0x41: {  	_ =	shalt  }
0x42: {  	_ =	shalt  }
0x43: {  	_ =	shalt  }
0x44: {  	_ =	shalt  }
0x45: {  	_ =	shalt  }
0x46: {  	_ =	shalt  }
0x47: {  	_ =	shalt  }
0x48: {  	_ =	shalt  }
0x49: {  	_ =	shalt  }
0x4a: {  	_ =	shalt  }
0x4b: {  	_ =	shalt  }
0x4c: {  	_ =	shalt  }
0x4d: {  	_ =	shalt  }
0x4e: {  	_ =	shalt  }
0x4f: {  	_ =	shalt  }
0x50: {  	_ =	shalt  }
0x51: {  	_ =	shalt  }
0x52: {  	_ =	shalt  }
0x53: {  	_ =	shalt  }
0x54: {  	_ =	shalt  }
0x55: {  	_ =	shalt  }
0x56: {  	_ =	shalt  }
0x57: {  	_ =	shalt  }
0x58: {  	_ =	shalt  }
0x59: {  	_ =	shalt  }
0x5a: {  	_ =	shalt  }
0x5b: {  	_ =	shalt  }
0x5c: {  	_ =	shalt  }
0x5d: {  	_ =	shalt  }
0x5e: {  	_ =	shalt  }
0x5f: {  	_ =	shalt  }
0x60: {  	_ =	shalt  }
0x61: {  	_ =	shalt  }
0x62: {  	_ =	shalt  }
0x63: {  	_ =	shalt  }
0x64: {  	_ =	shalt  }
0x65: {  	_ =	shalt  }
0x66: {  	_ =	shalt  }
0x67: {  	_ =	shalt  }
0x68: {  	_ =	shalt  }
0x69: {  	_ =	shalt  }
0x6a: {  	_ =	shalt  }
0x6b: {  	_ =	shalt  }
0x6c: {  	_ =	shalt  }
0x6d: {  	_ =	shalt  }
0x6e: {  	_ =	shalt  }
0x6f: {  	_ =	shalt  }
0x70: {  	_ =	shalt  }
0x71: {  	_ =	shalt  }
0x72: {  	_ =	shalt  }
0x73: {  	_ =	shalt  }
0x74: {  	_ =	shalt  }
0x75: {  	_ =	shalt  }
0x76: {  	_ =	shalt  }
0x77: {  	_ =	shalt  }
0x78: {  	_ =	shalt  }
0x79: {  	_ =	shalt  }
0x7a: {  	_ =	shalt  }
0x7b: {  	_ =	shalt  }
0x7c: {  	_ =	shalt  }
0x7d: {  	_ =	shalt  }
0x7e: {  	_ =	shalt  }
0x7f: {  	_ =	shalt  }
0x80: {  	_ =	shalt  }
0x81: {  	_ =	shalt  }
0x82: {  	_ =	shalt  }
0x83: {  	_ =	shalt  }
0x84: {  	_ =	shalt  }
0x85: {  	_ =	shalt  }
0x86: {  	_ =	shalt  }
0x87: {  	_ =	shalt  }
.Lfunc_end0:
.L_simem_size_0:
called_computation.7_lowered:
.L_overlay_start_0:
0x88: {  	s2 =	sld [smem:$0x3FD9]  }
0x89: {  	s3 =	sld [smem:$0x3FFE];
	_ =	sdelay $0x1  }
0x8a: {  	s1 =	srdreg.scid  }
0x8b: {  	s0 =	sand.u32 $0x1, s1  }
0x8c: {  	s17 =	sshll.u32 s0, $0xA;
	s2 =	sadd.s32 s3, s2  }
0x8d: {  	s2 =	sadd.s32 s2, s17  }
0x8e: {  	[smem:$0x3FC1] =	sst s2  }
0x8f: {  	_ = 	snop  }
0x90: {  	(tm) =	ssettm $0x1  }
0x91: {  	s18 =	sld [smem:$0x3FFB];
	_ =	sdelay $0x3  }
0x92: {  	_ =	strace s18  }
0x93: {  	s2 =	sld [smem:$0x3FFC];
	_ =	sdelay $0x3  }
0x94: {  	_ =	strace s2  }
0x95: {  	s2 =	sld [smem:$0x3FFD];
	_ =	sdelay $0x3  }
0x96: {  	_ =	strace s2  }
0x97: {  	_ =	strace $0x8FFFFFFF  }
0x98: {  	s19 =	sld [smem:$0x3FDB];
	_ =	sdelay $0x1  }
0x99: {  	s20 =	simm.s32 $_scs_section_size  }
0x9a: {  	s4 =	simm.s32 $_size__tile_overlayer_lowered;
	s5 =	simm.s32 $_tile_overlayer_lowered  }
0x9b: {  	s6 =	simm.s32 $0x1BFF;
	s21 =	sshll.u32 s5, $0x1;
	s3 =	sadd.s32 s20, s19  }
0x9c: {  	s22 =	simm.s32 $0x0;
	s4 =	sshll.u32 s4, $0x1;
	s5 =	sadd.s32 s21, s3  }
0x9d: {  	[timem:s22], [sflag:s6] =	dma.local [hbm:s5], s4  }
0x9e: {  	_ =	swait.ge [sflag:s6], s4  }
0x9f: {  	s4 =	ssub.s32 $0x0, s4;
	[sflag:s6] =	ssyncset.done $0x0  }
0xa0: {  	[sflag:s6] =	ssyncadd.s32 s4;
	_ =	sdelay $0x1  }
0xa1: {  	s23 =	simm.s32 $0x1B8B  }
0xa2: {  	_ =	swait.ge [sflag:s23], $0x1  }
0xa3: {  	[sflag:s23] =	ssyncset.done $0x0  }
0xa4: {  	[sflag:s23] =	ssyncadd.s32 $0xFFFFFFFF  }
0xa5: {  	s4 =	sld [smem:$0x0]  }
0xa6: {  	s5 =	sand.u32 $0xFFFFFFFE, s1  }
0xa7: {  	p0 =	sne.s32 s1, s5  }
0xa8: {  	s5 =	sshll.u32 @p0 s5, $0xE  }
0xa9: {  	s5 =	sadd.s32 @p0 $0x11B8D, s5;
	s6 =	sshll.u32 @p0 s4, $0x11  }
0xaa: {  	s5 =	sor.u32 @p0 s6, s5  }
0xab: {  	[sflag:s5] =	ssyncadd.remote.s32 @p0 $0x1;
	_ =	sdelay $0x1  }
0xac: {  	s5 =	simm.s32 @p0 $0x1B8D  }
0xad: {  	_ =	swait.eq @p0 [sflag:s5], $0x1  }
0xae: {  	[sflag:s5] =	ssyncadd.s32 @p0 $0xFFFFFFFF  }
0xaf: {  	s6 =	sshll.u32 @!p0 s1, $0xE  }
0xb0: {  	s6 =	sor.u32 @!p0 $0x4000, s6;
	s5 =	simm.s32 @!p0 $0x1B8D  }
0xb1: {  	s4 =	sshll.u32 @!p0 s4, $0x11;
	s6 =	sadd.s32 @!p0 $0x11B8D, s6;
	_ =	swait.eq @!p0 [sflag:s5], $0x1  }
0xb2: {  	s4 =	sor.u32 @!p0 s4, s6;
	[sflag:s5] =	ssyncadd.s32 @!p0 $0xFFFFFFFF  }
0xb3: {  	s25 =	simm.s32 $0x1B8E;
	s24 =	sld [smem:$0x3FFE];
	[sflag:s4] =	ssyncadd.remote.s32 @!p0 $0x1  }
0xb4: {  	s26 =	simm.s32 $execute0_lowered;
	[smem:$0x3FD2] =	sst s25  }
0xb5: {  	s5 =	sshll.u32 s26, $0x1;
	_ =	strace $0x80000058;
	[dreg:$0x1] =	wrdreg $0xFFFFFFFF  }
0xb6: {  	s28 =	simm.s32 $_size_execute0_lowered;
	s3 =	sadd.s32 s3, s5;
	[dreg:$0x0] =	wrdreg $0x0  }
0xb7: {  	s5 =	sshll.u32 s28, $0x1;
	[dreg:$0x2] =	wrdreg s3  }
0xb8: {  	[dreg:$0x3] =	wrdreg s5  }
0xb9: {  	[dreg:$0x4] =	wrdreg $0xC0  }
0xba: {  	_ =	task [dreg:s22], $0x5FFFF  }
0xbb: {  	[dreg:$0x1] =	wrdreg $0xFFFFFFFF  }
0xbc: {  	[dreg:$0x0] =	wrdreg $0x60  }
0xbd: {  	[dreg:$0x2] =	wrdreg s24  }
0xbe: {  	[dreg:$0x3] =	wrdreg $0xC  }
0xbf: {  	_ =	task.clear_ibuf [dreg:s22], $0x4FFFF;
	_ =	strace $0x90000058  }
0xc0: {  	s29 =	simm.s32 $0xC;
	_ =	strace $0x8000005A  }
0xc1: {  	_ =	swait.ge [sflag:s29], $0x1  }
0xc2: {  	[sflag:s29] =	ssyncadd.s32 $0xFFFFFFFF  }
0xc3: {  	_ =	strace $0x9000005A  }
0xc4: {  	_ =	sfence  }
0xc5: {  	s30 =	sld [smem:$0x0];
	_ =	sdelay $0x2  }
0xc6: {  	s31 =	sshll.u32 s1, $0xD;
	s1 =	sshrl.u32 s1, $0x2  }
0xc7: {  	s4 =	sand.u32 $0x4000, s31;
	s1 =	sadd.s32 s1, s30  }
0xc8: {  	s0 =	sor.u32 s4, s0;
	s1 =	sshll.u32 s1, $0x11  }
0xc9: {  	s0 =	sor.u32 s1, s0  }
0xca: {  	s0 =	sadd.s32 $0x8F2B, s0  }
0xcb: {  	[sflag:s0] =	ssyncadd.remote.s32 $0x1  }
0xcc: {  	_ =	sfence.sel $0xFFFF  }
0xcd: {  	[dreg:$0x0] =	wrdreg $0xFFFFFFFF;
	(pc) =	sbr.abs _section_cstart, $3  }
0xce: {  	[dreg:$0x1] =	wrdreg $0xFFFFFFFF  }
0xcf: {  	_ =	task.clear_ibuf [dreg:s22], $0x2FFFF;
	_ =	strace $0x9FFFFFFF  }
0xd0: {  	(tm) =	ssettm $0x7FFFFFFF  }
0xd1: {  	_ =	shalt  }
tec
execute0_lowered:
.L_overlay_start_1:
0x0: {  	(tag) =	ssettag $0x1  }
0x1: {  	s3 =	rddreg [dreg:$0x0];
	s2 =	srdreg.scid  }
0x2: {  	s0 =	rddreg [dreg:$0x1];
	s1 =	stileid.u32  }
0x3: {  	s9 =	simm.s32 $0x1;
	s10 =	simm.s32 $0x0;
	s4 =	sand.u32 $0x1, s2  }
0x4: {  	s2 =	simm.s32 $0x0;
	s5 =	sshll.u32 s1, $0xB;
	s30 =	sshll.u32 s1, $0xF  }
0x5: {  	s6 =	sshll.u32 s4, $0xA;
	[smem:$0x7FF] =	sst s2;
	s29 =	ssub.s32 $0x2, s4  }
0x6: {  	s31 =	sshll.u32 s4, $0xE;
	s5 =	sor.u32 s6, s5;
	s8 =	sshrl.u32 s29, $0x1  }
0x7: {  	_ =	strace $0x80000059;
	s5 =	sshrl.u32 s5, $0x3;
	s6 =	ssub.s32 s29, s8  }
0x8: {  	s8 =	simm.s32 $0x80;
	s7 =	sadd.s32 s5, s3;
	s5 =	sadd.s32 s30, s3  }
0x9: {  	s3 =	sadd.s32 $0x284A00, s3;
	s4 =	smax.u32 s6, $0x1;
	s5 =	sadd.s32 s31, s5  }
0xa: {  	s6 =	sadd.s32 $0x102A00, s7;
	s7 =	simm.s32 $0x2;
	s5 =	sadd.s32 $0x204A00, s5  }
.LBB2_1:
0xb: {  	s11 =	sadd.s32 $0x0, s6  }
0xc: {  	[tilespmem:s2], [sflag:$0x2] =	stream.linear.gather [hbm4b:s11+s2], $0x80, $0x38;
	[tilespmem:$0x4080] =	vst v63  }
0xd: {  	_ =	swait.ge [sflag:s7], $0x80  }
0xe: {  	[sflag:s7] =	ssyncset.done $0x0  }
0xf: {  	[sflag:s7] =	ssyncadd.s32 $0xFFFFFF80  }
0x10: {  	[tilespmem:s8], [sflag:$0x2] =	stream.linear.gather [hbm4b:s5+s2], $0x4000, $0x38;
	[tilespmem:$0x4080] =	vst v63  }
0x11: {  	_ =	swait.ge [sflag:s7], $0x4000  }
0x12: {  	[sflag:s7] =	ssyncset.done $0x0  }
0x13: {  	[sflag:s7] =	ssyncadd.s32 $0xFFFFC000  }
0x14: {  	[hbm4b:s3+s8] =	stream.indirect.scatter [tilespmem:s8], [sflag:$0x1], $0x80, s2, s8, $0xb8;
	[tilespmem:$0x4080] =	vst v63  }
0x15: {  	s12 =	simm.s32 $0x10;
	_ =	swait.ge [sflag:s9], $0x4000  }
0x16: {  	s13 =	simm.s32 $0x20;
	s11 =	sadd.s32 $0x800, s5;
	[sflag:s9] =	ssyncset.done $0x0  }
.LBB2_2:
0x17: {  	s14 =	sadd.s32 s12, s6  }
0x18: {  	[sflag:s9] =	ssyncadd.s32 $0xFFFFC000;
	s12 =	smov.u32 s13;
	s15 =	sadd.s32 $0x10, s13  }
0x19: {  	[tilespmem:s2], [sflag:$0x2] =	stream.linear.gather [hbm4b:s14+s2], $0x80, $0x38;
	[tilespmem:$0x4080] =	vst v63  }
0x1a: {  	p0 =	sne.s32 s13, $0x70;
	_ =	swait.ge [sflag:s7], $0x80  }
0x1b: {  	[sflag:s7] =	ssyncset.done $0x0  }
0x1c: {  	[sflag:s7] =	ssyncadd.s32 $0xFFFFFF80  }
0x1d: {  	[tilespmem:s8], [sflag:$0x2] =	stream.linear.gather [hbm4b:s11+s2], $0x4000, $0x38;
	[tilespmem:$0x4080] =	vst v63  }
0x1e: {  	_ =	swait.ge [sflag:s7], $0x4000  }
.Ltmp0:
0x1f: {  	[sflag:s7] =	ssyncset.done $0x0;
	(pc) =	sbr.rel @p0 .LBB2_2-.Ltmp0, $4  }
0x20: {  	[sflag:s7] =	ssyncadd.s32 $0xFFFFC000  }
0x21: {  	[hbm4b:s3+s8] =	stream.indirect.scatter [tilespmem:s8], [sflag:$0x1], $0x80, s2, s8, $0xb8;
	[tilespmem:$0x4080] =	vst v63  }
0x22: {  	_ =	swait.ge [sflag:s9], $0x4000  }
0x23: {  	s13 =	smov.u32 s15;
	s11 =	sadd.s32 $0x800, s11;
	[sflag:s9] =	ssyncset.done $0x0  }
0x24: {  	s12 =	sadd.s32 s12, s6;
	[sflag:s9] =	ssyncadd.s32 $0xFFFFC000  }
0x25: {  	[tilespmem:s2], [sflag:$0x2] =	stream.linear.gather [hbm4b:s12+s2], $0x80, $0x38;
	[tilespmem:$0x4080] =	vst v63  }
0x26: {  	_ =	swait.ge [sflag:s7], $0x80  }
0x27: {  	[sflag:s7] =	ssyncset.done $0x0  }
0x28: {  	[sflag:s7] =	ssyncadd.s32 $0xFFFFFF80  }
0x29: {  	[tilespmem:s8], [sflag:$0x2] =	stream.linear.gather [hbm4b:s11+s2], $0x4000, $0x38;
	[tilespmem:$0x4080] =	vst v63  }
0x2a: {  	s10 =	sadd.s32 $0x1, s10;
	_ =	swait.ge [sflag:s7], $0x4000  }
0x2b: {  	p0 =	sne.s32 s10, s4;
	[sflag:s7] =	ssyncset.done $0x0  }
.Ltmp1:
0x2c: {  	[sflag:s7] =	ssyncadd.s32 $0xFFFFC000;
	(pc) =	sbr.rel @p0 .LBB2_1-.Ltmp1, $4  }
0x2d: {  	[hbm4b:s3+s8] =	stream.indirect.scatter [tilespmem:s8], [sflag:$0x1], $0x80, s2, s8, $0xb8;
	[tilespmem:$0x4080] =	vst v63  }
0x2e: {  	_ =	swait.ge [sflag:s9], $0x4000  }
0x2f: {  	[sflag:s9] =	ssyncset.done $0x0  }
0x30: {  	[sflag:s9] =	ssyncadd.s32 $0xFFFFC000  }
0x31: {  	_ =	sfence.sel $0x180000  }
0x32: {  	[bflag:$0x0] =	sbarrier.arrive $0xFFFF  }
0x33: {  	p0 =	sne.s32 s1, $0x0;
	_ =	strace $0x90000059  }
0x34: {  	s0 =	sadd.s32 @!p0 $0x100000, s0;
	[bflag:$0x2] =	sbarrier.arrive $0xFFFF  }
0x35: {  	[sflag:s0] =	ssyncadd.tile.s32 @!p0 $0x1;
	_ =	shalt  }
.Lfunc_end2:
_tile_overlayer_lowered:
.L_overlay_start_2:
0x36: {  	(tag) =	ssettag $0x2  }
0x37: {  	s0 =	rddreg [dreg:$0x0];
	s2 =	stileid.u32  }
0x38: {  	s1 =	rddreg [dreg:$0x1];
	p0 =	sne.s32 s2, $0x0  }
0x39: {  	s3 =	rddreg [dreg:$0x2];
	[bflag:$0x3] =	sbarrier.arrive $0xFFFF;
	s2 =	simm.s32 @!p0 $0x1C02  }
0x3a: {  	[timem:s3], [sflag:s2] =	dma.local @!p0 [hbm:s0], s1  }
0x3b: {  	s0 =	simm.s32 @!p0 $0x2  }
0x3c: {  	_ =	swait.ge @!p0 [sflag:s0], s1  }
0x3d: {  	s1 =	ssub.s32 @!p0 $0x0, s1;
	[sflag:s0] =	ssyncset.done @!p0 $0x0  }
0x3e: {  	[sflag:s0] =	ssyncadd.s32 @!p0 s1  }
0x3f: {  	[bflag:$0x3] =	sbarrier.arrive $0xFFFF  }
0x40: {  	_ =	shalt  }

</sc_bundles>
